<compile_context>
chip_gen: v7x
topology: tpu7x:2x2x1
jax: 0.10.2.dev20260603
libtpu: 0.0.44.dev20260713+nightly
codegen_flags: <defaults>
</compile_context>

<pallas_src>
import functools

import jax
import jax.numpy as jnp
from jax import lax
from jax.experimental import pallas as pl
from jax.experimental.pallas import tpu as pltpu
from jax.experimental.pallas import tpu_sc as plsc

EMBED = 64
BEMBED = EMBED // 4
B = 16384
L = 50
N = B * L
LPAD = 56
EPAD = 128

LANES = 16
NC, NS = 2, 16
NW = NC * NS
B_PER_W = B // NW
CHUNK_B = 8
CHUNK = CHUNK_B * L
NCHUNK = B_PER_W // CHUNK_B
NPAIR = NCHUNK // 2
GD = [(0, 128), (128, 128), (256, 128), (384, 16)]


def _sc_body(ids_hbm, bids_hbm, table_hbm, btab_hbm, w_hbm, out_hbm,
             idx0, idx1, bidx0, bidx1, rows0, rows1, brows0, brows1, w_v,
             gsem0, gsem1, osem0, osem1, isem0, isem1):
    c = lax.axis_index("c")
    s = lax.axis_index("s")
    wid = s * NC + c
    flat0 = wid * B_PER_W * L
    b0 = wid * B_PER_W

    pltpu.sync_copy(w_hbm, w_v)
    wvec = w_v[:]

    idx = (idx0, idx1)
    bidx = (bidx0, bidx1)
    rows = (rows0, rows1)
    brows = (brows0, brows1)
    gsem = (gsem0, gsem1)
    osem = (osem0, osem1)
    isem = (isem0, isem1)

    def stage(n, b):
        base = flat0 + n * CHUNK
        pltpu.async_copy(ids_hbm.at[pl.ds(base, CHUNK)], idx[b], isem[b])
        pltpu.async_copy(bids_hbm.at[pl.ds(base, CHUNK)], bidx[b], isem[b])

    def fire(n, b):
        base = flat0 + n * CHUNK
        pltpu.make_async_copy(ids_hbm.at[pl.ds(base, CHUNK)], idx[b],
                              isem[b]).wait()
        pltpu.make_async_copy(bids_hbm.at[pl.ds(base, CHUNK)], bidx[b],
                              isem[b]).wait()
        for off, cnt in GD:
            pltpu.async_copy(table_hbm.at[idx[b].at[pl.ds(off, cnt)]],
                             rows[b].at[pl.ds(off, cnt)], gsem[b])
            pltpu.async_copy(btab_hbm.at[bidx[b].at[pl.ds(off, cnt)]],
                             brows[b].at[pl.ds(off, cnt)], gsem[b])

    def drain_gather(b):
        for off, cnt in GD:
            pltpu.make_async_copy(table_hbm.at[idx[b].at[pl.ds(off, cnt)]],
                                  rows[b].at[pl.ds(off, cnt)],
                                  gsem[b]).wait()
            pltpu.make_async_copy(btab_hbm.at[bidx[b].at[pl.ds(off, cnt)]],
                                  brows[b].at[pl.ds(off, cnt)],
                                  gsem[b]).wait()

    def wait_out(b):
        for k in range(CHUNK_B):
            pltpu.make_async_copy(
                rows[b].at[pl.ds(k * L, L)],
                out_hbm.at[b0 + k, pl.ds(0, L), pl.ds(0, EMBED)],
                osem[b]).wait()

    def compute_and_emit(n, b):
        drain_gather(b)

        @pl.when(n + 2 < NCHUNK)
        def _():
            stage(n + 2, b)

        def add_body(i, acc):
            bv = brows[b][i, :]
            plsc.addupdate(rows[b].at[i, pl.ds(0, BEMBED)], wvec * bv)
            return acc

        lax.fori_loop(0, CHUNK, add_body, 0, unroll=8)
        bb = b0 + n * CHUNK_B
        for k in range(CHUNK_B):
            pltpu.async_copy(
                rows[b].at[pl.ds(k * L, L)],
                out_hbm.at[bb + k, pl.ds(0, L), pl.ds(0, EMBED)],
                osem[b])

    stage(0, 0)
    stage(1, 1)
    fire(0, 0)

    def pair_body(pg, carry):
        n0 = 2 * pg
        @pl.when(pg >= 1)
        def _():
            wait_out(1)

        fire(n0 + 1, 1)
        compute_and_emit(n0, 0)

        @pl.when(pg < NPAIR - 1)
        def _():
            wait_out(0)
            fire(n0 + 2, 0)

        compute_and_emit(n0 + 1, 1)
        return carry

    lax.fori_loop(0, NPAIR, pair_body, 0)
    wait_out(0)
    wait_out(1)


@functools.partial(jax.jit, donate_argnums=())
def kernel(input_ids, business_mask, table, business_table, context_weight):
    ids = input_ids.reshape(N)
    bids = business_mask.reshape(N)
    wvec = jnp.broadcast_to(context_weight.astype(jnp.float32), (LANES,))

    run = pl.kernel(
        _sc_body,
        out_type=jax.ShapeDtypeStruct((B, LPAD, EPAD), jnp.float32),
        mesh=plsc.VectorSubcoreMesh(core_axis_name="c", subcore_axis_name="s"),
        scratch_types=[
            pltpu.VMEM((CHUNK,), jnp.int32),
            pltpu.VMEM((CHUNK,), jnp.int32),
            pltpu.VMEM((CHUNK,), jnp.int32),
            pltpu.VMEM((CHUNK,), jnp.int32),
            pltpu.VMEM((CHUNK, EMBED), jnp.float32),
            pltpu.VMEM((CHUNK, EMBED), jnp.float32),
            pltpu.VMEM((CHUNK, BEMBED), jnp.float32),
            pltpu.VMEM((CHUNK, BEMBED), jnp.float32),
            pltpu.VMEM((LANES,), jnp.float32),
            pltpu.SemaphoreType.DMA,
            pltpu.SemaphoreType.DMA,
            pltpu.SemaphoreType.DMA,
            pltpu.SemaphoreType.DMA,
            pltpu.SemaphoreType.DMA,
            pltpu.SemaphoreType.DMA,
        ],
        compiler_params=pltpu.CompilerParams(use_tc_tiling_on_sc=False),
    )
    out = run(ids, bids, table, business_table, wvec)
    return out[:, :L, :EMBED]

# --- scband reference (transcript-rebuilt; emitter-appended) ---
"""Pipeline reference for scband-business-context-embedding-60730837565482 (READ-ONLY COPY).

The authoritative reference and input builder live on the scoring server;
editing this copy changes nothing except your own understanding.
"""

import jax, jax.numpy as jnp
import numpy as np

VOCAB = 1000000
EMBED = 64
BVOCAB = 1000
BEMBED = EMBED // 4
B = 16384
L = 50


def setup_inputs(seed: int = 0) -> dict:
    key = jax.random.key(seed)
    k1, k2, k3, k4 = jax.random.split(key, 4)
    input_ids = jax.random.randint(k1, (B, L), 0, VOCAB, dtype=jnp.int32)
    business_mask = jax.random.randint(k2, (B, L), 0, BVOCAB, dtype=jnp.int32)
    table = jax.random.normal(k3, (VOCAB, EMBED), dtype=jnp.float32)
    # nn.Embedding with padding_idx=0 initializes that row to zeros
    table = table.at[0].set(0.0)
    business_table = jax.random.normal(k4, (BVOCAB, BEMBED), dtype=jnp.float32)
    context_weight = jnp.asarray(0.1, dtype=jnp.float32)
    return {
        "input_ids": input_ids,
        "business_mask": business_mask,
        "table": table,
        "business_table": business_table,
        "context_weight": context_weight,
    }


def reference(input_ids, business_mask, table, business_table, context_weight):
    # embeddings = self.embedding(input_ids)
    embeddings = jnp.take(table, input_ids, axis=0)  # [B, L, EMBED]
    # business_embeddings = self.business_embedding(business_mask)
    business_embeddings = jnp.take(business_table, business_mask, axis=0)  # [B, L, EMBED//4]
    # F.pad(business_embeddings, (0, embed_dim - embed_dim // 4)) pads last dim on the right
    business_embeddings = jnp.pad(
        business_embeddings, ((0, 0), (0, 0), (0, EMBED - BEMBED))
    )
    embeddings = embeddings + context_weight * business_embeddings
    return embeddings

if __name__ == "__main__":
    import jax
    _d = setup_inputs()
    print(jax.jit(kernel)(*tuple(_d.values())))

</pallas_src>

<mosaic_0001>
#map = affine_map<(d0, d1) -> (0)>
#map1 = affine_map<(d0, d1) -> (0, 0)>
#map2 = affine_map<(d0, d1) -> (0, 0, 0)>
module attributes {stable_mosaic.version = 14 : i64} {
  func.func @_sc_body(%arg0: i32, %arg1: i32, %arg2: memref<819200xi32, #tpu.memory_space<hbm>>, %arg3: memref<819200xi32, #tpu.memory_space<hbm>>, %arg4: memref<1000000x64xf32, #tpu.memory_space<hbm>>, %arg5: memref<1000x16xf32, #tpu.memory_space<hbm>>, %arg6: memref<16xf32, #tpu.memory_space<hbm>>, %arg7: memref<16384x56x128xf32, #tpu.memory_space<hbm>>, %arg8: memref<400xi32, #tpu.memory_space<vmem>>, %arg9: memref<400xi32, #tpu.memory_space<vmem>>, %arg10: memref<400xi32, #tpu.memory_space<vmem>>, %arg11: memref<400xi32, #tpu.memory_space<vmem>>, %arg12: memref<400x64xf32, #tpu.memory_space<vmem>>, %arg13: memref<400x64xf32, #tpu.memory_space<vmem>>, %arg14: memref<400x16xf32, #tpu.memory_space<vmem>>, %arg15: memref<400x16xf32, #tpu.memory_space<vmem>>, %arg16: memref<16xf32, #tpu.memory_space<vmem>>, %arg17: memref<!tpu.dma_semaphore, #tpu.memory_space<semaphore_mem>>, %arg18: memref<!tpu.dma_semaphore, #tpu.memory_space<semaphore_mem>>, %arg19: memref<!tpu.dma_semaphore, #tpu.memory_space<semaphore_mem>>, %arg20: memref<!tpu.dma_semaphore, #tpu.memory_space<semaphore_mem>>, %arg21: memref<!tpu.dma_semaphore, #tpu.memory_space<semaphore_mem>>, %arg22: memref<!tpu.dma_semaphore, #tpu.memory_space<semaphore_mem>>) attributes {dimension_semantics = [#tpu.dimension_semantics<core_parallel>, #tpu.dimension_semantics<subcore_parallel>], iteration_bounds = array<i64: 2, 16>, scalar_prefetch = 0 : i64, scratch_operands = 15 : i64, tpu.core_type = #tpu.core_type<sc_vector_subcore>, window_params = [{transform_indices = #map}, {transform_indices = #map}, {transform_indices = #map1}, {transform_indices = #map1}, {transform_indices = #map}, {transform_indices = #map2}]} {
    %mul3A = arith.constant 2 : i32
    %mul3A_0 = arith.muli %arg1, %mul3A : i32
    %add3A = arith.addi %mul3A_0, %arg0 : i32
    %mul3A_1 = arith.constant 512 : i32
    %mul3A_2 = arith.muli %add3A, %mul3A_1 : i32
    %mul3A_3 = arith.constant 50 : i32
    %mul3A_4 = arith.muli %mul3A_2, %mul3A_3 : i32
    %mul3A_5 = arith.constant 512 : i32
    %mul3A_6 = arith.muli %add3A, %mul3A_5 : i32
    "tpu.region"() ({
      %run_scoped3A = tpu.sem_alloc : memref<!tpu.dma_semaphore, #tpu.memory_space<semaphore_mem>>
      tpu.enqueue_dma source(%arg6 : memref<16xf32, #tpu.memory_space<hbm>>) target(%arg16 : memref<16xf32, #tpu.memory_space<vmem>>) target_semaphore(%run_scoped3A : memref<!tpu.dma_semaphore, #tpu.memory_space<semaphore_mem>>)
      tpu.wait_dma2 semaphore(%run_scoped3A : memref<!tpu.dma_semaphore, #tpu.memory_space<semaphore_mem>>) src(%arg6 : memref<16xf32, #tpu.memory_space<hbm>>) dst(%arg16 : memref<16xf32, #tpu.memory_space<vmem>>)
      tpu.yield
    }) : () -> ()
    %get3A = arith.constant 0 : index
    %get3A_7 = tpu.vector_load %arg16[%get3A] {strides = array<i32>} : memref<16xf32, #tpu.memory_space<vmem>>, vector<16xf32>,
    %get3A_8 = vector.shape_cast %get3A_7 : vector<16xf32> to vector<16xf32>
    %add3A_9 = arith.constant 0 : i32
    %add3A_10 = arith.addi %mul3A_4, %add3A_9 : i32
    %dma_start3A = tpu.memref_slice %arg2[%add3A_10] : memref<819200xi32, #tpu.memory_space<hbm>> -> memref<400xi32, #tpu.memory_space<hbm>>
    %dma_start3A_11 = tpu.memref_slice %arg2[%add3A_10] : memref<819200xi32, #tpu.memory_space<hbm>> -> memref<400xi32, #tpu.memory_space<hbm>>
    tpu.enqueue_dma source(%dma_start3A_11 : memref<400xi32, #tpu.memory_space<hbm>>) target(%arg8 : memref<400xi32, #tpu.memory_space<vmem>>) target_semaphore(%arg21 : memref<!tpu.dma_semaphore, #tpu.memory_space<semaphore_mem>>)
    %dma_start3A_12 = tpu.memref_slice %arg3[%add3A_10] : memref<819200xi32, #tpu.memory_space<hbm>> -> memref<400xi32, #tpu.memory_space<hbm>>
    %dma_start3A_13 = tpu.memref_slice %arg3[%add3A_10] : memref<819200xi32, #tpu.memory_space<hbm>> -> memref<400xi32, #tpu.memory_space<hbm>>
    tpu.enqueue_dma source(%dma_start3A_13 : memref<400xi32, #tpu.memory_space<hbm>>) target(%arg10 : memref<400xi32, #tpu.memory_space<vmem>>) target_semaphore(%arg21 : memref<!tpu.dma_semaphore, #tpu.memory_space<semaphore_mem>>)
    %add3A_14 = arith.constant 400 : i32
    %add3A_15 = arith.addi %mul3A_4, %add3A_14 : i32
    %dma_start3A_16 = tpu.memref_slice %arg2[%add3A_15] : memref<819200xi32, #tpu.memory_space<hbm>> -> memref<400xi32, #tpu.memory_space<hbm>>
    %dma_start3A_17 = tpu.memref_slice %arg2[%add3A_15] : memref<819200xi32, #tpu.memory_space<hbm>> -> memref<400xi32, #tpu.memory_space<hbm>>
    tpu.enqueue_dma source(%dma_start3A_17 : memref<400xi32, #tpu.memory_space<hbm>>) target(%arg9 : memref<400xi32, #tpu.memory_space<vmem>>) target_semaphore(%arg22 : memref<!tpu.dma_semaphore, #tpu.memory_space<semaphore_mem>>)
    %dma_start3A_18 = tpu.memref_slice %arg3[%add3A_15] : memref<819200xi32, #tpu.memory_space<hbm>> -> memref<400xi32, #tpu.memory_space<hbm>>
    %dma_start3A_19 = tpu.memref_slice %arg3[%add3A_15] : memref<819200xi32, #tpu.memory_space<hbm>> -> memref<400xi32, #tpu.memory_space<hbm>>
    tpu.enqueue_dma source(%dma_start3A_19 : memref<400xi32, #tpu.memory_space<hbm>>) target(%arg11 : memref<400xi32, #tpu.memory_space<vmem>>) target_semaphore(%arg22 : memref<!tpu.dma_semaphore, #tpu.memory_space<semaphore_mem>>)
    %add3A_20 = arith.constant 0 : i32
    %add3A_21 = arith.addi %mul3A_4, %add3A_20 : i32
    %dma_wait3A = tpu.memref_slice %arg2[%add3A_21] : memref<819200xi32, #tpu.memory_space<hbm>> -> memref<400xi32, #tpu.memory_space<hbm>>
    %dma_wait3A_22 = tpu.memref_slice %arg2[%add3A_21] : memref<819200xi32, #tpu.memory_space<hbm>> -> memref<400xi32, #tpu.memory_space<hbm>>
    tpu.wait_dma2 semaphore(%arg21 : memref<!tpu.dma_semaphore, #tpu.memory_space<semaphore_mem>>) src(%dma_wait3A_22 : memref<400xi32, #tpu.memory_space<hbm>>) dst(%arg8 : memref<400xi32, #tpu.memory_space<vmem>>)
    %dma_wait3A_23 = tpu.memref_slice %arg3[%add3A_21] : memref<819200xi32, #tpu.memory_space<hbm>> -> memref<400xi32, #tpu.memory_space<hbm>>
    %dma_wait3A_24 = tpu.memref_slice %arg3[%add3A_21] : memref<819200xi32, #tpu.memory_space<hbm>> -> memref<400xi32, #tpu.memory_space<hbm>>
    tpu.wait_dma2 semaphore(%arg21 : memref<!tpu.dma_semaphore, #tpu.memory_space<semaphore_mem>>) src(%dma_wait3A_24 : memref<400xi32, #tpu.memory_space<hbm>>) dst(%arg10 : memref<400xi32, #tpu.memory_space<vmem>>)
    %dma_start3A_25 = arith.constant 0 : i32
    %dma_start3A_26 = arith.constant 0 : i32
    %dma_start3A_27 = tpu.memref_slice %arg12[%dma_start3A_25, %dma_start3A_26] : memref<400x64xf32, #tpu.memory_space<vmem>> -> memref<128x64xf32, #tpu.memory_space<vmem>>
    %dma_start3A_28 = arith.constant 0 : i32
    %dma_start3A_29 = tpu.memref_slice %arg8[%dma_start3A_28] : memref<400xi32, #tpu.memory_space<vmem>> -> memref<128xi32, #tpu.memory_space<vmem>>
    %dma_start3A_30 = arith.constant 0 : i32
    %dma_start3A_31 = arith.constant 0 : i32
    %dma_start3A_32 = tpu.memref_slice %arg4[%dma_start3A_30, %dma_start3A_31] : memref<1000000x64xf32, #tpu.memory_space<hbm>> -> memref<1000000x64xf32, #tpu.memory_space<hbm>>
    tpu.enqueue_indirect_dma source(%dma_start3A_32 : memref<1000000x64xf32, #tpu.memory_space<hbm>>) target(%dma_start3A_27 : memref<128x64xf32, #tpu.memory_space<vmem>>) offsets(%dma_start3A_29 : memref<128xi32, #tpu.memory_space<vmem>>) semaphore(%arg17 : memref<!tpu.dma_semaphore, #tpu.memory_space<semaphore_mem>>)
    %dma_start3A_33 = arith.constant 0 : i32
    %dma_start3A_34 = arith.constant 0 : i32
    %dma_start3A_35 = tpu.memref_slice %arg14[%dma_start3A_33, %dma_start3A_34] : memref<400x16xf32, #tpu.memory_space<vmem>> -> memref<128x16xf32, #tpu.memory_space<vmem>>
    %dma_start3A_36 = arith.constant 0 : i32
    %dma_start3A_37 = tpu.memref_slice %arg10[%dma_start3A_36] : memref<400xi32, #tpu.memory_space<vmem>> -> memref<128xi32, #tpu.memory_space<vmem>>
    %dma_start3A_38 = arith.constant 0 : i32
    %dma_start3A_39 = arith.constant 0 : i32
    %dma_start3A_40 = tpu.memref_slice %arg5[%dma_start3A_38, %dma_start3A_39] : memref<1000x16xf32, #tpu.memory_space<hbm>> -> memref<1000x16xf32, #tpu.memory_space<hbm>>
    tpu.enqueue_indirect_dma source(%dma_start3A_40 : memref<1000x16xf32, #tpu.memory_space<hbm>>) target(%dma_start3A_35 : memref<128x16xf32, #tpu.memory_space<vmem>>) offsets(%dma_start3A_37 : memref<128xi32, #tpu.memory_space<vmem>>) semaphore(%arg17 : memref<!tpu.dma_semaphore, #tpu.memory_space<semaphore_mem>>)
    %dma_start3A_41 = arith.constant 128 : i32
    %dma_start3A_42 = arith.constant 0 : i32
    %dma_start3A_43 = tpu.memref_slice %arg12[%dma_start3A_41, %dma_start3A_42] : memref<400x64xf32, #tpu.memory_space<vmem>> -> memref<128x64xf32, #tpu.memory_space<vmem>>
    %dma_start3A_44 = arith.constant 128 : i32
    %dma_start3A_45 = tpu.memref_slice %arg8[%dma_start3A_44] : memref<400xi32, #tpu.memory_space<vmem>> -> memref<128xi32, #tpu.memory_space<vmem>>
    %dma_start3A_46 = arith.constant 0 : i32
    %dma_start3A_47 = arith.constant 0 : i32
    %dma_start3A_48 = tpu.memref_slice %arg4[%dma_start3A_46, %dma_start3A_47] : memref<1000000x64xf32, #tpu.memory_space<hbm>> -> memref<1000000x64xf32, #tpu.memory_space<hbm>>
    tpu.enqueue_indirect_dma source(%dma_start3A_48 : memref<1000000x64xf32, #tpu.memory_space<hbm>>) target(%dma_start3A_43 : memref<128x64xf32, #tpu.memory_space<vmem>>) offsets(%dma_start3A_45 : memref<128xi32, #tpu.memory_space<vmem>>) semaphore(%arg17 : memref<!tpu.dma_semaphore, #tpu.memory_space<semaphore_mem>>)
    %dma_start3A_49 = arith.constant 128 : i32
    %dma_start3A_50 = arith.constant 0 : i32
    %dma_start3A_51 = tpu.memref_slice %arg14[%dma_start3A_49, %dma_start3A_50] : memref<400x16xf32, #tpu.memory_space<vmem>> -> memref<128x16xf32, #tpu.memory_space<vmem>>
    %dma_start3A_52 = arith.constant 128 : i32
    %dma_start3A_53 = tpu.memref_slice %arg10[%dma_start3A_52] : memref<400xi32, #tpu.memory_space<vmem>> -> memref<128xi32, #tpu.memory_space<vmem>>
    %dma_start3A_54 = arith.constant 0 : i32
    %dma_start3A_55 = arith.constant 0 : i32
    %dma_start3A_56 = tpu.memref_slice %arg5[%dma_start3A_54, %dma_start3A_55] : memref<1000x16xf32, #tpu.memory_space<hbm>> -> memref<1000x16xf32, #tpu.memory_space<hbm>>
    tpu.enqueue_indirect_dma source(%dma_start3A_56 : memref<1000x16xf32, #tpu.memory_space<hbm>>) target(%dma_start3A_51 : memref<128x16xf32, #tpu.memory_space<vmem>>) offsets(%dma_start3A_53 : memref<128xi32, #tpu.memory_space<vmem>>) semaphore(%arg17 : memref<!tpu.dma_semaphore, #tpu.memory_space<semaphore_mem>>)
    %dma_start3A_57 = arith.constant 256 : i32
    %dma_start3A_58 = arith.constant 0 : i32
    %dma_start3A_59 = tpu.memref_slice %arg12[%dma_start3A_57, %dma_start3A_58] : memref<400x64xf32, #tpu.memory_space<vmem>> -> memref<128x64xf32, #tpu.memory_space<vmem>>
    %dma_start3A_60 = arith.constant 256 : i32
    %dma_start3A_61 = tpu.memref_slice %arg8[%dma_start3A_60] : memref<400xi32, #tpu.memory_space<vmem>> -> memref<128xi32, #tpu.memory_space<vmem>>
    %dma_start3A_62 = arith.constant 0 : i32
    %dma_start3A_63 = arith.constant 0 : i32
    %dma_start3A_64 = tpu.memref_slice %arg4[%dma_start3A_62, %dma_start3A_63] : memref<1000000x64xf32, #tpu.memory_space<hbm>> -> memref<1000000x64xf32, #tpu.memory_space<hbm>>
    tpu.enqueue_indirect_dma source(%dma_start3A_64 : memref<1000000x64xf32, #tpu.memory_space<hbm>>) target(%dma_start3A_59 : memref<128x64xf32, #tpu.memory_space<vmem>>) offsets(%dma_start3A_61 : memref<128xi32, #tpu.memory_space<vmem>>) semaphore(%arg17 : memref<!tpu.dma_semaphore, #tpu.memory_space<semaphore_mem>>)
    %dma_start3A_65 = arith.constant 256 : i32
    %dma_start3A_66 = arith.constant 0 : i32
    %dma_start3A_67 = tpu.memref_slice %arg14[%dma_start3A_65, %dma_start3A_66] : memref<400x16xf32, #tpu.memory_space<vmem>> -> memref<128x16xf32, #tpu.memory_space<vmem>>
    %dma_start3A_68 = arith.constant 256 : i32
    %dma_start3A_69 = tpu.memref_slice %arg10[%dma_start3A_68] : memref<400xi32, #tpu.memory_space<vmem>> -> memref<128xi32, #tpu.memory_space<vmem>>
    %dma_start3A_70 = arith.constant 0 : i32
    %dma_start3A_71 = arith.constant 0 : i32
    %dma_start3A_72 = tpu.memref_slice %arg5[%dma_start3A_70, %dma_start3A_71] : memref<1000x16xf32, #tpu.memory_space<hbm>> -> memref<1000x16xf32, #tpu.memory_space<hbm>>
    tpu.enqueue_indirect_dma source(%dma_start3A_72 : memref<1000x16xf32, #tpu.memory_space<hbm>>) target(%dma_start3A_67 : memref<128x16xf32, #tpu.memory_space<vmem>>) offsets(%dma_start3A_69 : memref<128xi32, #tpu.memory_space<vmem>>) semaphore(%arg17 : memref<!tpu.dma_semaphore, #tpu.memory_space<semaphore_mem>>)
    %dma_start3A_73 = arith.constant 384 : i32
    %dma_start3A_74 = arith.constant 0 : i32
    %dma_start3A_75 = tpu.memref_slice %arg12[%dma_start3A_73, %dma_start3A_74] : memref<400x64xf32, #tpu.memory_space<vmem>> -> memref<16x64xf32, #tpu.memory_space<vmem>>
    %dma_start3A_76 = arith.constant 384 : i32
    %dma_start3A_77 = tpu.memref_slice %arg8[%dma_start3A_76] : memref<400xi32, #tpu.memory_space<vmem>> -> memref<16xi32, #tpu.memory_space<vmem>>
    %dma_start3A_78 = arith.constant 0 : i32
    %dma_start3A_79 = arith.constant 0 : i32
    %dma_start3A_80 = tpu.memref_slice %arg4[%dma_start3A_78, %dma_start3A_79] : memref<1000000x64xf32, #tpu.memory_space<hbm>> -> memref<1000000x64xf32, #tpu.memory_space<hbm>>
    tpu.enqueue_indirect_dma source(%dma_start3A_80 : memref<1000000x64xf32, #tpu.memory_space<hbm>>) target(%dma_start3A_75 : memref<16x64xf32, #tpu.memory_space<vmem>>) offsets(%dma_start3A_77 : memref<16xi32, #tpu.memory_space<vmem>>) semaphore(%arg17 : memref<!tpu.dma_semaphore, #tpu.memory_space<semaphore_mem>>)
    %dma_start3A_81 = arith.constant 384 : i32
    %dma_start3A_82 = arith.constant 0 : i32
    %dma_start3A_83 = tpu.memref_slice %arg14[%dma_start3A_81, %dma_start3A_82] : memref<400x16xf32, #tpu.memory_space<vmem>> -> memref<16x16xf32, #tpu.memory_space<vmem>>
    %dma_start3A_84 = arith.constant 384 : i32
    %dma_start3A_85 = tpu.memref_slice %arg10[%dma_start3A_84] : memref<400xi32, #tpu.memory_space<vmem>> -> memref<16xi32, #tpu.memory_space<vmem>>
    %dma_start3A_86 = arith.constant 0 : i32
    %dma_start3A_87 = arith.constant 0 : i32
    %dma_start3A_88 = tpu.memref_slice %arg5[%dma_start3A_86, %dma_start3A_87] : memref<1000x16xf32, #tpu.memory_space<hbm>> -> memref<1000x16xf32, #tpu.memory_space<hbm>>
    tpu.enqueue_indirect_dma source(%dma_start3A_88 : memref<1000x16xf32, #tpu.memory_space<hbm>>) target(%dma_start3A_83 : memref<16x16xf32, #tpu.memory_space<vmem>>) offsets(%dma_start3A_85 : memref<16xi32, #tpu.memory_space<vmem>>) semaphore(%arg17 : memref<!tpu.dma_semaphore, #tpu.memory_space<semaphore_mem>>)
    %scan3A = arith.constant 0 : i32
    %scan3A_89 = arith.constant 0 : i32
    %scan3A_90 = arith.constant 32 : i32
    %scan3A_91 = arith.addi %scan3A_89, %scan3A_90 : i32
    %scan3A_92 = arith.constant 1 : i32
    scf.for %scan3A_350 = %scan3A_89 to %scan3A_91 step %scan3A_92  : i32 {
      %mul3A_351 = arith.constant 2 : i32
      %mul3A_352 = arith.muli %mul3A_351, %scan3A_350 : i32
      %ge3A = arith.constant 1 : i32
      %ge3A_353 = arith.cmpi sge, %scan3A_350, %ge3A : i32
      %convert_element_type3A = arith.extui %ge3A_353 : i1 to i32
      %cond3A = arith.constant 0 : i32
      %cond3A_354 = arith.cmpi ne, %convert_element_type3A, %cond3A : i32
      scf.if %cond3A_354 {
        %add3A_850 = arith.constant 0 : i32
        %add3A_851 = arith.addi %mul3A_6, %add3A_850 : i32
        %dma_wait3A_852 = arith.constant 0 : i32
        %dma_wait3A_853 = arith.constant 0 : i32
        %dma_wait3A_854 = tpu.memref_slice %arg13[%dma_wait3A_852, %dma_wait3A_853] : memref<400x64xf32, #tpu.memory_space<vmem>> -> memref<50x64xf32, #tpu.memory_space<vmem>>
        %dma_wait3A_855 = arith.constant 0 : i32
        %dma_wait3A_856 = arith.constant 0 : i32
        %dma_wait3A_857 = tpu.memref_slice %arg7[%add3A_851, %dma_wait3A_855, %dma_wait3A_856] : memref<16384x56x128xf32, #tpu.memory_space<hbm>> -> memref<1x50x64xf32, #tpu.memory_space<hbm>>
        %dma_wait3A_858 = tpu.memref_squeeze %dma_wait3A_857 : memref<1x50x64xf32, #tpu.memory_space<hbm>> -> memref<50x64xf32, #tpu.memory_space<hbm>>
        %dma_wait3A_859 = arith.constant 0 : i32
        %dma_wait3A_860 = arith.constant 0 : i32
        %dma_wait3A_861 = tpu.memref_slice %arg7[%add3A_851, %dma_wait3A_859, %dma_wait3A_860] : memref<16384x56x128xf32, #tpu.memory_space<hbm>> -> memref<1x50x64xf32, #tpu.memory_space<hbm>>
        %dma_wait3A_862 = tpu.memref_squeeze %dma_wait3A_861 : memref<1x50x64xf32, #tpu.memory_space<hbm>> -> memref<50x64xf32, #tpu.memory_space<hbm>>
        %dma_wait3A_863 = arith.constant 0 : i32
        %dma_wait3A_864 = arith.constant 0 : i32
        %dma_wait3A_865 = tpu.memref_slice %arg13[%dma_wait3A_863, %dma_wait3A_864] : memref<400x64xf32, #tpu.memory_space<vmem>> -> memref<50x64xf32, #tpu.memory_space<vmem>>
        tpu.wait_dma2 semaphore(%arg20 : memref<!tpu.dma_semaphore, #tpu.memory_space<semaphore_mem>>) src(%dma_wait3A_865 : memref<50x64xf32, #tpu.memory_space<vmem>>) dst(%dma_wait3A_862 : memref<50x64xf32, #tpu.memory_space<hbm>>)
        %add3A_866 = arith.constant 1 : i32
        %add3A_867 = arith.addi %mul3A_6, %add3A_866 : i32
        %dma_wait3A_868 = arith.constant 50 : i32
        %dma_wait3A_869 = arith.constant 0 : i32
        %dma_wait3A_870 = tpu.memref_slice %arg13[%dma_wait3A_868, %dma_wait3A_869] : memref<400x64xf32, #tpu.memory_space<vmem>> -> memref<50x64xf32, #tpu.memory_space<vmem>>
        %dma_wait3A_871 = arith.constant 0 : i32
        %dma_wait3A_872 = arith.constant 0 : i32
        %dma_wait3A_873 = tpu.memref_slice %arg7[%add3A_867, %dma_wait3A_871, %dma_wait3A_872] : memref<16384x56x128xf32, #tpu.memory_space<hbm>> -> memref<1x50x64xf32, #tpu.memory_space<hbm>>
        %dma_wait3A_874 = tpu.memref_squeeze %dma_wait3A_873 : memref<1x50x64xf32, #tpu.memory_space<hbm>> -> memref<50x64xf32, #tpu.memory_space<hbm>>
        %dma_wait3A_875 = arith.constant 0 : i32
        %dma_wait3A_876 = arith.constant 0 : i32
        %dma_wait3A_877 = tpu.memref_slice %arg7[%add3A_867, %dma_wait3A_875, %dma_wait3A_876] : memref<16384x56x128xf32, #tpu.memory_space<hbm>> -> memref<1x50x64xf32, #tpu.memory_space<hbm>>
        %dma_wait3A_878 = tpu.memref_squeeze %dma_wait3A_877 : memref<1x50x64xf32, #tpu.memory_space<hbm>> -> memref<50x64xf32, #tpu.memory_space<hbm>>
        %dma_wait3A_879 = arith.constant 50 : i32
        %dma_wait3A_880 = arith.constant 0 : i32
        %dma_wait3A_881 = tpu.memref_slice %arg13[%dma_wait3A_879, %dma_wait3A_880] : memref<400x64xf32, #tpu.memory_space<vmem>> -> memref<50x64xf32, #tpu.memory_space<vmem>>
        tpu.wait_dma2 semaphore(%arg20 : memref<!tpu.dma_semaphore, #tpu.memory_space<semaphore_mem>>) src(%dma_wait3A_881 : memref<50x64xf32, #tpu.memory_space<vmem>>) dst(%dma_wait3A_878 : memref<50x64xf32, #tpu.memory_space<hbm>>)
        %add3A_882 = arith.constant 2 : i32
        %add3A_883 = arith.addi %mul3A_6, %add3A_882 : i32
        %dma_wait3A_884 = arith.constant 100 : i32
        %dma_wait3A_885 = arith.constant 0 : i32
        %dma_wait3A_886 = tpu.memref_slice %arg13[%dma_wait3A_884, %dma_wait3A_885] : memref<400x64xf32, #tpu.memory_space<vmem>> -> memref<50x64xf32, #tpu.memory_space<vmem>>
        %dma_wait3A_887 = arith.constant 0 : i32
        %dma_wait3A_888 = arith.constant 0 : i32
        %dma_wait3A_889 = tpu.memref_slice %arg7[%add3A_883, %dma_wait3A_887, %dma_wait3A_888] : memref<16384x56x128xf32, #tpu.memory_space<hbm>> -> memref<1x50x64xf32, #tpu.memory_space<hbm>>
        %dma_wait3A_890 = tpu.memref_squeeze %dma_wait3A_889 : memref<1x50x64xf32, #tpu.memory_space<hbm>> -> memref<50x64xf32, #tpu.memory_space<hbm>>
        %dma_wait3A_891 = arith.constant 0 : i32
        %dma_wait3A_892 = arith.constant 0 : i32
        %dma_wait3A_893 = tpu.memref_slice %arg7[%add3A_883, %dma_wait3A_891, %dma_wait3A_892] : memref<16384x56x128xf32, #tpu.memory_space<hbm>> -> memref<1x50x64xf32, #tpu.memory_space<hbm>>
        %dma_wait3A_894 = tpu.memref_squeeze %dma_wait3A_893 : memref<1x50x64xf32, #tpu.memory_space<hbm>> -> memref<50x64xf32, #tpu.memory_space<hbm>>
        %dma_wait3A_895 = arith.constant 100 : i32
        %dma_wait3A_896 = arith.constant 0 : i32
        %dma_wait3A_897 = tpu.memref_slice %arg13[%dma_wait3A_895, %dma_wait3A_896] : memref<400x64xf32, #tpu.memory_space<vmem>> -> memref<50x64xf32, #tpu.memory_space<vmem>>
        tpu.wait_dma2 semaphore(%arg20 : memref<!tpu.dma_semaphore, #tpu.memory_space<semaphore_mem>>) src(%dma_wait3A_897 : memref<50x64xf32, #tpu.memory_space<vmem>>) dst(%dma_wait3A_894 : memref<50x64xf32, #tpu.memory_space<hbm>>)
        %add3A_898 = arith.constant 3 : i32
        %add3A_899 = arith.addi %mul3A_6, %add3A_898 : i32
        %dma_wait3A_900 = arith.constant 150 : i32
        %dma_wait3A_901 = arith.constant 0 : i32
        %dma_wait3A_902 = tpu.memref_slice %arg13[%dma_wait3A_900, %dma_wait3A_901] : memref<400x64xf32, #tpu.memory_space<vmem>> -> memref<50x64xf32, #tpu.memory_space<vmem>>
        %dma_wait3A_903 = arith.constant 0 : i32
        %dma_wait3A_904 = arith.constant 0 : i32
        %dma_wait3A_905 = tpu.memref_slice %arg7[%add3A_899, %dma_wait3A_903, %dma_wait3A_904] : memref<16384x56x128xf32, #tpu.memory_space<hbm>> -> memref<1x50x64xf32, #tpu.memory_space<hbm>>
        %dma_wait3A_906 = tpu.memref_squeeze %dma_wait3A_905 : memref<1x50x64xf32, #tpu.memory_space<hbm>> -> memref<50x64xf32, #tpu.memory_space<hbm>>
        %dma_wait3A_907 = arith.constant 0 : i32
        %dma_wait3A_908 = arith.constant 0 : i32
        %dma_wait3A_909 = tpu.memref_slice %arg7[%add3A_899, %dma_wait3A_907, %dma_wait3A_908] : memref<16384x56x128xf32, #tpu.memory_space<hbm>> -> memref<1x50x64xf32, #tpu.memory_space<hbm>>
        %dma_wait3A_910 = tpu.memref_squeeze %dma_wait3A_909 : memref<1x50x64xf32, #tpu.memory_space<hbm>> -> memref<50x64xf32, #tpu.memory_space<hbm>>
        %dma_wait3A_911 = arith.constant 150 : i32
        %dma_wait3A_912 = arith.constant 0 : i32
        %dma_wait3A_913 = tpu.memref_slice %arg13[%dma_wait3A_911, %dma_wait3A_912] : memref<400x64xf32, #tpu.memory_space<vmem>> -> memref<50x64xf32, #tpu.memory_space<vmem>>
        tpu.wait_dma2 semaphore(%arg20 : memref<!tpu.dma_semaphore, #tpu.memory_space<semaphore_mem>>) src(%dma_wait3A_913 : memref<50x64xf32, #tpu.memory_space<vmem>>) dst(%dma_wait3A_910 : memref<50x64xf32, #tpu.memory_space<hbm>>)
        %add3A_914 = arith.constant 4 : i32
        %add3A_915 = arith.addi %mul3A_6, %add3A_914 : i32
        %dma_wait3A_916 = arith.constant 200 : i32
        %dma_wait3A_917 = arith.constant 0 : i32
        %dma_wait3A_918 = tpu.memref_slice %arg13[%dma_wait3A_916, %dma_wait3A_917] : memref<400x64xf32, #tpu.memory_space<vmem>> -> memref<50x64xf32, #tpu.memory_space<vmem>>
        %dma_wait3A_919 = arith.constant 0 : i32
        %dma_wait3A_920 = arith.constant 0 : i32
        %dma_wait3A_921 = tpu.memref_slice %arg7[%add3A_915, %dma_wait3A_919, %dma_wait3A_920] : memref<16384x56x128xf32, #tpu.memory_space<hbm>> -> memref<1x50x64xf32, #tpu.memory_space<hbm>>
        %dma_wait3A_922 = tpu.memref_squeeze %dma_wait3A_921 : memref<1x50x64xf32, #tpu.memory_space<hbm>> -> memref<50x64xf32, #tpu.memory_space<hbm>>
        %dma_wait3A_923 = arith.constant 0 : i32
        %dma_wait3A_924 = arith.constant 0 : i32
        %dma_wait3A_925 = tpu.memref_slice %arg7[%add3A_915, %dma_wait3A_923, %dma_wait3A_924] : memref<16384x56x128xf32, #tpu.memory_space<hbm>> -> memref<1x50x64xf32, #tpu.memory_space<hbm>>
        %dma_wait3A_926 = tpu.memref_squeeze %dma_wait3A_925 : memref<1x50x64xf32, #tpu.memory_space<hbm>> -> memref<50x64xf32, #tpu.memory_space<hbm>>
        %dma_wait3A_927 = arith.constant 200 : i32
        %dma_wait3A_928 = arith.constant 0 : i32
        %dma_wait3A_929 = tpu.memref_slice %arg13[%dma_wait3A_927, %dma_wait3A_928] : memref<400x64xf32, #tpu.memory_space<vmem>> -> memref<50x64xf32, #tpu.memory_space<vmem>>
        tpu.wait_dma2 semaphore(%arg20 : memref<!tpu.dma_semaphore, #tpu.memory_space<semaphore_mem>>) src(%dma_wait3A_929 : memref<50x64xf32, #tpu.memory_space<vmem>>) dst(%dma_wait3A_926 : memref<50x64xf32, #tpu.memory_space<hbm>>)
        %add3A_930 = arith.constant 5 : i32
        %add3A_931 = arith.addi %mul3A_6, %add3A_930 : i32
        %dma_wait3A_932 = arith.constant 250 : i32
        %dma_wait3A_933 = arith.constant 0 : i32
        %dma_wait3A_934 = tpu.memref_slice %arg13[%dma_wait3A_932, %dma_wait3A_933] : memref<400x64xf32, #tpu.memory_space<vmem>> -> memref<50x64xf32, #tpu.memory_space<vmem>>
        %dma_wait3A_935 = arith.constant 0 : i32
        %dma_wait3A_936 = arith.constant 0 : i32
        %dma_wait3A_937 = tpu.memref_slice %arg7[%add3A_931, %dma_wait3A_935, %dma_wait3A_936] : memref<16384x56x128xf32, #tpu.memory_space<hbm>> -> memref<1x50x64xf32, #tpu.memory_space<hbm>>
        %dma_wait3A_938 = tpu.memref_squeeze %dma_wait3A_937 : memref<1x50x64xf32, #tpu.memory_space<hbm>> -> memref<50x64xf32, #tpu.memory_space<hbm>>
        %dma_wait3A_939 = arith.constant 0 : i32
        %dma_wait3A_940 = arith.constant 0 : i32
        %dma_wait3A_941 = tpu.memref_slice %arg7[%add3A_931, %dma_wait3A_939, %dma_wait3A_940] : memref<16384x56x128xf32, #tpu.memory_space<hbm>> -> memref<1x50x64xf32, #tpu.memory_space<hbm>>
        %dma_wait3A_942 = tpu.memref_squeeze %dma_wait3A_941 : memref<1x50x64xf32, #tpu.memory_space<hbm>> -> memref<50x64xf32, #tpu.memory_space<hbm>>
        %dma_wait3A_943 = arith.constant 250 : i32
        %dma_wait3A_944 = arith.constant 0 : i32
        %dma_wait3A_945 = tpu.memref_slice %arg13[%dma_wait3A_943, %dma_wait3A_944] : memref<400x64xf32, #tpu.memory_space<vmem>> -> memref<50x64xf32, #tpu.memory_space<vmem>>
        tpu.wait_dma2 semaphore(%arg20 : memref<!tpu.dma_semaphore, #tpu.memory_space<semaphore_mem>>) src(%dma_wait3A_945 : memref<50x64xf32, #tpu.memory_space<vmem>>) dst(%dma_wait3A_942 : memref<50x64xf32, #tpu.memory_space<hbm>>)
        %add3A_946 = arith.constant 6 : i32
        %add3A_947 = arith.addi %mul3A_6, %add3A_946 : i32
        %dma_wait3A_948 = arith.constant 300 : i32
        %dma_wait3A_949 = arith.constant 0 : i32
        %dma_wait3A_950 = tpu.memref_slice %arg13[%dma_wait3A_948, %dma_wait3A_949] : memref<400x64xf32, #tpu.memory_space<vmem>> -> memref<50x64xf32, #tpu.memory_space<vmem>>
        %dma_wait3A_951 = arith.constant 0 : i32
        %dma_wait3A_952 = arith.constant 0 : i32
        %dma_wait3A_953 = tpu.memref_slice %arg7[%add3A_947, %dma_wait3A_951, %dma_wait3A_952] : memref<16384x56x128xf32, #tpu.memory_space<hbm>> -> memref<1x50x64xf32, #tpu.memory_space<hbm>>
        %dma_wait3A_954 = tpu.memref_squeeze %dma_wait3A_953 : memref<1x50x64xf32, #tpu.memory_space<hbm>> -> memref<50x64xf32, #tpu.memory_space<hbm>>
        %dma_wait3A_955 = arith.constant 0 : i32
        %dma_wait3A_956 = arith.constant 0 : i32
        %dma_wait3A_957 = tpu.memref_slice %arg7[%add3A_947, %dma_wait3A_955, %dma_wait3A_956] : memref<16384x56x128xf32, #tpu.memory_space<hbm>> -> memref<1x50x64xf32, #tpu.memory_space<hbm>>
        %dma_wait3A_958 = tpu.memref_squeeze %dma_wait3A_957 : memref<1x50x64xf32, #tpu.memory_space<hbm>> -> memref<50x64xf32, #tpu.memory_space<hbm>>
        %dma_wait3A_959 = arith.constant 300 : i32
        %dma_wait3A_960 = arith.constant 0 : i32
        %dma_wait3A_961 = tpu.memref_slice %arg13[%dma_wait3A_959, %dma_wait3A_960] : memref<400x64xf32, #tpu.memory_space<vmem>> -> memref<50x64xf32, #tpu.memory_space<vmem>>
        tpu.wait_dma2 semaphore(%arg20 : memref<!tpu.dma_semaphore, #tpu.memory_space<semaphore_mem>>) src(%dma_wait3A_961 : memref<50x64xf32, #tpu.memory_space<vmem>>) dst(%dma_wait3A_958 : memref<50x64xf32, #tpu.memory_space<hbm>>)
        %add3A_962 = arith.constant 7 : i32
        %add3A_963 = arith.addi %mul3A_6, %add3A_962 : i32
        %dma_wait3A_964 = arith.constant 350 : i32
        %dma_wait3A_965 = arith.constant 0 : i32
        %dma_wait3A_966 = tpu.memref_slice %arg13[%dma_wait3A_964, %dma_wait3A_965] : memref<400x64xf32, #tpu.memory_space<vmem>> -> memref<50x64xf32, #tpu.memory_space<vmem>>
        %dma_wait3A_967 = arith.constant 0 : i32
        %dma_wait3A_968 = arith.constant 0 : i32
        %dma_wait3A_969 = tpu.memref_slice %arg7[%add3A_963, %dma_wait3A_967, %dma_wait3A_968] : memref<16384x56x128xf32, #tpu.memory_space<hbm>> -> memref<1x50x64xf32, #tpu.memory_space<hbm>>
        %dma_wait3A_970 = tpu.memref_squeeze %dma_wait3A_969 : memref<1x50x64xf32, #tpu.memory_space<hbm>> -> memref<50x64xf32, #tpu.memory_space<hbm>>
        %dma_wait3A_971 = arith.constant 0 : i32
        %dma_wait3A_972 = arith.constant 0 : i32
        %dma_wait3A_973 = tpu.memref_slice %arg7[%add3A_963, %dma_wait3A_971, %dma_wait3A_972] : memref<16384x56x128xf32, #tpu.memory_space<hbm>> -> memref<1x50x64xf32, #tpu.memory_space<hbm>>
        %dma_wait3A_974 = tpu.memref_squeeze %dma_wait3A_973 : memref<1x50x64xf32, #tpu.memory_space<hbm>> -> memref<50x64xf32, #tpu.memory_space<hbm>>
        %dma_wait3A_975 = arith.constant 350 : i32
        %dma_wait3A_976 = arith.constant 0 : i32
        %dma_wait3A_977 = tpu.memref_slice %arg13[%dma_wait3A_975, %dma_wait3A_976] : memref<400x64xf32, #tpu.memory_space<vmem>> -> memref<50x64xf32, #tpu.memory_space<vmem>>
        tpu.wait_dma2 semaphore(%arg20 : memref<!tpu.dma_semaphore, #tpu.memory_space<semaphore_mem>>) src(%dma_wait3A_977 : memref<50x64xf32, #tpu.memory_space<vmem>>) dst(%dma_wait3A_974 : memref<50x64xf32, #tpu.memory_space<hbm>>)
      } else {
      }
      %add3A_355 = arith.constant 1 : i32
      %add3A_356 = arith.addi %mul3A_352, %add3A_355 : i32
      %mul3A_357 = arith.constant 400 : i32
      %mul3A_358 = arith.muli %add3A_356, %mul3A_357 : i32
      %add3A_359 = arith.addi %mul3A_4, %mul3A_358 : i32
      %dma_wait3A_360 = tpu.memref_slice %arg2[%add3A_359] : memref<819200xi32, #tpu.memory_space<hbm>> -> memref<400xi32, #tpu.memory_space<hbm>>
      %dma_wait3A_361 = tpu.memref_slice %arg2[%add3A_359] : memref<819200xi32, #tpu.memory_space<hbm>> -> memref<400xi32, #tpu.memory_space<hbm>>
      tpu.wait_dma2 semaphore(%arg22 : memref<!tpu.dma_semaphore, #tpu.memory_space<semaphore_mem>>) src(%dma_wait3A_361 : memref<400xi32, #tpu.memory_space<hbm>>) dst(%arg9 : memref<400xi32, #tpu.memory_space<vmem>>)
      %dma_wait3A_362 = tpu.memref_slice %arg3[%add3A_359] : memref<819200xi32, #tpu.memory_space<hbm>> -> memref<400xi32, #tpu.memory_space<hbm>>
      %dma_wait3A_363 = tpu.memref_slice %arg3[%add3A_359] : memref<819200xi32, #tpu.memory_space<hbm>> -> memref<400xi32, #tpu.memory_space<hbm>>
      tpu.wait_dma2 semaphore(%arg22 : memref<!tpu.dma_semaphore, #tpu.memory_space<semaphore_mem>>) src(%dma_wait3A_363 : memref<400xi32, #tpu.memory_space<hbm>>) dst(%arg11 : memref<400xi32, #tpu.memory_space<vmem>>)
      %dma_start3A_364 = arith.constant 0 : i32
      %dma_start3A_365 = arith.constant 0 : i32
      %dma_start3A_366 = tpu.memref_slice %arg13[%dma_start3A_364, %dma_start3A_365] : memref<400x64xf32, #tpu.memory_space<vmem>> -> memref<128x64xf32, #tpu.memory_space<vmem>>
      %dma_start3A_367 = arith.constant 0 : i32
      %dma_start3A_368 = tpu.memref_slice %arg9[%dma_start3A_367] : memref<400xi32, #tpu.memory_space<vmem>> -> memref<128xi32, #tpu.memory_space<vmem>>
      %dma_start3A_369 = arith.constant 0 : i32
      %dma_start3A_370 = arith.constant 0 : i32
      %dma_start3A_371 = tpu.memref_slice %arg4[%dma_start3A_369, %dma_start3A_370] : memref<1000000x64xf32, #tpu.memory_space<hbm>> -> memref<1000000x64xf32, #tpu.memory_space<hbm>>
      tpu.enqueue_indirect_dma source(%dma_start3A_371 : memref<1000000x64xf32, #tpu.memory_space<hbm>>) target(%dma_start3A_366 : memref<128x64xf32, #tpu.memory_space<vmem>>) offsets(%dma_start3A_368 : memref<128xi32, #tpu.memory_space<vmem>>) semaphore(%arg18 : memref<!tpu.dma_semaphore, #tpu.memory_space<semaphore_mem>>)
      %dma_start3A_372 = arith.constant 0 : i32
      %dma_start3A_373 = arith.constant 0 : i32
      %dma_start3A_374 = tpu.memref_slice %arg15[%dma_start3A_372, %dma_start3A_373] : memref<400x16xf32, #tpu.memory_space<vmem>> -> memref<128x16xf32, #tpu.memory_space<vmem>>
      %dma_start3A_375 = arith.constant 0 : i32
      %dma_start3A_376 = tpu.memref_slice %arg11[%dma_start3A_375] : memref<400xi32, #tpu.memory_space<vmem>> -> memref<128xi32, #tpu.memory_space<vmem>>
      %dma_start3A_377 = arith.constant 0 : i32
      %dma_start3A_378 = arith.constant 0 : i32
      %dma_start3A_379 = tpu.memref_slice %arg5[%dma_start3A_377, %dma_start3A_378] : memref<1000x16xf32, #tpu.memory_space<hbm>> -> memref<1000x16xf32, #tpu.memory_space<hbm>>
      tpu.enqueue_indirect_dma source(%dma_start3A_379 : memref<1000x16xf32, #tpu.memory_space<hbm>>) target(%dma_start3A_374 : memref<128x16xf32, #tpu.memory_space<vmem>>) offsets(%dma_start3A_376 : memref<128xi32, #tpu.memory_space<vmem>>) semaphore(%arg18 : memref<!tpu.dma_semaphore, #tpu.memory_space<semaphore_mem>>)
      %dma_start3A_380 = arith.constant 128 : i32
      %dma_start3A_381 = arith.constant 0 : i32
      %dma_start3A_382 = tpu.memref_slice %arg13[%dma_start3A_380, %dma_start3A_381] : memref<400x64xf32, #tpu.memory_space<vmem>> -> memref<128x64xf32, #tpu.memory_space<vmem>>
      %dma_start3A_383 = arith.constant 128 : i32
      %dma_start3A_384 = tpu.memref_slice %arg9[%dma_start3A_383] : memref<400xi32, #tpu.memory_space<vmem>> -> memref<128xi32, #tpu.memory_space<vmem>>
      %dma_start3A_385 = arith.constant 0 : i32
      %dma_start3A_386 = arith.constant 0 : i32
      %dma_start3A_387 = tpu.memref_slice %arg4[%dma_start3A_385, %dma_start3A_386] : memref<1000000x64xf32, #tpu.memory_space<hbm>> -> memref<1000000x64xf32, #tpu.memory_space<hbm>>
      tpu.enqueue_indirect_dma source(%dma_start3A_387 : memref<1000000x64xf32, #tpu.memory_space<hbm>>) target(%dma_start3A_382 : memref<128x64xf32, #tpu.memory_space<vmem>>) offsets(%dma_start3A_384 : memref<128xi32, #tpu.memory_space<vmem>>) semaphore(%arg18 : memref<!tpu.dma_semaphore, #tpu.memory_space<semaphore_mem>>)
      %dma_start3A_388 = arith.constant 128 : i32
      %dma_start3A_389 = arith.constant 0 : i32
      %dma_start3A_390 = tpu.memref_slice %arg15[%dma_start3A_388, %dma_start3A_389] : memref<400x16xf32, #tpu.memory_space<vmem>> -> memref<128x16xf32, #tpu.memory_space<vmem>>
      %dma_start3A_391 = arith.constant 128 : i32
      %dma_start3A_392 = tpu.memref_slice %arg11[%dma_start3A_391] : memref<400xi32, #tpu.memory_space<vmem>> -> memref<128xi32, #tpu.memory_space<vmem>>
      %dma_start3A_393 = arith.constant 0 : i32
      %dma_start3A_394 = arith.constant 0 : i32
      %dma_start3A_395 = tpu.memref_slice %arg5[%dma_start3A_393, %dma_start3A_394] : memref<1000x16xf32, #tpu.memory_space<hbm>> -> memref<1000x16xf32, #tpu.memory_space<hbm>>
      tpu.enqueue_indirect_dma source(%dma_start3A_395 : memref<1000x16xf32, #tpu.memory_space<hbm>>) target(%dma_start3A_390 : memref<128x16xf32, #tpu.memory_space<vmem>>) offsets(%dma_start3A_392 : memref<128xi32, #tpu.memory_space<vmem>>) semaphore(%arg18 : memref<!tpu.dma_semaphore, #tpu.memory_space<semaphore_mem>>)
      %dma_start3A_396 = arith.constant 256 : i32
      %dma_start3A_397 = arith.constant 0 : i32
      %dma_start3A_398 = tpu.memref_slice %arg13[%dma_start3A_396, %dma_start3A_397] : memref<400x64xf32, #tpu.memory_space<vmem>> -> memref<128x64xf32, #tpu.memory_space<vmem>>
      %dma_start3A_399 = arith.constant 256 : i32
      %dma_start3A_400 = tpu.memref_slice %arg9[%dma_start3A_399] : memref<400xi32, #tpu.memory_space<vmem>> -> memref<128xi32, #tpu.memory_space<vmem>>
      %dma_start3A_401 = arith.constant 0 : i32
      %dma_start3A_402 = arith.constant 0 : i32
      %dma_start3A_403 = tpu.memref_slice %arg4[%dma_start3A_401, %dma_start3A_402] : memref<1000000x64xf32, #tpu.memory_space<hbm>> -> memref<1000000x64xf32, #tpu.memory_space<hbm>>
      tpu.enqueue_indirect_dma source(%dma_start3A_403 : memref<1000000x64xf32, #tpu.memory_space<hbm>>) target(%dma_start3A_398 : memref<128x64xf32, #tpu.memory_space<vmem>>) offsets(%dma_start3A_400 : memref<128xi32, #tpu.memory_space<vmem>>) semaphore(%arg18 : memref<!tpu.dma_semaphore, #tpu.memory_space<semaphore_mem>>)
      %dma_start3A_404 = arith.constant 256 : i32
      %dma_start3A_405 = arith.constant 0 : i32
      %dma_start3A_406 = tpu.memref_slice %arg15[%dma_start3A_404, %dma_start3A_405] : memref<400x16xf32, #tpu.memory_space<vmem>> -> memref<128x16xf32, #tpu.memory_space<vmem>>
      %dma_start3A_407 = arith.constant 256 : i32
      %dma_start3A_408 = tpu.memref_slice %arg11[%dma_start3A_407] : memref<400xi32, #tpu.memory_space<vmem>> -> memref<128xi32, #tpu.memory_space<vmem>>
      %dma_start3A_409 = arith.constant 0 : i32
      %dma_start3A_410 = arith.constant 0 : i32
      %dma_start3A_411 = tpu.memref_slice %arg5[%dma_start3A_409, %dma_start3A_410] : memref<1000x16xf32, #tpu.memory_space<hbm>> -> memref<1000x16xf32, #tpu.memory_space<hbm>>
      tpu.enqueue_indirect_dma source(%dma_start3A_411 : memref<1000x16xf32, #tpu.memory_space<hbm>>) target(%dma_start3A_406 : memref<128x16xf32, #tpu.memory_space<vmem>>) offsets(%dma_start3A_408 : memref<128xi32, #tpu.memory_space<vmem>>) semaphore(%arg18 : memref<!tpu.dma_semaphore, #tpu.memory_space<semaphore_mem>>)
      %dma_start3A_412 = arith.constant 384 : i32
      %dma_start3A_413 = arith.constant 0 : i32
      %dma_start3A_414 = tpu.memref_slice %arg13[%dma_start3A_412, %dma_start3A_413] : memref<400x64xf32, #tpu.memory_space<vmem>> -> memref<16x64xf32, #tpu.memory_space<vmem>>
      %dma_start3A_415 = arith.constant 384 : i32
      %dma_start3A_416 = tpu.memref_slice %arg9[%dma_start3A_415] : memref<400xi32, #tpu.memory_space<vmem>> -> memref<16xi32, #tpu.memory_space<vmem>>
      %dma_start3A_417 = arith.constant 0 : i32
      %dma_start3A_418 = arith.constant 0 : i32
      %dma_start3A_419 = tpu.memref_slice %arg4[%dma_start3A_417, %dma_start3A_418] : memref<1000000x64xf32, #tpu.memory_space<hbm>> -> memref<1000000x64xf32, #tpu.memory_space<hbm>>
      tpu.enqueue_indirect_dma source(%dma_start3A_419 : memref<1000000x64xf32, #tpu.memory_space<hbm>>) target(%dma_start3A_414 : memref<16x64xf32, #tpu.memory_space<vmem>>) offsets(%dma_start3A_416 : memref<16xi32, #tpu.memory_space<vmem>>) semaphore(%arg18 : memref<!tpu.dma_semaphore, #tpu.memory_space<semaphore_mem>>)
      %dma_start3A_420 = arith.constant 384 : i32
      %dma_start3A_421 = arith.constant 0 : i32
      %dma_start3A_422 = tpu.memref_slice %arg15[%dma_start3A_420, %dma_start3A_421] : memref<400x16xf32, #tpu.memory_space<vmem>> -> memref<16x16xf32, #tpu.memory_space<vmem>>
      %dma_start3A_423 = arith.constant 384 : i32
      %dma_start3A_424 = tpu.memref_slice %arg11[%dma_start3A_423] : memref<400xi32, #tpu.memory_space<vmem>> -> memref<16xi32, #tpu.memory_space<vmem>>
      %dma_start3A_425 = arith.constant 0 : i32
      %dma_start3A_426 = arith.constant 0 : i32
      %dma_start3A_427 = tpu.memref_slice %arg5[%dma_start3A_425, %dma_start3A_426] : memref<1000x16xf32, #tpu.memory_space<hbm>> -> memref<1000x16xf32, #tpu.memory_space<hbm>>
      tpu.enqueue_indirect_dma source(%dma_start3A_427 : memref<1000x16xf32, #tpu.memory_space<hbm>>) target(%dma_start3A_422 : memref<16x16xf32, #tpu.memory_space<vmem>>) offsets(%dma_start3A_424 : memref<16xi32, #tpu.memory_space<vmem>>) semaphore(%arg18 : memref<!tpu.dma_semaphore, #tpu.memory_space<semaphore_mem>>)
      %dma_wait3A_428 = arith.constant 0 : i32
      %dma_wait3A_429 = arith.constant 0 : i32
      %dma_wait3A_430 = tpu.memref_slice %arg12[%dma_wait3A_428, %dma_wait3A_429] : memref<400x64xf32, #tpu.memory_space<vmem>> -> memref<128x64xf32, #tpu.memory_space<vmem>>
      %dma_wait3A_431 = arith.constant 0 : i32
      %dma_wait3A_432 = tpu.memref_slice %arg8[%dma_wait3A_431] : memref<400xi32, #tpu.memory_space<vmem>> -> memref<128xi32, #tpu.memory_space<vmem>>
      %dma_wait3A_433 = arith.constant 0 : i32
      %dma_wait3A_434 = arith.constant 0 : i32
      %dma_wait3A_435 = tpu.memref_slice %arg4[%dma_wait3A_433, %dma_wait3A_434] : memref<1000000x64xf32, #tpu.memory_space<hbm>> -> memref<1000000x64xf32, #tpu.memory_space<hbm>>
      tpu.wait_indirect_dma semaphore(%arg17 : memref<!tpu.dma_semaphore, #tpu.memory_space<semaphore_mem>>) src(%dma_wait3A_435 : memref<1000000x64xf32, #tpu.memory_space<hbm>>) dst(%dma_wait3A_430 : memref<128x64xf32, #tpu.memory_space<vmem>>)
      %dma_wait3A_436 = arith.constant 0 : i32
      %dma_wait3A_437 = arith.constant 0 : i32
      %dma_wait3A_438 = tpu.memref_slice %arg14[%dma_wait3A_436, %dma_wait3A_437] : memref<400x16xf32, #tpu.memory_space<vmem>> -> memref<128x16xf32, #tpu.memory_space<vmem>>
      %dma_wait3A_439 = arith.constant 0 : i32
      %dma_wait3A_440 = tpu.memref_slice %arg10[%dma_wait3A_439] : memref<400xi32, #tpu.memory_space<vmem>> -> memref<128xi32, #tpu.memory_space<vmem>>
      %dma_wait3A_441 = arith.constant 0 : i32
      %dma_wait3A_442 = arith.constant 0 : i32
      %dma_wait3A_443 = tpu.memref_slice %arg5[%dma_wait3A_441, %dma_wait3A_442] : memref<1000x16xf32, #tpu.memory_space<hbm>> -> memref<1000x16xf32, #tpu.memory_space<hbm>>
      tpu.wait_indirect_dma semaphore(%arg17 : memref<!tpu.dma_semaphore, #tpu.memory_space<semaphore_mem>>) src(%dma_wait3A_443 : memref<1000x16xf32, #tpu.memory_space<hbm>>) dst(%dma_wait3A_438 : memref<128x16xf32, #tpu.memory_space<vmem>>)
      %dma_wait3A_444 = arith.constant 128 : i32
      %dma_wait3A_445 = arith.constant 0 : i32
      %dma_wait3A_446 = tpu.memref_slice %arg12[%dma_wait3A_444, %dma_wait3A_445] : memref<400x64xf32, #tpu.memory_space<vmem>> -> memref<128x64xf32, #tpu.memory_space<vmem>>
      %dma_wait3A_447 = arith.constant 128 : i32
      %dma_wait3A_448 = tpu.memref_slice %arg8[%dma_wait3A_447] : memref<400xi32, #tpu.memory_space<vmem>> -> memref<128xi32, #tpu.memory_space<vmem>>
      %dma_wait3A_449 = arith.constant 0 : i32
      %dma_wait3A_450 = arith.constant 0 : i32
      %dma_wait3A_451 = tpu.memref_slice %arg4[%dma_wait3A_449, %dma_wait3A_450] : memref<1000000x64xf32, #tpu.memory_space<hbm>> -> memref<1000000x64xf32, #tpu.memory_space<hbm>>
      tpu.wait_indirect_dma semaphore(%arg17 : memref<!tpu.dma_semaphore, #tpu.memory_space<semaphore_mem>>) src(%dma_wait3A_451 : memref<1000000x64xf32, #tpu.memory_space<hbm>>) dst(%dma_wait3A_446 : memref<128x64xf32, #tpu.memory_space<vmem>>)
      %dma_wait3A_452 = arith.constant 128 : i32
      %dma_wait3A_453 = arith.constant 0 : i32
      %dma_wait3A_454 = tpu.memref_slice %arg14[%dma_wait3A_452, %dma_wait3A_453] : memref<400x16xf32, #tpu.memory_space<vmem>> -> memref<128x16xf32, #tpu.memory_space<vmem>>
      %dma_wait3A_455 = arith.constant 128 : i32
      %dma_wait3A_456 = tpu.memref_slice %arg10[%dma_wait3A_455] : memref<400xi32, #tpu.memory_space<vmem>> -> memref<128xi32, #tpu.memory_space<vmem>>
      %dma_wait3A_457 = arith.constant 0 : i32
      %dma_wait3A_458 = arith.constant 0 : i32
      %dma_wait3A_459 = tpu.memref_slice %arg5[%dma_wait3A_457, %dma_wait3A_458] : memref<1000x16xf32, #tpu.memory_space<hbm>> -> memref<1000x16xf32, #tpu.memory_space<hbm>>
      tpu.wait_indirect_dma semaphore(%arg17 : memref<!tpu.dma_semaphore, #tpu.memory_space<semaphore_mem>>) src(%dma_wait3A_459 : memref<1000x16xf32, #tpu.memory_space<hbm>>) dst(%dma_wait3A_454 : memref<128x16xf32, #tpu.memory_space<vmem>>)
      %dma_wait3A_460 = arith.constant 256 : i32
      %dma_wait3A_461 = arith.constant 0 : i32
      %dma_wait3A_462 = tpu.memref_slice %arg12[%dma_wait3A_460, %dma_wait3A_461] : memref<400x64xf32, #tpu.memory_space<vmem>> -> memref<128x64xf32, #tpu.memory_space<vmem>>
      %dma_wait3A_463 = arith.constant 256 : i32
      %dma_wait3A_464 = tpu.memref_slice %arg8[%dma_wait3A_463] : memref<400xi32, #tpu.memory_space<vmem>> -> memref<128xi32, #tpu.memory_space<vmem>>
      %dma_wait3A_465 = arith.constant 0 : i32
      %dma_wait3A_466 = arith.constant 0 : i32
      %dma_wait3A_467 = tpu.memref_slice %arg4[%dma_wait3A_465, %dma_wait3A_466] : memref<1000000x64xf32, #tpu.memory_space<hbm>> -> memref<1000000x64xf32, #tpu.memory_space<hbm>>
      tpu.wait_indirect_dma semaphore(%arg17 : memref<!tpu.dma_semaphore, #tpu.memory_space<semaphore_mem>>) src(%dma_wait3A_467 : memref<1000000x64xf32, #tpu.memory_space<hbm>>) dst(%dma_wait3A_462 : memref<128x64xf32, #tpu.memory_space<vmem>>)
      %dma_wait3A_468 = arith.constant 256 : i32
      %dma_wait3A_469 = arith.constant 0 : i32
      %dma_wait3A_470 = tpu.memref_slice %arg14[%dma_wait3A_468, %dma_wait3A_469] : memref<400x16xf32, #tpu.memory_space<vmem>> -> memref<128x16xf32, #tpu.memory_space<vmem>>
      %dma_wait3A_471 = arith.constant 256 : i32
      %dma_wait3A_472 = tpu.memref_slice %arg10[%dma_wait3A_471] : memref<400xi32, #tpu.memory_space<vmem>> -> memref<128xi32, #tpu.memory_space<vmem>>
      %dma_wait3A_473 = arith.constant 0 : i32
      %dma_wait3A_474 = arith.constant 0 : i32
      %dma_wait3A_475 = tpu.memref_slice %arg5[%dma_wait3A_473, %dma_wait3A_474] : memref<1000x16xf32, #tpu.memory_space<hbm>> -> memref<1000x16xf32, #tpu.memory_space<hbm>>
      tpu.wait_indirect_dma semaphore(%arg17 : memref<!tpu.dma_semaphore, #tpu.memory_space<semaphore_mem>>) src(%dma_wait3A_475 : memref<1000x16xf32, #tpu.memory_space<hbm>>) dst(%dma_wait3A_470 : memref<128x16xf32, #tpu.memory_space<vmem>>)
      %dma_wait3A_476 = arith.constant 384 : i32
      %dma_wait3A_477 = arith.constant 0 : i32
      %dma_wait3A_478 = tpu.memref_slice %arg12[%dma_wait3A_476, %dma_wait3A_477] : memref<400x64xf32, #tpu.memory_space<vmem>> -> memref<16x64xf32, #tpu.memory_space<vmem>>
      %dma_wait3A_479 = arith.constant 384 : i32
      %dma_wait3A_480 = tpu.memref_slice %arg8[%dma_wait3A_479] : memref<400xi32, #tpu.memory_space<vmem>> -> memref<16xi32, #tpu.memory_space<vmem>>
      %dma_wait3A_481 = arith.constant 0 : i32
      %dma_wait3A_482 = arith.constant 0 : i32
      %dma_wait3A_483 = tpu.memref_slice %arg4[%dma_wait3A_481, %dma_wait3A_482] : memref<1000000x64xf32, #tpu.memory_space<hbm>> -> memref<1000000x64xf32, #tpu.memory_space<hbm>>
      tpu.wait_indirect_dma semaphore(%arg17 : memref<!tpu.dma_semaphore, #tpu.memory_space<semaphore_mem>>) src(%dma_wait3A_483 : memref<1000000x64xf32, #tpu.memory_space<hbm>>) dst(%dma_wait3A_478 : memref<16x64xf32, #tpu.memory_space<vmem>>)
      %dma_wait3A_484 = arith.constant 384 : i32
      %dma_wait3A_485 = arith.constant 0 : i32
      %dma_wait3A_486 = tpu.memref_slice %arg14[%dma_wait3A_484, %dma_wait3A_485] : memref<400x16xf32, #tpu.memory_space<vmem>> -> memref<16x16xf32, #tpu.memory_space<vmem>>
      %dma_wait3A_487 = arith.constant 384 : i32
      %dma_wait3A_488 = tpu.memref_slice %arg10[%dma_wait3A_487] : memref<400xi32, #tpu.memory_space<vmem>> -> memref<16xi32, #tpu.memory_space<vmem>>
      %dma_wait3A_489 = arith.constant 0 : i32
      %dma_wait3A_490 = arith.constant 0 : i32
      %dma_wait3A_491 = tpu.memref_slice %arg5[%dma_wait3A_489, %dma_wait3A_490] : memref<1000x16xf32, #tpu.memory_space<hbm>> -> memref<1000x16xf32, #tpu.memory_space<hbm>>
      tpu.wait_indirect_dma semaphore(%arg17 : memref<!tpu.dma_semaphore, #tpu.memory_space<semaphore_mem>>) src(%dma_wait3A_491 : memref<1000x16xf32, #tpu.memory_space<hbm>>) dst(%dma_wait3A_486 : memref<16x16xf32, #tpu.memory_space<vmem>>)
      %add3A_492 = arith.constant 2 : i32
      %add3A_493 = arith.addi %mul3A_352, %add3A_492 : i32
      %lt3A = arith.constant 64 : i32
      %lt3A_494 = arith.cmpi slt, %add3A_493, %lt3A : i32
      %convert_element_type3A_495 = arith.extui %lt3A_494 : i1 to i32
      %cond3A_496 = arith.constant 0 : i32
      %cond3A_497 = arith.cmpi ne, %convert_element_type3A_495, %cond3A_496 : i32
      scf.if %cond3A_497 {
        %add3A_850 = arith.constant 2 : i32
        %add3A_851 = arith.addi %mul3A_352, %add3A_850 : i32
        %mul3A_852 = arith.constant 400 : i32
        %mul3A_853 = arith.muli %add3A_851, %mul3A_852 : i32
        %add3A_854 = arith.addi %mul3A_4, %mul3A_853 : i32
        %dma_start3A_855 = tpu.memref_slice %arg2[%add3A_854] : memref<819200xi32, #tpu.memory_space<hbm>> -> memref<400xi32, #tpu.memory_space<hbm>>
        %dma_start3A_856 = tpu.memref_slice %arg2[%add3A_854] : memref<819200xi32, #tpu.memory_space<hbm>> -> memref<400xi32, #tpu.memory_space<hbm>>
        tpu.enqueue_dma source(%dma_start3A_856 : memref<400xi32, #tpu.memory_space<hbm>>) target(%arg8 : memref<400xi32, #tpu.memory_space<vmem>>) target_semaphore(%arg21 : memref<!tpu.dma_semaphore, #tpu.memory_space<semaphore_mem>>)
        %dma_start3A_857 = tpu.memref_slice %arg3[%add3A_854] : memref<819200xi32, #tpu.memory_space<hbm>> -> memref<400xi32, #tpu.memory_space<hbm>>
        %dma_start3A_858 = tpu.memref_slice %arg3[%add3A_854] : memref<819200xi32, #tpu.memory_space<hbm>> -> memref<400xi32, #tpu.memory_space<hbm>>
        tpu.enqueue_dma source(%dma_start3A_858 : memref<400xi32, #tpu.memory_space<hbm>>) target(%arg10 : memref<400xi32, #tpu.memory_space<vmem>>) target_semaphore(%arg21 : memref<!tpu.dma_semaphore, #tpu.memory_space<semaphore_mem>>)
      } else {
      }
      %scan3A_498 = arith.constant 0 : i32
      %scan3A_499 = arith.constant 0 : i32
      %scan3A_500 = arith.constant 400 : i32
      %scan3A_501 = arith.addi %scan3A_499, %scan3A_500 : i32
      %scan3A_502 = arith.constant 8 : i32
      scf.for %scan3A_850 = %scan3A_499 to %scan3A_501 step %scan3A_502  : i32 {
        %get3A_851 = arith.index_cast %scan3A_850 : i32 to index
        %get3A_852 = arith.constant 0 : index
        %get3A_853 = tpu.vector_load %arg14[%get3A_851, %get3A_852] {strides = array<i32>} : memref<400x16xf32, #tpu.memory_space<vmem>>, vector<1x16xf32>,
        %get3A_854 = vector.shape_cast %get3A_853 : vector<1x16xf32> to vector<16xf32>
        %mul3A_855 = arith.mulf %get3A_8, %get3A_854 : vector<16xf32>
        %swap3A = arith.index_cast %scan3A_850 : i32 to index
        %swap3A_856 = arith.constant 0 : index
        %swap3A_857 = tpu.vector_load %arg12[%swap3A, %swap3A_856] {strides = array<i32>} : memref<400x64xf32, #tpu.memory_space<vmem>>, vector<1x16xf32>,
        %swap3A_858 = vector.shape_cast %swap3A_857 : vector<1x16xf32> to vector<16xf32>
        %swap3A_859 = vector.shape_cast %mul3A_855 : vector<16xf32> to vector<1x16xf32>
        tpu.vector_store %arg12[%swap3A, %swap3A_856], %swap3A_859 {add = true, strides = array<i32>} : memref<400x64xf32, #tpu.memory_space<vmem>>, vector<1x16xf32>,
        %scan3A_860 = arith.constant 1 : i32
        %scan3A_861 = arith.addi %scan3A_850, %scan3A_860 : i32
        %get3A_862 = arith.index_cast %scan3A_861 : i32 to index
        %get3A_863 = arith.constant 0 : index
        %get3A_864 = tpu.vector_load %arg14[%get3A_862, %get3A_863] {strides = array<i32>} : memref<400x16xf32, #tpu.memory_space<vmem>>, vector<1x16xf32>,
        %get3A_865 = vector.shape_cast %get3A_864 : vector<1x16xf32> to vector<16xf32>
        %mul3A_866 = arith.mulf %get3A_8, %get3A_865 : vector<16xf32>
        %swap3A_867 = arith.index_cast %scan3A_861 : i32 to index
        %swap3A_868 = arith.constant 0 : index
        %swap3A_869 = tpu.vector_load %arg12[%swap3A_867, %swap3A_868] {strides = array<i32>} : memref<400x64xf32, #tpu.memory_space<vmem>>, vector<1x16xf32>,
        %swap3A_870 = vector.shape_cast %swap3A_869 : vector<1x16xf32> to vector<16xf32>
        %swap3A_871 = vector.shape_cast %mul3A_866 : vector<16xf32> to vector<1x16xf32>
        tpu.vector_store %arg12[%swap3A_867, %swap3A_868], %swap3A_871 {add = true, strides = array<i32>} : memref<400x64xf32, #tpu.memory_space<vmem>>, vector<1x16xf32>,
        %scan3A_872 = arith.constant 2 : i32
        %scan3A_873 = arith.addi %scan3A_850, %scan3A_872 : i32
        %get3A_874 = arith.index_cast %scan3A_873 : i32 to index
        %get3A_875 = arith.constant 0 : index
        %get3A_876 = tpu.vector_load %arg14[%get3A_874, %get3A_875] {strides = array<i32>} : memref<400x16xf32, #tpu.memory_space<vmem>>, vector<1x16xf32>,
        %get3A_877 = vector.shape_cast %get3A_876 : vector<1x16xf32> to vector<16xf32>
        %mul3A_878 = arith.mulf %get3A_8, %get3A_877 : vector<16xf32>
        %swap3A_879 = arith.index_cast %scan3A_873 : i32 to index
        %swap3A_880 = arith.constant 0 : index
        %swap3A_881 = tpu.vector_load %arg12[%swap3A_879, %swap3A_880] {strides = array<i32>} : memref<400x64xf32, #tpu.memory_space<vmem>>, vector<1x16xf32>,
        %swap3A_882 = vector.shape_cast %swap3A_881 : vector<1x16xf32> to vector<16xf32>
        %swap3A_883 = vector.shape_cast %mul3A_878 : vector<16xf32> to vector<1x16xf32>
        tpu.vector_store %arg12[%swap3A_879, %swap3A_880], %swap3A_883 {add = true, strides = array<i32>} : memref<400x64xf32, #tpu.memory_space<vmem>>, vector<1x16xf32>,
        %scan3A_884 = arith.constant 3 : i32
        %scan3A_885 = arith.addi %scan3A_850, %scan3A_884 : i32
        %get3A_886 = arith.index_cast %scan3A_885 : i32 to index
        %get3A_887 = arith.constant 0 : index
        %get3A_888 = tpu.vector_load %arg14[%get3A_886, %get3A_887] {strides = array<i32>} : memref<400x16xf32, #tpu.memory_space<vmem>>, vector<1x16xf32>,
        %get3A_889 = vector.shape_cast %get3A_888 : vector<1x16xf32> to vector<16xf32>
        %mul3A_890 = arith.mulf %get3A_8, %get3A_889 : vector<16xf32>
        %swap3A_891 = arith.index_cast %scan3A_885 : i32 to index
        %swap3A_892 = arith.constant 0 : index
        %swap3A_893 = tpu.vector_load %arg12[%swap3A_891, %swap3A_892] {strides = array<i32>} : memref<400x64xf32, #tpu.memory_space<vmem>>, vector<1x16xf32>,
        %swap3A_894 = vector.shape_cast %swap3A_893 : vector<1x16xf32> to vector<16xf32>
        %swap3A_895 = vector.shape_cast %mul3A_890 : vector<16xf32> to vector<1x16xf32>
        tpu.vector_store %arg12[%swap3A_891, %swap3A_892], %swap3A_895 {add = true, strides = array<i32>} : memref<400x64xf32, #tpu.memory_space<vmem>>, vector<1x16xf32>,
        %scan3A_896 = arith.constant 4 : i32
        %scan3A_897 = arith.addi %scan3A_850, %scan3A_896 : i32
        %get3A_898 = arith.index_cast %scan3A_897 : i32 to index
        %get3A_899 = arith.constant 0 : index
        %get3A_900 = tpu.vector_load %arg14[%get3A_898, %get3A_899] {strides = array<i32>} : memref<400x16xf32, #tpu.memory_space<vmem>>, vector<1x16xf32>,
        %get3A_901 = vector.shape_cast %get3A_900 : vector<1x16xf32> to vector<16xf32>
        %mul3A_902 = arith.mulf %get3A_8, %get3A_901 : vector<16xf32>
        %swap3A_903 = arith.index_cast %scan3A_897 : i32 to index
        %swap3A_904 = arith.constant 0 : index
        %swap3A_905 = tpu.vector_load %arg12[%swap3A_903, %swap3A_904] {strides = array<i32>} : memref<400x64xf32, #tpu.memory_space<vmem>>, vector<1x16xf32>,
        %swap3A_906 = vector.shape_cast %swap3A_905 : vector<1x16xf32> to vector<16xf32>
        %swap3A_907 = vector.shape_cast %mul3A_902 : vector<16xf32> to vector<1x16xf32>
        tpu.vector_store %arg12[%swap3A_903, %swap3A_904], %swap3A_907 {add = true, strides = array<i32>} : memref<400x64xf32, #tpu.memory_space<vmem>>, vector<1x16xf32>,
        %scan3A_908 = arith.constant 5 : i32
        %scan3A_909 = arith.addi %scan3A_850, %scan3A_908 : i32
        %get3A_910 = arith.index_cast %scan3A_909 : i32 to index
        %get3A_911 = arith.constant 0 : index
        %get3A_912 = tpu.vector_load %arg14[%get3A_910, %get3A_911] {strides = array<i32>} : memref<400x16xf32, #tpu.memory_space<vmem>>, vector<1x16xf32>,
        %get3A_913 = vector.shape_cast %get3A_912 : vector<1x16xf32> to vector<16xf32>
        %mul3A_914 = arith.mulf %get3A_8, %get3A_913 : vector<16xf32>
        %swap3A_915 = arith.index_cast %scan3A_909 : i32 to index
        %swap3A_916 = arith.constant 0 : index
        %swap3A_917 = tpu.vector_load %arg12[%swap3A_915, %swap3A_916] {strides = array<i32>} : memref<400x64xf32, #tpu.memory_space<vmem>>, vector<1x16xf32>,
        %swap3A_918 = vector.shape_cast %swap3A_917 : vector<1x16xf32> to vector<16xf32>
        %swap3A_919 = vector.shape_cast %mul3A_914 : vector<16xf32> to vector<1x16xf32>
        tpu.vector_store %arg12[%swap3A_915, %swap3A_916], %swap3A_919 {add = true, strides = array<i32>} : memref<400x64xf32, #tpu.memory_space<vmem>>, vector<1x16xf32>,
        %scan3A_920 = arith.constant 6 : i32
        %scan3A_921 = arith.addi %scan3A_850, %scan3A_920 : i32
        %get3A_922 = arith.index_cast %scan3A_921 : i32 to index
        %get3A_923 = arith.constant 0 : index
        %get3A_924 = tpu.vector_load %arg14[%get3A_922, %get3A_923] {strides = array<i32>} : memref<400x16xf32, #tpu.memory_space<vmem>>, vector<1x16xf32>,
        %get3A_925 = vector.shape_cast %get3A_924 : vector<1x16xf32> to vector<16xf32>
        %mul3A_926 = arith.mulf %get3A_8, %get3A_925 : vector<16xf32>
        %swap3A_927 = arith.index_cast %scan3A_921 : i32 to index
        %swap3A_928 = arith.constant 0 : index
        %swap3A_929 = tpu.vector_load %arg12[%swap3A_927, %swap3A_928] {strides = array<i32>} : memref<400x64xf32, #tpu.memory_space<vmem>>, vector<1x16xf32>,
        %swap3A_930 = vector.shape_cast %swap3A_929 : vector<1x16xf32> to vector<16xf32>
        %swap3A_931 = vector.shape_cast %mul3A_926 : vector<16xf32> to vector<1x16xf32>
        tpu.vector_store %arg12[%swap3A_927, %swap3A_928], %swap3A_931 {add = true, strides = array<i32>} : memref<400x64xf32, #tpu.memory_space<vmem>>, vector<1x16xf32>,
        %scan3A_932 = arith.constant 7 : i32
        %scan3A_933 = arith.addi %scan3A_850, %scan3A_932 : i32
        %get3A_934 = arith.index_cast %scan3A_933 : i32 to index
        %get3A_935 = arith.constant 0 : index
        %get3A_936 = tpu.vector_load %arg14[%get3A_934, %get3A_935] {strides = array<i32>} : memref<400x16xf32, #tpu.memory_space<vmem>>, vector<1x16xf32>,
        %get3A_937 = vector.shape_cast %get3A_936 : vector<1x16xf32> to vector<16xf32>
        %mul3A_938 = arith.mulf %get3A_8, %get3A_937 : vector<16xf32>
        %swap3A_939 = arith.index_cast %scan3A_933 : i32 to index
        %swap3A_940 = arith.constant 0 : index
        %swap3A_941 = tpu.vector_load %arg12[%swap3A_939, %swap3A_940] {strides = array<i32>} : memref<400x64xf32, #tpu.memory_space<vmem>>, vector<1x16xf32>,
        %swap3A_942 = vector.shape_cast %swap3A_941 : vector<1x16xf32> to vector<16xf32>
        %swap3A_943 = vector.shape_cast %mul3A_938 : vector<16xf32> to vector<1x16xf32>
        tpu.vector_store %arg12[%swap3A_939, %swap3A_940], %swap3A_943 {add = true, strides = array<i32>} : memref<400x64xf32, #tpu.memory_space<vmem>>, vector<1x16xf32>,
      }
      %scan3A_503 = arith.constant 400 : i32
      %mul3A_504 = arith.constant 8 : i32
      %mul3A_505 = arith.muli %mul3A_352, %mul3A_504 : i32
      %add3A_506 = arith.addi %mul3A_6, %mul3A_505 : i32
      %add3A_507 = arith.constant 0 : i32
      %add3A_508 = arith.addi %add3A_506, %add3A_507 : i32
      %dma_start3A_509 = arith.constant 0 : i32
      %dma_start3A_510 = arith.constant 0 : i32
      %dma_start3A_511 = tpu.memref_slice %arg12[%dma_start3A_509, %dma_start3A_510] : memref<400x64xf32, #tpu.memory_space<vmem>> -> memref<50x64xf32, #tpu.memory_space<vmem>>
      %dma_start3A_512 = arith.constant 0 : i32
      %dma_start3A_513 = arith.constant 0 : i32
      %dma_start3A_514 = tpu.memref_slice %arg7[%add3A_508, %dma_start3A_512, %dma_start3A_513] : memref<16384x56x128xf32, #tpu.memory_space<hbm>> -> memref<1x50x64xf32, #tpu.memory_space<hbm>>
      %dma_start3A_515 = tpu.memref_squeeze %dma_start3A_514 : memref<1x50x64xf32, #tpu.memory_space<hbm>> -> memref<50x64xf32, #tpu.memory_space<hbm>>
      %dma_start3A_516 = arith.constant 0 : i32
      %dma_start3A_517 = arith.constant 0 : i32
      %dma_start3A_518 = tpu.memref_slice %arg7[%add3A_508, %dma_start3A_516, %dma_start3A_517] : memref<16384x56x128xf32, #tpu.memory_space<hbm>> -> memref<1x50x64xf32, #tpu.memory_space<hbm>>
      %dma_start3A_519 = tpu.memref_squeeze %dma_start3A_518 : memref<1x50x64xf32, #tpu.memory_space<hbm>> -> memref<50x64xf32, #tpu.memory_space<hbm>>
      %dma_start3A_520 = arith.constant 0 : i32
      %dma_start3A_521 = arith.constant 0 : i32
      %dma_start3A_522 = tpu.memref_slice %arg12[%dma_start3A_520, %dma_start3A_521] : memref<400x64xf32, #tpu.memory_space<vmem>> -> memref<50x64xf32, #tpu.memory_space<vmem>>
      tpu.enqueue_dma source(%dma_start3A_522 : memref<50x64xf32, #tpu.memory_space<vmem>>) target(%dma_start3A_519 : memref<50x64xf32, #tpu.memory_space<hbm>>) target_semaphore(%arg19 : memref<!tpu.dma_semaphore, #tpu.memory_space<semaphore_mem>>)
      %add3A_523 = arith.constant 1 : i32
      %add3A_524 = arith.addi %add3A_506, %add3A_523 : i32
      %dma_start3A_525 = arith.constant 50 : i32
      %dma_start3A_526 = arith.constant 0 : i32
      %dma_start3A_527 = tpu.memref_slice %arg12[%dma_start3A_525, %dma_start3A_526] : memref<400x64xf32, #tpu.memory_space<vmem>> -> memref<50x64xf32, #tpu.memory_space<vmem>>
      %dma_start3A_528 = arith.constant 0 : i32
      %dma_start3A_529 = arith.constant 0 : i32
      %dma_start3A_530 = tpu.memref_slice %arg7[%add3A_524, %dma_start3A_528, %dma_start3A_529] : memref<16384x56x128xf32, #tpu.memory_space<hbm>> -> memref<1x50x64xf32, #tpu.memory_space<hbm>>
      %dma_start3A_531 = tpu.memref_squeeze %dma_start3A_530 : memref<1x50x64xf32, #tpu.memory_space<hbm>> -> memref<50x64xf32, #tpu.memory_space<hbm>>
      %dma_start3A_532 = arith.constant 0 : i32
      %dma_start3A_533 = arith.constant 0 : i32
      %dma_start3A_534 = tpu.memref_slice %arg7[%add3A_524, %dma_start3A_532, %dma_start3A_533] : memref<16384x56x128xf32, #tpu.memory_space<hbm>> -> memref<1x50x64xf32, #tpu.memory_space<hbm>>
      %dma_start3A_535 = tpu.memref_squeeze %dma_start3A_534 : memref<1x50x64xf32, #tpu.memory_space<hbm>> -> memref<50x64xf32, #tpu.memory_space<hbm>>
      %dma_start3A_536 = arith.constant 50 : i32
      %dma_start3A_537 = arith.constant 0 : i32
      %dma_start3A_538 = tpu.memref_slice %arg12[%dma_start3A_536, %dma_start3A_537] : memref<400x64xf32, #tpu.memory_space<vmem>> -> memref<50x64xf32, #tpu.memory_space<vmem>>
      tpu.enqueue_dma source(%dma_start3A_538 : memref<50x64xf32, #tpu.memory_space<vmem>>) target(%dma_start3A_535 : memref<50x64xf32, #tpu.memory_space<hbm>>) target_semaphore(%arg19 : memref<!tpu.dma_semaphore, #tpu.memory_space<semaphore_mem>>)
      %add3A_539 = arith.constant 2 : i32
      %add3A_540 = arith.addi %add3A_506, %add3A_539 : i32
      %dma_start3A_541 = arith.constant 100 : i32
      %dma_start3A_542 = arith.constant 0 : i32
      %dma_start3A_543 = tpu.memref_slice %arg12[%dma_start3A_541, %dma_start3A_542] : memref<400x64xf32, #tpu.memory_space<vmem>> -> memref<50x64xf32, #tpu.memory_space<vmem>>
      %dma_start3A_544 = arith.constant 0 : i32
      %dma_start3A_545 = arith.constant 0 : i32
      %dma_start3A_546 = tpu.memref_slice %arg7[%add3A_540, %dma_start3A_544, %dma_start3A_545] : memref<16384x56x128xf32, #tpu.memory_space<hbm>> -> memref<1x50x64xf32, #tpu.memory_space<hbm>>
      %dma_start3A_547 = tpu.memref_squeeze %dma_start3A_546 : memref<1x50x64xf32, #tpu.memory_space<hbm>> -> memref<50x64xf32, #tpu.memory_space<hbm>>
      %dma_start3A_548 = arith.constant 0 : i32
      %dma_start3A_549 = arith.constant 0 : i32
      %dma_start3A_550 = tpu.memref_slice %arg7[%add3A_540, %dma_start3A_548, %dma_start3A_549] : memref<16384x56x128xf32, #tpu.memory_space<hbm>> -> memref<1x50x64xf32, #tpu.memory_space<hbm>>
      %dma_start3A_551 = tpu.memref_squeeze %dma_start3A_550 : memref<1x50x64xf32, #tpu.memory_space<hbm>> -> memref<50x64xf32, #tpu.memory_space<hbm>>
      %dma_start3A_552 = arith.constant 100 : i32
      %dma_start3A_553 = arith.constant 0 : i32
      %dma_start3A_554 = tpu.memref_slice %arg12[%dma_start3A_552, %dma_start3A_553] : memref<400x64xf32, #tpu.memory_space<vmem>> -> memref<50x64xf32, #tpu.memory_space<vmem>>
      tpu.enqueue_dma source(%dma_start3A_554 : memref<50x64xf32, #tpu.memory_space<vmem>>) target(%dma_start3A_551 : memref<50x64xf32, #tpu.memory_space<hbm>>) target_semaphore(%arg19 : memref<!tpu.dma_semaphore, #tpu.memory_space<semaphore_mem>>)
      %add3A_555 = arith.constant 3 : i32
      %add3A_556 = arith.addi %add3A_506, %add3A_555 : i32
      %dma_start3A_557 = arith.constant 150 : i32
      %dma_start3A_558 = arith.constant 0 : i32
      %dma_start3A_559 = tpu.memref_slice %arg12[%dma_start3A_557, %dma_start3A_558] : memref<400x64xf32, #tpu.memory_space<vmem>> -> memref<50x64xf32, #tpu.memory_space<vmem>>
      %dma_start3A_560 = arith.constant 0 : i32
      %dma_start3A_561 = arith.constant 0 : i32
      %dma_start3A_562 = tpu.memref_slice %arg7[%add3A_556, %dma_start3A_560, %dma_start3A_561] : memref<16384x56x128xf32, #tpu.memory_space<hbm>> -> memref<1x50x64xf32, #tpu.memory_space<hbm>>
      %dma_start3A_563 = tpu.memref_squeeze %dma_start3A_562 : memref<1x50x64xf32, #tpu.memory_space<hbm>> -> memref<50x64xf32, #tpu.memory_space<hbm>>
      %dma_start3A_564 = arith.constant 0 : i32
      %dma_start3A_565 = arith.constant 0 : i32
      %dma_start3A_566 = tpu.memref_slice %arg7[%add3A_556, %dma_start3A_564, %dma_start3A_565] : memref<16384x56x128xf32, #tpu.memory_space<hbm>> -> memref<1x50x64xf32, #tpu.memory_space<hbm>>
      %dma_start3A_567 = tpu.memref_squeeze %dma_start3A_566 : memref<1x50x64xf32, #tpu.memory_space<hbm>> -> memref<50x64xf32, #tpu.memory_space<hbm>>
      %dma_start3A_568 = arith.constant 150 : i32
      %dma_start3A_569 = arith.constant 0 : i32
      %dma_start3A_570 = tpu.memref_slice %arg12[%dma_start3A_568, %dma_start3A_569] : memref<400x64xf32, #tpu.memory_space<vmem>> -> memref<50x64xf32, #tpu.memory_space<vmem>>
      tpu.enqueue_dma source(%dma_start3A_570 : memref<50x64xf32, #tpu.memory_space<vmem>>) target(%dma_start3A_567 : memref<50x64xf32, #tpu.memory_space<hbm>>) target_semaphore(%arg19 : memref<!tpu.dma_semaphore, #tpu.memory_space<semaphore_mem>>)
      %add3A_571 = arith.constant 4 : i32
      %add3A_572 = arith.addi %add3A_506, %add3A_571 : i32
      %dma_start3A_573 = arith.constant 200 : i32
      %dma_start3A_574 = arith.constant 0 : i32
      %dma_start3A_575 = tpu.memref_slice %arg12[%dma_start3A_573, %dma_start3A_574] : memref<400x64xf32, #tpu.memory_space<vmem>> -> memref<50x64xf32, #tpu.memory_space<vmem>>
      %dma_start3A_576 = arith.constant 0 : i32
      %dma_start3A_577 = arith.constant 0 : i32
      %dma_start3A_578 = tpu.memref_slice %arg7[%add3A_572, %dma_start3A_576, %dma_start3A_577] : memref<16384x56x128xf32, #tpu.memory_space<hbm>> -> memref<1x50x64xf32, #tpu.memory_space<hbm>>
      %dma_start3A_579 = tpu.memref_squeeze %dma_start3A_578 : memref<1x50x64xf32, #tpu.memory_space<hbm>> -> memref<50x64xf32, #tpu.memory_space<hbm>>
      %dma_start3A_580 = arith.constant 0 : i32
      %dma_start3A_581 = arith.constant 0 : i32
      %dma_start3A_582 = tpu.memref_slice %arg7[%add3A_572, %dma_start3A_580, %dma_start3A_581] : memref<16384x56x128xf32, #tpu.memory_space<hbm>> -> memref<1x50x64xf32, #tpu.memory_space<hbm>>
      %dma_start3A_583 = tpu.memref_squeeze %dma_start3A_582 : memref<1x50x64xf32, #tpu.memory_space<hbm>> -> memref<50x64xf32, #tpu.memory_space<hbm>>
      %dma_start3A_584 = arith.constant 200 : i32
      %dma_start3A_585 = arith.constant 0 : i32
      %dma_start3A_586 = tpu.memref_slice %arg12[%dma_start3A_584, %dma_start3A_585] : memref<400x64xf32, #tpu.memory_space<vmem>> -> memref<50x64xf32, #tpu.memory_space<vmem>>
      tpu.enqueue_dma source(%dma_start3A_586 : memref<50x64xf32, #tpu.memory_space<vmem>>) target(%dma_start3A_583 : memref<50x64xf32, #tpu.memory_space<hbm>>) target_semaphore(%arg19 : memref<!tpu.dma_semaphore, #tpu.memory_space<semaphore_mem>>)
      %add3A_587 = arith.constant 5 : i32
      %add3A_588 = arith.addi %add3A_506, %add3A_587 : i32
      %dma_start3A_589 = arith.constant 250 : i32
      %dma_start3A_590 = arith.constant 0 : i32
      %dma_start3A_591 = tpu.memref_slice %arg12[%dma_start3A_589, %dma_start3A_590] : memref<400x64xf32, #tpu.memory_space<vmem>> -> memref<50x64xf32, #tpu.memory_space<vmem>>
      %dma_start3A_592 = arith.constant 0 : i32
      %dma_start3A_593 = arith.constant 0 : i32
      %dma_start3A_594 = tpu.memref_slice %arg7[%add3A_588, %dma_start3A_592, %dma_start3A_593] : memref<16384x56x128xf32, #tpu.memory_space<hbm>> -> memref<1x50x64xf32, #tpu.memory_space<hbm>>
      %dma_start3A_595 = tpu.memref_squeeze %dma_start3A_594 : memref<1x50x64xf32, #tpu.memory_space<hbm>> -> memref<50x64xf32, #tpu.memory_space<hbm>>
      %dma_start3A_596 = arith.constant 0 : i32
      %dma_start3A_597 = arith.constant 0 : i32
      %dma_start3A_598 = tpu.memref_slice %arg7[%add3A_588, %dma_start3A_596, %dma_start3A_597] : memref<16384x56x128xf32, #tpu.memory_space<hbm>> -> memref<1x50x64xf32, #tpu.memory_space<hbm>>
      %dma_start3A_599 = tpu.memref_squeeze %dma_start3A_598 : memref<1x50x64xf32, #tpu.memory_space<hbm>> -> memref<50x64xf32, #tpu.memory_space<hbm>>
      %dma_start3A_600 = arith.constant 250 : i32
      %dma_start3A_601 = arith.constant 0 : i32
      %dma_start3A_602 = tpu.memref_slice %arg12[%dma_start3A_600, %dma_start3A_601] : memref<400x64xf32, #tpu.memory_space<vmem>> -> memref<50x64xf32, #tpu.memory_space<vmem>>
      tpu.enqueue_dma source(%dma_start3A_602 : memref<50x64xf32, #tpu.memory_space<vmem>>) target(%dma_start3A_599 : memref<50x64xf32, #tpu.memory_space<hbm>>) target_semaphore(%arg19 : memref<!tpu.dma_semaphore, #tpu.memory_space<semaphore_mem>>)
      %add3A_603 = arith.constant 6 : i32
      %add3A_604 = arith.addi %add3A_506, %add3A_603 : i32
      %dma_start3A_605 = arith.constant 300 : i32
      %dma_start3A_606 = arith.constant 0 : i32
      %dma_start3A_607 = tpu.memref_slice %arg12[%dma_start3A_605, %dma_start3A_606] : memref<400x64xf32, #tpu.memory_space<vmem>> -> memref<50x64xf32, #tpu.memory_space<vmem>>
      %dma_start3A_608 = arith.constant 0 : i32
      %dma_start3A_609 = arith.constant 0 : i32
      %dma_start3A_610 = tpu.memref_slice %arg7[%add3A_604, %dma_start3A_608, %dma_start3A_609] : memref<16384x56x128xf32, #tpu.memory_space<hbm>> -> memref<1x50x64xf32, #tpu.memory_space<hbm>>
      %dma_start3A_611 = tpu.memref_squeeze %dma_start3A_610 : memref<1x50x64xf32, #tpu.memory_space<hbm>> -> memref<50x64xf32, #tpu.memory_space<hbm>>
      %dma_start3A_612 = arith.constant 0 : i32
      %dma_start3A_613 = arith.constant 0 : i32
      %dma_start3A_614 = tpu.memref_slice %arg7[%add3A_604, %dma_start3A_612, %dma_start3A_613] : memref<16384x56x128xf32, #tpu.memory_space<hbm>> -> memref<1x50x64xf32, #tpu.memory_space<hbm>>
      %dma_start3A_615 = tpu.memref_squeeze %dma_start3A_614 : memref<1x50x64xf32, #tpu.memory_space<hbm>> -> memref<50x64xf32, #tpu.memory_space<hbm>>
      %dma_start3A_616 = arith.constant 300 : i32
      %dma_start3A_617 = arith.constant 0 : i32
      %dma_start3A_618 = tpu.memref_slice %arg12[%dma_start3A_616, %dma_start3A_617] : memref<400x64xf32, #tpu.memory_space<vmem>> -> memref<50x64xf32, #tpu.memory_space<vmem>>
      tpu.enqueue_dma source(%dma_start3A_618 : memref<50x64xf32, #tpu.memory_space<vmem>>) target(%dma_start3A_615 : memref<50x64xf32, #tpu.memory_space<hbm>>) target_semaphore(%arg19 : memref<!tpu.dma_semaphore, #tpu.memory_space<semaphore_mem>>)
      %add3A_619 = arith.constant 7 : i32
      %add3A_620 = arith.addi %add3A_506, %add3A_619 : i32
      %dma_start3A_621 = arith.constant 350 : i32
      %dma_start3A_622 = arith.constant 0 : i32
      %dma_start3A_623 = tpu.memref_slice %arg12[%dma_start3A_621, %dma_start3A_622] : memref<400x64xf32, #tpu.memory_space<vmem>> -> memref<50x64xf32, #tpu.memory_space<vmem>>
      %dma_start3A_624 = arith.constant 0 : i32
      %dma_start3A_625 = arith.constant 0 : i32
      %dma_start3A_626 = tpu.memref_slice %arg7[%add3A_620, %dma_start3A_624, %dma_start3A_625] : memref<16384x56x128xf32, #tpu.memory_space<hbm>> -> memref<1x50x64xf32, #tpu.memory_space<hbm>>
      %dma_start3A_627 = tpu.memref_squeeze %dma_start3A_626 : memref<1x50x64xf32, #tpu.memory_space<hbm>> -> memref<50x64xf32, #tpu.memory_space<hbm>>
      %dma_start3A_628 = arith.constant 0 : i32
      %dma_start3A_629 = arith.constant 0 : i32
      %dma_start3A_630 = tpu.memref_slice %arg7[%add3A_620, %dma_start3A_628, %dma_start3A_629] : memref<16384x56x128xf32, #tpu.memory_space<hbm>> -> memref<1x50x64xf32, #tpu.memory_space<hbm>>
      %dma_start3A_631 = tpu.memref_squeeze %dma_start3A_630 : memref<1x50x64xf32, #tpu.memory_space<hbm>> -> memref<50x64xf32, #tpu.memory_space<hbm>>
      %dma_start3A_632 = arith.constant 350 : i32
      %dma_start3A_633 = arith.constant 0 : i32
      %dma_start3A_634 = tpu.memref_slice %arg12[%dma_start3A_632, %dma_start3A_633] : memref<400x64xf32, #tpu.memory_space<vmem>> -> memref<50x64xf32, #tpu.memory_space<vmem>>
      tpu.enqueue_dma source(%dma_start3A_634 : memref<50x64xf32, #tpu.memory_space<vmem>>) target(%dma_start3A_631 : memref<50x64xf32, #tpu.memory_space<hbm>>) target_semaphore(%arg19 : memref<!tpu.dma_semaphore, #tpu.memory_space<semaphore_mem>>)
      %lt3A_635 = arith.constant 31 : i32
      %lt3A_636 = arith.cmpi slt, %scan3A_350, %lt3A_635 : i32
      %convert_element_type3A_637 = arith.extui %lt3A_636 : i1 to i32
      %cond3A_638 = arith.constant 0 : i32
      %cond3A_639 = arith.cmpi ne, %convert_element_type3A_637, %cond3A_638 : i32
      scf.if %cond3A_639 {
        %add3A_850 = arith.constant 0 : i32
        %add3A_851 = arith.addi %mul3A_6, %add3A_850 : i32
        %dma_wait3A_852 = arith.constant 0 : i32
        %dma_wait3A_853 = arith.constant 0 : i32
        %dma_wait3A_854 = tpu.memref_slice %arg12[%dma_wait3A_852, %dma_wait3A_853] : memref<400x64xf32, #tpu.memory_space<vmem>> -> memref<50x64xf32, #tpu.memory_space<vmem>>
        %dma_wait3A_855 = arith.constant 0 : i32
        %dma_wait3A_856 = arith.constant 0 : i32
        %dma_wait3A_857 = tpu.memref_slice %arg7[%add3A_851, %dma_wait3A_855, %dma_wait3A_856] : memref<16384x56x128xf32, #tpu.memory_space<hbm>> -> memref<1x50x64xf32, #tpu.memory_space<hbm>>
        %dma_wait3A_858 = tpu.memref_squeeze %dma_wait3A_857 : memref<1x50x64xf32, #tpu.memory_space<hbm>> -> memref<50x64xf32, #tpu.memory_space<hbm>>
        %dma_wait3A_859 = arith.constant 0 : i32
        %dma_wait3A_860 = arith.constant 0 : i32
        %dma_wait3A_861 = tpu.memref_slice %arg7[%add3A_851, %dma_wait3A_859, %dma_wait3A_860] : memref<16384x56x128xf32, #tpu.memory_space<hbm>> -> memref<1x50x64xf32, #tpu.memory_space<hbm>>
        %dma_wait3A_862 = tpu.memref_squeeze %dma_wait3A_861 : memref<1x50x64xf32, #tpu.memory_space<hbm>> -> memref<50x64xf32, #tpu.memory_space<hbm>>
        %dma_wait3A_863 = arith.constant 0 : i32
        %dma_wait3A_864 = arith.constant 0 : i32
        %dma_wait3A_865 = tpu.memref_slice %arg12[%dma_wait3A_863, %dma_wait3A_864] : memref<400x64xf32, #tpu.memory_space<vmem>> -> memref<50x64xf32, #tpu.memory_space<vmem>>
        tpu.wait_dma2 semaphore(%arg19 : memref<!tpu.dma_semaphore, #tpu.memory_space<semaphore_mem>>) src(%dma_wait3A_865 : memref<50x64xf32, #tpu.memory_space<vmem>>) dst(%dma_wait3A_862 : memref<50x64xf32, #tpu.memory_space<hbm>>)
        %add3A_866 = arith.constant 1 : i32
        %add3A_867 = arith.addi %mul3A_6, %add3A_866 : i32
        %dma_wait3A_868 = arith.constant 50 : i32
        %dma_wait3A_869 = arith.constant 0 : i32
        %dma_wait3A_870 = tpu.memref_slice %arg12[%dma_wait3A_868, %dma_wait3A_869] : memref<400x64xf32, #tpu.memory_space<vmem>> -> memref<50x64xf32, #tpu.memory_space<vmem>>
        %dma_wait3A_871 = arith.constant 0 : i32
        %dma_wait3A_872 = arith.constant 0 : i32
        %dma_wait3A_873 = tpu.memref_slice %arg7[%add3A_867, %dma_wait3A_871, %dma_wait3A_872] : memref<16384x56x128xf32, #tpu.memory_space<hbm>> -> memref<1x50x64xf32, #tpu.memory_space<hbm>>
        %dma_wait3A_874 = tpu.memref_squeeze %dma_wait3A_873 : memref<1x50x64xf32, #tpu.memory_space<hbm>> -> memref<50x64xf32, #tpu.memory_space<hbm>>
        %dma_wait3A_875 = arith.constant 0 : i32
        %dma_wait3A_876 = arith.constant 0 : i32
        %dma_wait3A_877 = tpu.memref_slice %arg7[%add3A_867, %dma_wait3A_875, %dma_wait3A_876] : memref<16384x56x128xf32, #tpu.memory_space<hbm>> -> memref<1x50x64xf32, #tpu.memory_space<hbm>>
        %dma_wait3A_878 = tpu.memref_squeeze %dma_wait3A_877 : memref<1x50x64xf32, #tpu.memory_space<hbm>> -> memref<50x64xf32, #tpu.memory_space<hbm>>
        %dma_wait3A_879 = arith.constant 50 : i32
        %dma_wait3A_880 = arith.constant 0 : i32
        %dma_wait3A_881 = tpu.memref_slice %arg12[%dma_wait3A_879, %dma_wait3A_880] : memref<400x64xf32, #tpu.memory_space<vmem>> -> memref<50x64xf32, #tpu.memory_space<vmem>>
        tpu.wait_dma2 semaphore(%arg19 : memref<!tpu.dma_semaphore, #tpu.memory_space<semaphore_mem>>) src(%dma_wait3A_881 : memref<50x64xf32, #tpu.memory_space<vmem>>) dst(%dma_wait3A_878 : memref<50x64xf32, #tpu.memory_space<hbm>>)
        %add3A_882 = arith.constant 2 : i32
        %add3A_883 = arith.addi %mul3A_6, %add3A_882 : i32
        %dma_wait3A_884 = arith.constant 100 : i32
        %dma_wait3A_885 = arith.constant 0 : i32
        %dma_wait3A_886 = tpu.memref_slice %arg12[%dma_wait3A_884, %dma_wait3A_885] : memref<400x64xf32, #tpu.memory_space<vmem>> -> memref<50x64xf32, #tpu.memory_space<vmem>>
        %dma_wait3A_887 = arith.constant 0 : i32
        %dma_wait3A_888 = arith.constant 0 : i32
        %dma_wait3A_889 = tpu.memref_slice %arg7[%add3A_883, %dma_wait3A_887, %dma_wait3A_888] : memref<16384x56x128xf32, #tpu.memory_space<hbm>> -> memref<1x50x64xf32, #tpu.memory_space<hbm>>
        %dma_wait3A_890 = tpu.memref_squeeze %dma_wait3A_889 : memref<1x50x64xf32, #tpu.memory_space<hbm>> -> memref<50x64xf32, #tpu.memory_space<hbm>>
        %dma_wait3A_891 = arith.constant 0 : i32
        %dma_wait3A_892 = arith.constant 0 : i32
        %dma_wait3A_893 = tpu.memref_slice %arg7[%add3A_883, %dma_wait3A_891, %dma_wait3A_892] : memref<16384x56x128xf32, #tpu.memory_space<hbm>> -> memref<1x50x64xf32, #tpu.memory_space<hbm>>
        %dma_wait3A_894 = tpu.memref_squeeze %dma_wait3A_893 : memref<1x50x64xf32, #tpu.memory_space<hbm>> -> memref<50x64xf32, #tpu.memory_space<hbm>>
        %dma_wait3A_895 = arith.constant 100 : i32
        %dma_wait3A_896 = arith.constant 0 : i32
        %dma_wait3A_897 = tpu.memref_slice %arg12[%dma_wait3A_895, %dma_wait3A_896] : memref<400x64xf32, #tpu.memory_space<vmem>> -> memref<50x64xf32, #tpu.memory_space<vmem>>
        tpu.wait_dma2 semaphore(%arg19 : memref<!tpu.dma_semaphore, #tpu.memory_space<semaphore_mem>>) src(%dma_wait3A_897 : memref<50x64xf32, #tpu.memory_space<vmem>>) dst(%dma_wait3A_894 : memref<50x64xf32, #tpu.memory_space<hbm>>)
        %add3A_898 = arith.constant 3 : i32
        %add3A_899 = arith.addi %mul3A_6, %add3A_898 : i32
        %dma_wait3A_900 = arith.constant 150 : i32
        %dma_wait3A_901 = arith.constant 0 : i32
        %dma_wait3A_902 = tpu.memref_slice %arg12[%dma_wait3A_900, %dma_wait3A_901] : memref<400x64xf32, #tpu.memory_space<vmem>> -> memref<50x64xf32, #tpu.memory_space<vmem>>
        %dma_wait3A_903 = arith.constant 0 : i32
        %dma_wait3A_904 = arith.constant 0 : i32
        %dma_wait3A_905 = tpu.memref_slice %arg7[%add3A_899, %dma_wait3A_903, %dma_wait3A_904] : memref<16384x56x128xf32, #tpu.memory_space<hbm>> -> memref<1x50x64xf32, #tpu.memory_space<hbm>>
        %dma_wait3A_906 = tpu.memref_squeeze %dma_wait3A_905 : memref<1x50x64xf32, #tpu.memory_space<hbm>> -> memref<50x64xf32, #tpu.memory_space<hbm>>
        %dma_wait3A_907 = arith.constant 0 : i32
        %dma_wait3A_908 = arith.constant 0 : i32
        %dma_wait3A_909 = tpu.memref_slice %arg7[%add3A_899, %dma_wait3A_907, %dma_wait3A_908] : memref<16384x56x128xf32, #tpu.memory_space<hbm>> -> memref<1x50x64xf32, #tpu.memory_space<hbm>>
        %dma_wait3A_910 = tpu.memref_squeeze %dma_wait3A_909 : memref<1x50x64xf32, #tpu.memory_space<hbm>> -> memref<50x64xf32, #tpu.memory_space<hbm>>
        %dma_wait3A_911 = arith.constant 150 : i32
        %dma_wait3A_912 = arith.constant 0 : i32
        %dma_wait3A_913 = tpu.memref_slice %arg12[%dma_wait3A_911, %dma_wait3A_912] : memref<400x64xf32, #tpu.memory_space<vmem>> -> memref<50x64xf32, #tpu.memory_space<vmem>>
        tpu.wait_dma2 semaphore(%arg19 : memref<!tpu.dma_semaphore, #tpu.memory_space<semaphore_mem>>) src(%dma_wait3A_913 : memref<50x64xf32, #tpu.memory_space<vmem>>) dst(%dma_wait3A_910 : memref<50x64xf32, #tpu.memory_space<hbm>>)
        %add3A_914 = arith.constant 4 : i32
        %add3A_915 = arith.addi %mul3A_6, %add3A_914 : i32
        %dma_wait3A_916 = arith.constant 200 : i32
        %dma_wait3A_917 = arith.constant 0 : i32
        %dma_wait3A_918 = tpu.memref_slice %arg12[%dma_wait3A_916, %dma_wait3A_917] : memref<400x64xf32, #tpu.memory_space<vmem>> -> memref<50x64xf32, #tpu.memory_space<vmem>>
        %dma_wait3A_919 = arith.constant 0 : i32
        %dma_wait3A_920 = arith.constant 0 : i32
        %dma_wait3A_921 = tpu.memref_slice %arg7[%add3A_915, %dma_wait3A_919, %dma_wait3A_920] : memref<16384x56x128xf32, #tpu.memory_space<hbm>> -> memref<1x50x64xf32, #tpu.memory_space<hbm>>
        %dma_wait3A_922 = tpu.memref_squeeze %dma_wait3A_921 : memref<1x50x64xf32, #tpu.memory_space<hbm>> -> memref<50x64xf32, #tpu.memory_space<hbm>>
        %dma_wait3A_923 = arith.constant 0 : i32
        %dma_wait3A_924 = arith.constant 0 : i32
        %dma_wait3A_925 = tpu.memref_slice %arg7[%add3A_915, %dma_wait3A_923, %dma_wait3A_924] : memref<16384x56x128xf32, #tpu.memory_space<hbm>> -> memref<1x50x64xf32, #tpu.memory_space<hbm>>
        %dma_wait3A_926 = tpu.memref_squeeze %dma_wait3A_925 : memref<1x50x64xf32, #tpu.memory_space<hbm>> -> memref<50x64xf32, #tpu.memory_space<hbm>>
        %dma_wait3A_927 = arith.constant 200 : i32
        %dma_wait3A_928 = arith.constant 0 : i32
        %dma_wait3A_929 = tpu.memref_slice %arg12[%dma_wait3A_927, %dma_wait3A_928] : memref<400x64xf32, #tpu.memory_space<vmem>> -> memref<50x64xf32, #tpu.memory_space<vmem>>
        tpu.wait_dma2 semaphore(%arg19 : memref<!tpu.dma_semaphore, #tpu.memory_space<semaphore_mem>>) src(%dma_wait3A_929 : memref<50x64xf32, #tpu.memory_space<vmem>>) dst(%dma_wait3A_926 : memref<50x64xf32, #tpu.memory_space<hbm>>)
        %add3A_930 = arith.constant 5 : i32
        %add3A_931 = arith.addi %mul3A_6, %add3A_930 : i32
        %dma_wait3A_932 = arith.constant 250 : i32
        %dma_wait3A_933 = arith.constant 0 : i32
        %dma_wait3A_934 = tpu.memref_slice %arg12[%dma_wait3A_932, %dma_wait3A_933] : memref<400x64xf32, #tpu.memory_space<vmem>> -> memref<50x64xf32, #tpu.memory_space<vmem>>
        %dma_wait3A_935 = arith.constant 0 : i32
        %dma_wait3A_936 = arith.constant 0 : i32
        %dma_wait3A_937 = tpu.memref_slice %arg7[%add3A_931, %dma_wait3A_935, %dma_wait3A_936] : memref<16384x56x128xf32, #tpu.memory_space<hbm>> -> memref<1x50x64xf32, #tpu.memory_space<hbm>>
        %dma_wait3A_938 = tpu.memref_squeeze %dma_wait3A_937 : memref<1x50x64xf32, #tpu.memory_space<hbm>> -> memref<50x64xf32, #tpu.memory_space<hbm>>
        %dma_wait3A_939 = arith.constant 0 : i32
        %dma_wait3A_940 = arith.constant 0 : i32
        %dma_wait3A_941 = tpu.memref_slice %arg7[%add3A_931, %dma_wait3A_939, %dma_wait3A_940] : memref<16384x56x128xf32, #tpu.memory_space<hbm>> -> memref<1x50x64xf32, #tpu.memory_space<hbm>>
        %dma_wait3A_942 = tpu.memref_squeeze %dma_wait3A_941 : memref<1x50x64xf32, #tpu.memory_space<hbm>> -> memref<50x64xf32, #tpu.memory_space<hbm>>
        %dma_wait3A_943 = arith.constant 250 : i32
        %dma_wait3A_944 = arith.constant 0 : i32
        %dma_wait3A_945 = tpu.memref_slice %arg12[%dma_wait3A_943, %dma_wait3A_944] : memref<400x64xf32, #tpu.memory_space<vmem>> -> memref<50x64xf32, #tpu.memory_space<vmem>>
        tpu.wait_dma2 semaphore(%arg19 : memref<!tpu.dma_semaphore, #tpu.memory_space<semaphore_mem>>) src(%dma_wait3A_945 : memref<50x64xf32, #tpu.memory_space<vmem>>) dst(%dma_wait3A_942 : memref<50x64xf32, #tpu.memory_space<hbm>>)
        %add3A_946 = arith.constant 6 : i32
        %add3A_947 = arith.addi %mul3A_6, %add3A_946 : i32
        %dma_wait3A_948 = arith.constant 300 : i32
        %dma_wait3A_949 = arith.constant 0 : i32
        %dma_wait3A_950 = tpu.memref_slice %arg12[%dma_wait3A_948, %dma_wait3A_949] : memref<400x64xf32, #tpu.memory_space<vmem>> -> memref<50x64xf32, #tpu.memory_space<vmem>>
        %dma_wait3A_951 = arith.constant 0 : i32
        %dma_wait3A_952 = arith.constant 0 : i32
        %dma_wait3A_953 = tpu.memref_slice %arg7[%add3A_947, %dma_wait3A_951, %dma_wait3A_952] : memref<16384x56x128xf32, #tpu.memory_space<hbm>> -> memref<1x50x64xf32, #tpu.memory_space<hbm>>
        %dma_wait3A_954 = tpu.memref_squeeze %dma_wait3A_953 : memref<1x50x64xf32, #tpu.memory_space<hbm>> -> memref<50x64xf32, #tpu.memory_space<hbm>>
        %dma_wait3A_955 = arith.constant 0 : i32
        %dma_wait3A_956 = arith.constant 0 : i32
        %dma_wait3A_957 = tpu.memref_slice %arg7[%add3A_947, %dma_wait3A_955, %dma_wait3A_956] : memref<16384x56x128xf32, #tpu.memory_space<hbm>> -> memref<1x50x64xf32, #tpu.memory_space<hbm>>
        %dma_wait3A_958 = tpu.memref_squeeze %dma_wait3A_957 : memref<1x50x64xf32, #tpu.memory_space<hbm>> -> memref<50x64xf32, #tpu.memory_space<hbm>>
        %dma_wait3A_959 = arith.constant 300 : i32
        %dma_wait3A_960 = arith.constant 0 : i32
        %dma_wait3A_961 = tpu.memref_slice %arg12[%dma_wait3A_959, %dma_wait3A_960] : memref<400x64xf32, #tpu.memory_space<vmem>> -> memref<50x64xf32, #tpu.memory_space<vmem>>
        tpu.wait_dma2 semaphore(%arg19 : memref<!tpu.dma_semaphore, #tpu.memory_space<semaphore_mem>>) src(%dma_wait3A_961 : memref<50x64xf32, #tpu.memory_space<vmem>>) dst(%dma_wait3A_958 : memref<50x64xf32, #tpu.memory_space<hbm>>)
        %add3A_962 = arith.constant 7 : i32
        %add3A_963 = arith.addi %mul3A_6, %add3A_962 : i32
        %dma_wait3A_964 = arith.constant 350 : i32
        %dma_wait3A_965 = arith.constant 0 : i32
        %dma_wait3A_966 = tpu.memref_slice %arg12[%dma_wait3A_964, %dma_wait3A_965] : memref<400x64xf32, #tpu.memory_space<vmem>> -> memref<50x64xf32, #tpu.memory_space<vmem>>
        %dma_wait3A_967 = arith.constant 0 : i32
        %dma_wait3A_968 = arith.constant 0 : i32
        %dma_wait3A_969 = tpu.memref_slice %arg7[%add3A_963, %dma_wait3A_967, %dma_wait3A_968] : memref<16384x56x128xf32, #tpu.memory_space<hbm>> -> memref<1x50x64xf32, #tpu.memory_space<hbm>>
        %dma_wait3A_970 = tpu.memref_squeeze %dma_wait3A_969 : memref<1x50x64xf32, #tpu.memory_space<hbm>> -> memref<50x64xf32, #tpu.memory_space<hbm>>
        %dma_wait3A_971 = arith.constant 0 : i32
        %dma_wait3A_972 = arith.constant 0 : i32
        %dma_wait3A_973 = tpu.memref_slice %arg7[%add3A_963, %dma_wait3A_971, %dma_wait3A_972] : memref<16384x56x128xf32, #tpu.memory_space<hbm>> -> memref<1x50x64xf32, #tpu.memory_space<hbm>>
        %dma_wait3A_974 = tpu.memref_squeeze %dma_wait3A_973 : memref<1x50x64xf32, #tpu.memory_space<hbm>> -> memref<50x64xf32, #tpu.memory_space<hbm>>
        %dma_wait3A_975 = arith.constant 350 : i32
        %dma_wait3A_976 = arith.constant 0 : i32
        %dma_wait3A_977 = tpu.memref_slice %arg12[%dma_wait3A_975, %dma_wait3A_976] : memref<400x64xf32, #tpu.memory_space<vmem>> -> memref<50x64xf32, #tpu.memory_space<vmem>>
        tpu.wait_dma2 semaphore(%arg19 : memref<!tpu.dma_semaphore, #tpu.memory_space<semaphore_mem>>) src(%dma_wait3A_977 : memref<50x64xf32, #tpu.memory_space<vmem>>) dst(%dma_wait3A_974 : memref<50x64xf32, #tpu.memory_space<hbm>>)
        %add3A_978 = arith.constant 2 : i32
        %add3A_979 = arith.addi %mul3A_352, %add3A_978 : i32
        %mul3A_980 = arith.constant 400 : i32
        %mul3A_981 = arith.muli %add3A_979, %mul3A_980 : i32
        %add3A_982 = arith.addi %mul3A_4, %mul3A_981 : i32
        %dma_wait3A_983 = tpu.memref_slice %arg2[%add3A_982] : memref<819200xi32, #tpu.memory_space<hbm>> -> memref<400xi32, #tpu.memory_space<hbm>>
        %dma_wait3A_984 = tpu.memref_slice %arg2[%add3A_982] : memref<819200xi32, #tpu.memory_space<hbm>> -> memref<400xi32, #tpu.memory_space<hbm>>
        tpu.wait_dma2 semaphore(%arg21 : memref<!tpu.dma_semaphore, #tpu.memory_space<semaphore_mem>>) src(%dma_wait3A_984 : memref<400xi32, #tpu.memory_space<hbm>>) dst(%arg8 : memref<400xi32, #tpu.memory_space<vmem>>)
        %dma_wait3A_985 = tpu.memref_slice %arg3[%add3A_982] : memref<819200xi32, #tpu.memory_space<hbm>> -> memref<400xi32, #tpu.memory_space<hbm>>
        %dma_wait3A_986 = tpu.memref_slice %arg3[%add3A_982] : memref<819200xi32, #tpu.memory_space<hbm>> -> memref<400xi32, #tpu.memory_space<hbm>>
        tpu.wait_dma2 semaphore(%arg21 : memref<!tpu.dma_semaphore, #tpu.memory_space<semaphore_mem>>) src(%dma_wait3A_986 : memref<400xi32, #tpu.memory_space<hbm>>) dst(%arg10 : memref<400xi32, #tpu.memory_space<vmem>>)
        %dma_start3A_987 = arith.constant 0 : i32
        %dma_start3A_988 = arith.constant 0 : i32
        %dma_start3A_989 = tpu.memref_slice %arg12[%dma_start3A_987, %dma_start3A_988] : memref<400x64xf32, #tpu.memory_space<vmem>> -> memref<128x64xf32, #tpu.memory_space<vmem>>
        %dma_start3A_990 = arith.constant 0 : i32
        %dma_start3A_991 = tpu.memref_slice %arg8[%dma_start3A_990] : memref<400xi32, #tpu.memory_space<vmem>> -> memref<128xi32, #tpu.memory_space<vmem>>
        %dma_start3A_992 = arith.constant 0 : i32
        %dma_start3A_993 = arith.constant 0 : i32
        %dma_start3A_994 = tpu.memref_slice %arg4[%dma_start3A_992, %dma_start3A_993] : memref<1000000x64xf32, #tpu.memory_space<hbm>> -> memref<1000000x64xf32, #tpu.memory_space<hbm>>
        tpu.enqueue_indirect_dma source(%dma_start3A_994 : memref<1000000x64xf32, #tpu.memory_space<hbm>>) target(%dma_start3A_989 : memref<128x64xf32, #tpu.memory_space<vmem>>) offsets(%dma_start3A_991 : memref<128xi32, #tpu.memory_space<vmem>>) semaphore(%arg17 : memref<!tpu.dma_semaphore, #tpu.memory_space<semaphore_mem>>)
        %dma_start3A_995 = arith.constant 0 : i32
        %dma_start3A_996 = arith.constant 0 : i32
        %dma_start3A_997 = tpu.memref_slice %arg14[%dma_start3A_995, %dma_start3A_996] : memref<400x16xf32, #tpu.memory_space<vmem>> -> memref<128x16xf32, #tpu.memory_space<vmem>>
        %dma_start3A_998 = arith.constant 0 : i32
        %dma_start3A_999 = tpu.memref_slice %arg10[%dma_start3A_998] : memref<400xi32, #tpu.memory_space<vmem>> -> memref<128xi32, #tpu.memory_space<vmem>>
        %dma_start3A_1000 = arith.constant 0 : i32
        %dma_start3A_1001 = arith.constant 0 : i32
        %dma_start3A_1002 = tpu.memref_slice %arg5[%dma_start3A_1000, %dma_start3A_1001] : memref<1000x16xf32, #tpu.memory_space<hbm>> -> memref<1000x16xf32, #tpu.memory_space<hbm>>
        tpu.enqueue_indirect_dma source(%dma_start3A_1002 : memref<1000x16xf32, #tpu.memory_space<hbm>>) target(%dma_start3A_997 : memref<128x16xf32, #tpu.memory_space<vmem>>) offsets(%dma_start3A_999 : memref<128xi32, #tpu.memory_space<vmem>>) semaphore(%arg17 : memref<!tpu.dma_semaphore, #tpu.memory_space<semaphore_mem>>)
        %dma_start3A_1003 = arith.constant 128 : i32
        %dma_start3A_1004 = arith.constant 0 : i32
        %dma_start3A_1005 = tpu.memref_slice %arg12[%dma_start3A_1003, %dma_start3A_1004] : memref<400x64xf32, #tpu.memory_space<vmem>> -> memref<128x64xf32, #tpu.memory_space<vmem>>
        %dma_start3A_1006 = arith.constant 128 : i32
        %dma_start3A_1007 = tpu.memref_slice %arg8[%dma_start3A_1006] : memref<400xi32, #tpu.memory_space<vmem>> -> memref<128xi32, #tpu.memory_space<vmem>>
        %dma_start3A_1008 = arith.constant 0 : i32
        %dma_start3A_1009 = arith.constant 0 : i32
        %dma_start3A_1010 = tpu.memref_slice %arg4[%dma_start3A_1008, %dma_start3A_1009] : memref<1000000x64xf32, #tpu.memory_space<hbm>> -> memref<1000000x64xf32, #tpu.memory_space<hbm>>
        tpu.enqueue_indirect_dma source(%dma_start3A_1010 : memref<1000000x64xf32, #tpu.memory_space<hbm>>) target(%dma_start3A_1005 : memref<128x64xf32, #tpu.memory_space<vmem>>) offsets(%dma_start3A_1007 : memref<128xi32, #tpu.memory_space<vmem>>) semaphore(%arg17 : memref<!tpu.dma_semaphore, #tpu.memory_space<semaphore_mem>>)
        %dma_start3A_1011 = arith.constant 128 : i32
        %dma_start3A_1012 = arith.constant 0 : i32
        %dma_start3A_1013 = tpu.memref_slice %arg14[%dma_start3A_1011, %dma_start3A_1012] : memref<400x16xf32, #tpu.memory_space<vmem>> -> memref<128x16xf32, #tpu.memory_space<vmem>>
        %dma_start3A_1014 = arith.constant 128 : i32
        %dma_start3A_1015 = tpu.memref_slice %arg10[%dma_start3A_1014] : memref<400xi32, #tpu.memory_space<vmem>> -> memref<128xi32, #tpu.memory_space<vmem>>
        %dma_start3A_1016 = arith.constant 0 : i32
        %dma_start3A_1017 = arith.constant 0 : i32
        %dma_start3A_1018 = tpu.memref_slice %arg5[%dma_start3A_1016, %dma_start3A_1017] : memref<1000x16xf32, #tpu.memory_space<hbm>> -> memref<1000x16xf32, #tpu.memory_space<hbm>>
        tpu.enqueue_indirect_dma source(%dma_start3A_1018 : memref<1000x16xf32, #tpu.memory_space<hbm>>) target(%dma_start3A_1013 : memref<128x16xf32, #tpu.memory_space<vmem>>) offsets(%dma_start3A_1015 : memref<128xi32, #tpu.memory_space<vmem>>) semaphore(%arg17 : memref<!tpu.dma_semaphore, #tpu.memory_space<semaphore_mem>>)
        %dma_start3A_1019 = arith.constant 256 : i32
        %dma_start3A_1020 = arith.constant 0 : i32
        %dma_start3A_1021 = tpu.memref_slice %arg12[%dma_start3A_1019, %dma_start3A_1020] : memref<400x64xf32, #tpu.memory_space<vmem>> -> memref<128x64xf32, #tpu.memory_space<vmem>>
        %dma_start3A_1022 = arith.constant 256 : i32
        %dma_start3A_1023 = tpu.memref_slice %arg8[%dma_start3A_1022] : memref<400xi32, #tpu.memory_space<vmem>> -> memref<128xi32, #tpu.memory_space<vmem>>
        %dma_start3A_1024 = arith.constant 0 : i32
        %dma_start3A_1025 = arith.constant 0 : i32
        %dma_start3A_1026 = tpu.memref_slice %arg4[%dma_start3A_1024, %dma_start3A_1025] : memref<1000000x64xf32, #tpu.memory_space<hbm>> -> memref<1000000x64xf32, #tpu.memory_space<hbm>>
        tpu.enqueue_indirect_dma source(%dma_start3A_1026 : memref<1000000x64xf32, #tpu.memory_space<hbm>>) target(%dma_start3A_1021 : memref<128x64xf32, #tpu.memory_space<vmem>>) offsets(%dma_start3A_1023 : memref<128xi32, #tpu.memory_space<vmem>>) semaphore(%arg17 : memref<!tpu.dma_semaphore, #tpu.memory_space<semaphore_mem>>)
        %dma_start3A_1027 = arith.constant 256 : i32
        %dma_start3A_1028 = arith.constant 0 : i32
        %dma_start3A_1029 = tpu.memref_slice %arg14[%dma_start3A_1027, %dma_start3A_1028] : memref<400x16xf32, #tpu.memory_space<vmem>> -> memref<128x16xf32, #tpu.memory_space<vmem>>
        %dma_start3A_1030 = arith.constant 256 : i32
        %dma_start3A_1031 = tpu.memref_slice %arg10[%dma_start3A_1030] : memref<400xi32, #tpu.memory_space<vmem>> -> memref<128xi32, #tpu.memory_space<vmem>>
        %dma_start3A_1032 = arith.constant 0 : i32
        %dma_start3A_1033 = arith.constant 0 : i32
        %dma_start3A_1034 = tpu.memref_slice %arg5[%dma_start3A_1032, %dma_start3A_1033] : memref<1000x16xf32, #tpu.memory_space<hbm>> -> memref<1000x16xf32, #tpu.memory_space<hbm>>
        tpu.enqueue_indirect_dma source(%dma_start3A_1034 : memref<1000x16xf32, #tpu.memory_space<hbm>>) target(%dma_start3A_1029 : memref<128x16xf32, #tpu.memory_space<vmem>>) offsets(%dma_start3A_1031 : memref<128xi32, #tpu.memory_space<vmem>>) semaphore(%arg17 : memref<!tpu.dma_semaphore, #tpu.memory_space<semaphore_mem>>)
        %dma_start3A_1035 = arith.constant 384 : i32
        %dma_start3A_1036 = arith.constant 0 : i32
        %dma_start3A_1037 = tpu.memref_slice %arg12[%dma_start3A_1035, %dma_start3A_1036] : memref<400x64xf32, #tpu.memory_space<vmem>> -> memref<16x64xf32, #tpu.memory_space<vmem>>
        %dma_start3A_1038 = arith.constant 384 : i32
        %dma_start3A_1039 = tpu.memref_slice %arg8[%dma_start3A_1038] : memref<400xi32, #tpu.memory_space<vmem>> -> memref<16xi32, #tpu.memory_space<vmem>>
        %dma_start3A_1040 = arith.constant 0 : i32
        %dma_start3A_1041 = arith.constant 0 : i32
        %dma_start3A_1042 = tpu.memref_slice %arg4[%dma_start3A_1040, %dma_start3A_1041] : memref<1000000x64xf32, #tpu.memory_space<hbm>> -> memref<1000000x64xf32, #tpu.memory_space<hbm>>
        tpu.enqueue_indirect_dma source(%dma_start3A_1042 : memref<1000000x64xf32, #tpu.memory_space<hbm>>) target(%dma_start3A_1037 : memref<16x64xf32, #tpu.memory_space<vmem>>) offsets(%dma_start3A_1039 : memref<16xi32, #tpu.memory_space<vmem>>) semaphore(%arg17 : memref<!tpu.dma_semaphore, #tpu.memory_space<semaphore_mem>>)
        %dma_start3A_1043 = arith.constant 384 : i32
        %dma_start3A_1044 = arith.constant 0 : i32
        %dma_start3A_1045 = tpu.memref_slice %arg14[%dma_start3A_1043, %dma_start3A_1044] : memref<400x16xf32, #tpu.memory_space<vmem>> -> memref<16x16xf32, #tpu.memory_space<vmem>>
        %dma_start3A_1046 = arith.constant 384 : i32
        %dma_start3A_1047 = tpu.memref_slice %arg10[%dma_start3A_1046] : memref<400xi32, #tpu.memory_space<vmem>> -> memref<16xi32, #tpu.memory_space<vmem>>
        %dma_start3A_1048 = arith.constant 0 : i32
        %dma_start3A_1049 = arith.constant 0 : i32
        %dma_start3A_1050 = tpu.memref_slice %arg5[%dma_start3A_1048, %dma_start3A_1049] : memref<1000x16xf32, #tpu.memory_space<hbm>> -> memref<1000x16xf32, #tpu.memory_space<hbm>>
        tpu.enqueue_indirect_dma source(%dma_start3A_1050 : memref<1000x16xf32, #tpu.memory_space<hbm>>) target(%dma_start3A_1045 : memref<16x16xf32, #tpu.memory_space<vmem>>) offsets(%dma_start3A_1047 : memref<16xi32, #tpu.memory_space<vmem>>) semaphore(%arg17 : memref<!tpu.dma_semaphore, #tpu.memory_space<semaphore_mem>>)
      } else {
      }
      %add3A_640 = arith.constant 1 : i32
      %add3A_641 = arith.addi %mul3A_352, %add3A_640 : i32
      %dma_wait3A_642 = arith.constant 0 : i32
      %dma_wait3A_643 = arith.constant 0 : i32
      %dma_wait3A_644 = tpu.memref_slice %arg13[%dma_wait3A_642, %dma_wait3A_643] : memref<400x64xf32, #tpu.memory_space<vmem>> -> memref<128x64xf32, #tpu.memory_space<vmem>>
      %dma_wait3A_645 = arith.constant 0 : i32
      %dma_wait3A_646 = tpu.memref_slice %arg9[%dma_wait3A_645] : memref<400xi32, #tpu.memory_space<vmem>> -> memref<128xi32, #tpu.memory_space<vmem>>
      %dma_wait3A_647 = arith.constant 0 : i32
      %dma_wait3A_648 = arith.constant 0 : i32
      %dma_wait3A_649 = tpu.memref_slice %arg4[%dma_wait3A_647, %dma_wait3A_648] : memref<1000000x64xf32, #tpu.memory_space<hbm>> -> memref<1000000x64xf32, #tpu.memory_space<hbm>>
      tpu.wait_indirect_dma semaphore(%arg18 : memref<!tpu.dma_semaphore, #tpu.memory_space<semaphore_mem>>) src(%dma_wait3A_649 : memref<1000000x64xf32, #tpu.memory_space<hbm>>) dst(%dma_wait3A_644 : memref<128x64xf32, #tpu.memory_space<vmem>>)
      %dma_wait3A_650 = arith.constant 0 : i32
      %dma_wait3A_651 = arith.constant 0 : i32
      %dma_wait3A_652 = tpu.memref_slice %arg15[%dma_wait3A_650, %dma_wait3A_651] : memref<400x16xf32, #tpu.memory_space<vmem>> -> memref<128x16xf32, #tpu.memory_space<vmem>>
      %dma_wait3A_653 = arith.constant 0 : i32
      %dma_wait3A_654 = tpu.memref_slice %arg11[%dma_wait3A_653] : memref<400xi32, #tpu.memory_space<vmem>> -> memref<128xi32, #tpu.memory_space<vmem>>
      %dma_wait3A_655 = arith.constant 0 : i32
      %dma_wait3A_656 = arith.constant 0 : i32
      %dma_wait3A_657 = tpu.memref_slice %arg5[%dma_wait3A_655, %dma_wait3A_656] : memref<1000x16xf32, #tpu.memory_space<hbm>> -> memref<1000x16xf32, #tpu.memory_space<hbm>>
      tpu.wait_indirect_dma semaphore(%arg18 : memref<!tpu.dma_semaphore, #tpu.memory_space<semaphore_mem>>) src(%dma_wait3A_657 : memref<1000x16xf32, #tpu.memory_space<hbm>>) dst(%dma_wait3A_652 : memref<128x16xf32, #tpu.memory_space<vmem>>)
      %dma_wait3A_658 = arith.constant 128 : i32
      %dma_wait3A_659 = arith.constant 0 : i32
      %dma_wait3A_660 = tpu.memref_slice %arg13[%dma_wait3A_658, %dma_wait3A_659] : memref<400x64xf32, #tpu.memory_space<vmem>> -> memref<128x64xf32, #tpu.memory_space<vmem>>
      %dma_wait3A_661 = arith.constant 128 : i32
      %dma_wait3A_662 = tpu.memref_slice %arg9[%dma_wait3A_661] : memref<400xi32, #tpu.memory_space<vmem>> -> memref<128xi32, #tpu.memory_space<vmem>>
      %dma_wait3A_663 = arith.constant 0 : i32
      %dma_wait3A_664 = arith.constant 0 : i32
      %dma_wait3A_665 = tpu.memref_slice %arg4[%dma_wait3A_663, %dma_wait3A_664] : memref<1000000x64xf32, #tpu.memory_space<hbm>> -> memref<1000000x64xf32, #tpu.memory_space<hbm>>
      tpu.wait_indirect_dma semaphore(%arg18 : memref<!tpu.dma_semaphore, #tpu.memory_space<semaphore_mem>>) src(%dma_wait3A_665 : memref<1000000x64xf32, #tpu.memory_space<hbm>>) dst(%dma_wait3A_660 : memref<128x64xf32, #tpu.memory_space<vmem>>)
      %dma_wait3A_666 = arith.constant 128 : i32
      %dma_wait3A_667 = arith.constant 0 : i32
      %dma_wait3A_668 = tpu.memref_slice %arg15[%dma_wait3A_666, %dma_wait3A_667] : memref<400x16xf32, #tpu.memory_space<vmem>> -> memref<128x16xf32, #tpu.memory_space<vmem>>
      %dma_wait3A_669 = arith.constant 128 : i32
      %dma_wait3A_670 = tpu.memref_slice %arg11[%dma_wait3A_669] : memref<400xi32, #tpu.memory_space<vmem>> -> memref<128xi32, #tpu.memory_space<vmem>>
      %dma_wait3A_671 = arith.constant 0 : i32
      %dma_wait3A_672 = arith.constant 0 : i32
      %dma_wait3A_673 = tpu.memref_slice %arg5[%dma_wait3A_671, %dma_wait3A_672] : memref<1000x16xf32, #tpu.memory_space<hbm>> -> memref<1000x16xf32, #tpu.memory_space<hbm>>
      tpu.wait_indirect_dma semaphore(%arg18 : memref<!tpu.dma_semaphore, #tpu.memory_space<semaphore_mem>>) src(%dma_wait3A_673 : memref<1000x16xf32, #tpu.memory_space<hbm>>) dst(%dma_wait3A_668 : memref<128x16xf32, #tpu.memory_space<vmem>>)
      %dma_wait3A_674 = arith.constant 256 : i32
      %dma_wait3A_675 = arith.constant 0 : i32
      %dma_wait3A_676 = tpu.memref_slice %arg13[%dma_wait3A_674, %dma_wait3A_675] : memref<400x64xf32, #tpu.memory_space<vmem>> -> memref<128x64xf32, #tpu.memory_space<vmem>>
      %dma_wait3A_677 = arith.constant 256 : i32
      %dma_wait3A_678 = tpu.memref_slice %arg9[%dma_wait3A_677] : memref<400xi32, #tpu.memory_space<vmem>> -> memref<128xi32, #tpu.memory_space<vmem>>
      %dma_wait3A_679 = arith.constant 0 : i32
      %dma_wait3A_680 = arith.constant 0 : i32
      %dma_wait3A_681 = tpu.memref_slice %arg4[%dma_wait3A_679, %dma_wait3A_680] : memref<1000000x64xf32, #tpu.memory_space<hbm>> -> memref<1000000x64xf32, #tpu.memory_space<hbm>>
      tpu.wait_indirect_dma semaphore(%arg18 : memref<!tpu.dma_semaphore, #tpu.memory_space<semaphore_mem>>) src(%dma_wait3A_681 : memref<1000000x64xf32, #tpu.memory_space<hbm>>) dst(%dma_wait3A_676 : memref<128x64xf32, #tpu.memory_space<vmem>>)
      %dma_wait3A_682 = arith.constant 256 : i32
      %dma_wait3A_683 = arith.constant 0 : i32
      %dma_wait3A_684 = tpu.memref_slice %arg15[%dma_wait3A_682, %dma_wait3A_683] : memref<400x16xf32, #tpu.memory_space<vmem>> -> memref<128x16xf32, #tpu.memory_space<vmem>>
      %dma_wait3A_685 = arith.constant 256 : i32
      %dma_wait3A_686 = tpu.memref_slice %arg11[%dma_wait3A_685] : memref<400xi32, #tpu.memory_space<vmem>> -> memref<128xi32, #tpu.memory_space<vmem>>
      %dma_wait3A_687 = arith.constant 0 : i32
      %dma_wait3A_688 = arith.constant 0 : i32
      %dma_wait3A_689 = tpu.memref_slice %arg5[%dma_wait3A_687, %dma_wait3A_688] : memref<1000x16xf32, #tpu.memory_space<hbm>> -> memref<1000x16xf32, #tpu.memory_space<hbm>>
      tpu.wait_indirect_dma semaphore(%arg18 : memref<!tpu.dma_semaphore, #tpu.memory_space<semaphore_mem>>) src(%dma_wait3A_689 : memref<1000x16xf32, #tpu.memory_space<hbm>>) dst(%dma_wait3A_684 : memref<128x16xf32, #tpu.memory_space<vmem>>)
      %dma_wait3A_690 = arith.constant 384 : i32
      %dma_wait3A_691 = arith.constant 0 : i32
      %dma_wait3A_692 = tpu.memref_slice %arg13[%dma_wait3A_690, %dma_wait3A_691] : memref<400x64xf32, #tpu.memory_space<vmem>> -> memref<16x64xf32, #tpu.memory_space<vmem>>
      %dma_wait3A_693 = arith.constant 384 : i32
      %dma_wait3A_694 = tpu.memref_slice %arg9[%dma_wait3A_693] : memref<400xi32, #tpu.memory_space<vmem>> -> memref<16xi32, #tpu.memory_space<vmem>>
      %dma_wait3A_695 = arith.constant 0 : i32
      %dma_wait3A_696 = arith.constant 0 : i32
      %dma_wait3A_697 = tpu.memref_slice %arg4[%dma_wait3A_695, %dma_wait3A_696] : memref<1000000x64xf32, #tpu.memory_space<hbm>> -> memref<1000000x64xf32, #tpu.memory_space<hbm>>
      tpu.wait_indirect_dma semaphore(%arg18 : memref<!tpu.dma_semaphore, #tpu.memory_space<semaphore_mem>>) src(%dma_wait3A_697 : memref<1000000x64xf32, #tpu.memory_space<hbm>>) dst(%dma_wait3A_692 : memref<16x64xf32, #tpu.memory_space<vmem>>)
      %dma_wait3A_698 = arith.constant 384 : i32
      %dma_wait3A_699 = arith.constant 0 : i32
      %dma_wait3A_700 = tpu.memref_slice %arg15[%dma_wait3A_698, %dma_wait3A_699] : memref<400x16xf32, #tpu.memory_space<vmem>> -> memref<16x16xf32, #tpu.memory_space<vmem>>
      %dma_wait3A_701 = arith.constant 384 : i32
      %dma_wait3A_702 = tpu.memref_slice %arg11[%dma_wait3A_701] : memref<400xi32, #tpu.memory_space<vmem>> -> memref<16xi32, #tpu.memory_space<vmem>>
      %dma_wait3A_703 = arith.constant 0 : i32
      %dma_wait3A_704 = arith.constant 0 : i32
      %dma_wait3A_705 = tpu.memref_slice %arg5[%dma_wait3A_703, %dma_wait3A_704] : memref<1000x16xf32, #tpu.memory_space<hbm>> -> memref<1000x16xf32, #tpu.memory_space<hbm>>
      tpu.wait_indirect_dma semaphore(%arg18 : memref<!tpu.dma_semaphore, #tpu.memory_space<semaphore_mem>>) src(%dma_wait3A_705 : memref<1000x16xf32, #tpu.memory_space<hbm>>) dst(%dma_wait3A_700 : memref<16x16xf32, #tpu.memory_space<vmem>>)
      %add3A_706 = arith.constant 2 : i32
      %add3A_707 = arith.addi %add3A_641, %add3A_706 : i32
      %lt3A_708 = arith.constant 64 : i32
      %lt3A_709 = arith.cmpi slt, %add3A_707, %lt3A_708 : i32
      %convert_element_type3A_710 = arith.extui %lt3A_709 : i1 to i32
      %cond3A_711 = arith.constant 0 : i32
      %cond3A_712 = arith.cmpi ne, %convert_element_type3A_710, %cond3A_711 : i32
      scf.if %cond3A_712 {
        %add3A_850 = arith.constant 2 : i32
        %add3A_851 = arith.addi %add3A_641, %add3A_850 : i32
        %mul3A_852 = arith.constant 400 : i32
        %mul3A_853 = arith.muli %add3A_851, %mul3A_852 : i32
        %add3A_854 = arith.addi %mul3A_4, %mul3A_853 : i32
        %dma_start3A_855 = tpu.memref_slice %arg2[%add3A_854] : memref<819200xi32, #tpu.memory_space<hbm>> -> memref<400xi32, #tpu.memory_space<hbm>>
        %dma_start3A_856 = tpu.memref_slice %arg2[%add3A_854] : memref<819200xi32, #tpu.memory_space<hbm>> -> memref<400xi32, #tpu.memory_space<hbm>>
        tpu.enqueue_dma source(%dma_start3A_856 : memref<400xi32, #tpu.memory_space<hbm>>) target(%arg9 : memref<400xi32, #tpu.memory_space<vmem>>) target_semaphore(%arg22 : memref<!tpu.dma_semaphore, #tpu.memory_space<semaphore_mem>>)
        %dma_start3A_857 = tpu.memref_slice %arg3[%add3A_854] : memref<819200xi32, #tpu.memory_space<hbm>> -> memref<400xi32, #tpu.memory_space<hbm>>
        %dma_start3A_858 = tpu.memref_slice %arg3[%add3A_854] : memref<819200xi32, #tpu.memory_space<hbm>> -> memref<400xi32, #tpu.memory_space<hbm>>
        tpu.enqueue_dma source(%dma_start3A_858 : memref<400xi32, #tpu.memory_space<hbm>>) target(%arg11 : memref<400xi32, #tpu.memory_space<vmem>>) target_semaphore(%arg22 : memref<!tpu.dma_semaphore, #tpu.memory_space<semaphore_mem>>)
      } else {
      }
      %scan3A_713 = arith.constant 0 : i32
      %scan3A_714 = arith.constant 0 : i32
      %scan3A_715 = arith.constant 400 : i32
      %scan3A_716 = arith.addi %scan3A_714, %scan3A_715 : i32
      %scan3A_717 = arith.constant 8 : i32
      scf.for %scan3A_850 = %scan3A_714 to %scan3A_716 step %scan3A_717  : i32 {
        %get3A_851 = arith.index_cast %scan3A_850 : i32 to index
        %get3A_852 = arith.constant 0 : index
        %get3A_853 = tpu.vector_load %arg15[%get3A_851, %get3A_852] {strides = array<i32>} : memref<400x16xf32, #tpu.memory_space<vmem>>, vector<1x16xf32>,
        %get3A_854 = vector.shape_cast %get3A_853 : vector<1x16xf32> to vector<16xf32>
        %mul3A_855 = arith.mulf %get3A_8, %get3A_854 : vector<16xf32>
        %swap3A = arith.index_cast %scan3A_850 : i32 to index
        %swap3A_856 = arith.constant 0 : index
        %swap3A_857 = tpu.vector_load %arg13[%swap3A, %swap3A_856] {strides = array<i32>} : memref<400x64xf32, #tpu.memory_space<vmem>>, vector<1x16xf32>,
        %swap3A_858 = vector.shape_cast %swap3A_857 : vector<1x16xf32> to vector<16xf32>
        %swap3A_859 = vector.shape_cast %mul3A_855 : vector<16xf32> to vector<1x16xf32>
        tpu.vector_store %arg13[%swap3A, %swap3A_856], %swap3A_859 {add = true, strides = array<i32>} : memref<400x64xf32, #tpu.memory_space<vmem>>, vector<1x16xf32>,
        %scan3A_860 = arith.constant 1 : i32
        %scan3A_861 = arith.addi %scan3A_850, %scan3A_860 : i32
        %get3A_862 = arith.index_cast %scan3A_861 : i32 to index
        %get3A_863 = arith.constant 0 : index
        %get3A_864 = tpu.vector_load %arg15[%get3A_862, %get3A_863] {strides = array<i32>} : memref<400x16xf32, #tpu.memory_space<vmem>>, vector<1x16xf32>,
        %get3A_865 = vector.shape_cast %get3A_864 : vector<1x16xf32> to vector<16xf32>
        %mul3A_866 = arith.mulf %get3A_8, %get3A_865 : vector<16xf32>
        %swap3A_867 = arith.index_cast %scan3A_861 : i32 to index
        %swap3A_868 = arith.constant 0 : index
        %swap3A_869 = tpu.vector_load %arg13[%swap3A_867, %swap3A_868] {strides = array<i32>} : memref<400x64xf32, #tpu.memory_space<vmem>>, vector<1x16xf32>,
        %swap3A_870 = vector.shape_cast %swap3A_869 : vector<1x16xf32> to vector<16xf32>
        %swap3A_871 = vector.shape_cast %mul3A_866 : vector<16xf32> to vector<1x16xf32>
        tpu.vector_store %arg13[%swap3A_867, %swap3A_868], %swap3A_871 {add = true, strides = array<i32>} : memref<400x64xf32, #tpu.memory_space<vmem>>, vector<1x16xf32>,
        %scan3A_872 = arith.constant 2 : i32
        %scan3A_873 = arith.addi %scan3A_850, %scan3A_872 : i32
        %get3A_874 = arith.index_cast %scan3A_873 : i32 to index
        %get3A_875 = arith.constant 0 : index
        %get3A_876 = tpu.vector_load %arg15[%get3A_874, %get3A_875] {strides = array<i32>} : memref<400x16xf32, #tpu.memory_space<vmem>>, vector<1x16xf32>,
        %get3A_877 = vector.shape_cast %get3A_876 : vector<1x16xf32> to vector<16xf32>
        %mul3A_878 = arith.mulf %get3A_8, %get3A_877 : vector<16xf32>
        %swap3A_879 = arith.index_cast %scan3A_873 : i32 to index
        %swap3A_880 = arith.constant 0 : index
        %swap3A_881 = tpu.vector_load %arg13[%swap3A_879, %swap3A_880] {strides = array<i32>} : memref<400x64xf32, #tpu.memory_space<vmem>>, vector<1x16xf32>,
        %swap3A_882 = vector.shape_cast %swap3A_881 : vector<1x16xf32> to vector<16xf32>
        %swap3A_883 = vector.shape_cast %mul3A_878 : vector<16xf32> to vector<1x16xf32>
        tpu.vector_store %arg13[%swap3A_879, %swap3A_880], %swap3A_883 {add = true, strides = array<i32>} : memref<400x64xf32, #tpu.memory_space<vmem>>, vector<1x16xf32>,
        %scan3A_884 = arith.constant 3 : i32
        %scan3A_885 = arith.addi %scan3A_850, %scan3A_884 : i32
        %get3A_886 = arith.index_cast %scan3A_885 : i32 to index
        %get3A_887 = arith.constant 0 : index
        %get3A_888 = tpu.vector_load %arg15[%get3A_886, %get3A_887] {strides = array<i32>} : memref<400x16xf32, #tpu.memory_space<vmem>>, vector<1x16xf32>,
        %get3A_889 = vector.shape_cast %get3A_888 : vector<1x16xf32> to vector<16xf32>
        %mul3A_890 = arith.mulf %get3A_8, %get3A_889 : vector<16xf32>
        %swap3A_891 = arith.index_cast %scan3A_885 : i32 to index
        %swap3A_892 = arith.constant 0 : index
        %swap3A_893 = tpu.vector_load %arg13[%swap3A_891, %swap3A_892] {strides = array<i32>} : memref<400x64xf32, #tpu.memory_space<vmem>>, vector<1x16xf32>,
        %swap3A_894 = vector.shape_cast %swap3A_893 : vector<1x16xf32> to vector<16xf32>
        %swap3A_895 = vector.shape_cast %mul3A_890 : vector<16xf32> to vector<1x16xf32>
        tpu.vector_store %arg13[%swap3A_891, %swap3A_892], %swap3A_895 {add = true, strides = array<i32>} : memref<400x64xf32, #tpu.memory_space<vmem>>, vector<1x16xf32>,
        %scan3A_896 = arith.constant 4 : i32
        %scan3A_897 = arith.addi %scan3A_850, %scan3A_896 : i32
        %get3A_898 = arith.index_cast %scan3A_897 : i32 to index
        %get3A_899 = arith.constant 0 : index
        %get3A_900 = tpu.vector_load %arg15[%get3A_898, %get3A_899] {strides = array<i32>} : memref<400x16xf32, #tpu.memory_space<vmem>>, vector<1x16xf32>,
        %get3A_901 = vector.shape_cast %get3A_900 : vector<1x16xf32> to vector<16xf32>
        %mul3A_902 = arith.mulf %get3A_8, %get3A_901 : vector<16xf32>
        %swap3A_903 = arith.index_cast %scan3A_897 : i32 to index
        %swap3A_904 = arith.constant 0 : index
        %swap3A_905 = tpu.vector_load %arg13[%swap3A_903, %swap3A_904] {strides = array<i32>} : memref<400x64xf32, #tpu.memory_space<vmem>>, vector<1x16xf32>,
        %swap3A_906 = vector.shape_cast %swap3A_905 : vector<1x16xf32> to vector<16xf32>
        %swap3A_907 = vector.shape_cast %mul3A_902 : vector<16xf32> to vector<1x16xf32>
        tpu.vector_store %arg13[%swap3A_903, %swap3A_904], %swap3A_907 {add = true, strides = array<i32>} : memref<400x64xf32, #tpu.memory_space<vmem>>, vector<1x16xf32>,
        %scan3A_908 = arith.constant 5 : i32
        %scan3A_909 = arith.addi %scan3A_850, %scan3A_908 : i32
        %get3A_910 = arith.index_cast %scan3A_909 : i32 to index
        %get3A_911 = arith.constant 0 : index
        %get3A_912 = tpu.vector_load %arg15[%get3A_910, %get3A_911] {strides = array<i32>} : memref<400x16xf32, #tpu.memory_space<vmem>>, vector<1x16xf32>,
        %get3A_913 = vector.shape_cast %get3A_912 : vector<1x16xf32> to vector<16xf32>
        %mul3A_914 = arith.mulf %get3A_8, %get3A_913 : vector<16xf32>
        %swap3A_915 = arith.index_cast %scan3A_909 : i32 to index
        %swap3A_916 = arith.constant 0 : index
        %swap3A_917 = tpu.vector_load %arg13[%swap3A_915, %swap3A_916] {strides = array<i32>} : memref<400x64xf32, #tpu.memory_space<vmem>>, vector<1x16xf32>,
        %swap3A_918 = vector.shape_cast %swap3A_917 : vector<1x16xf32> to vector<16xf32>
        %swap3A_919 = vector.shape_cast %mul3A_914 : vector<16xf32> to vector<1x16xf32>
        tpu.vector_store %arg13[%swap3A_915, %swap3A_916], %swap3A_919 {add = true, strides = array<i32>} : memref<400x64xf32, #tpu.memory_space<vmem>>, vector<1x16xf32>,
        %scan3A_920 = arith.constant 6 : i32
        %scan3A_921 = arith.addi %scan3A_850, %scan3A_920 : i32
        %get3A_922 = arith.index_cast %scan3A_921 : i32 to index
        %get3A_923 = arith.constant 0 : index
        %get3A_924 = tpu.vector_load %arg15[%get3A_922, %get3A_923] {strides = array<i32>} : memref<400x16xf32, #tpu.memory_space<vmem>>, vector<1x16xf32>,
        %get3A_925 = vector.shape_cast %get3A_924 : vector<1x16xf32> to vector<16xf32>
        %mul3A_926 = arith.mulf %get3A_8, %get3A_925 : vector<16xf32>
        %swap3A_927 = arith.index_cast %scan3A_921 : i32 to index
        %swap3A_928 = arith.constant 0 : index
        %swap3A_929 = tpu.vector_load %arg13[%swap3A_927, %swap3A_928] {strides = array<i32>} : memref<400x64xf32, #tpu.memory_space<vmem>>, vector<1x16xf32>,
        %swap3A_930 = vector.shape_cast %swap3A_929 : vector<1x16xf32> to vector<16xf32>
        %swap3A_931 = vector.shape_cast %mul3A_926 : vector<16xf32> to vector<1x16xf32>
        tpu.vector_store %arg13[%swap3A_927, %swap3A_928], %swap3A_931 {add = true, strides = array<i32>} : memref<400x64xf32, #tpu.memory_space<vmem>>, vector<1x16xf32>,
        %scan3A_932 = arith.constant 7 : i32
        %scan3A_933 = arith.addi %scan3A_850, %scan3A_932 : i32
        %get3A_934 = arith.index_cast %scan3A_933 : i32 to index
        %get3A_935 = arith.constant 0 : index
        %get3A_936 = tpu.vector_load %arg15[%get3A_934, %get3A_935] {strides = array<i32>} : memref<400x16xf32, #tpu.memory_space<vmem>>, vector<1x16xf32>,
        %get3A_937 = vector.shape_cast %get3A_936 : vector<1x16xf32> to vector<16xf32>
        %mul3A_938 = arith.mulf %get3A_8, %get3A_937 : vector<16xf32>
        %swap3A_939 = arith.index_cast %scan3A_933 : i32 to index
        %swap3A_940 = arith.constant 0 : index
        %swap3A_941 = tpu.vector_load %arg13[%swap3A_939, %swap3A_940] {strides = array<i32>} : memref<400x64xf32, #tpu.memory_space<vmem>>, vector<1x16xf32>,
        %swap3A_942 = vector.shape_cast %swap3A_941 : vector<1x16xf32> to vector<16xf32>
        %swap3A_943 = vector.shape_cast %mul3A_938 : vector<16xf32> to vector<1x16xf32>
        tpu.vector_store %arg13[%swap3A_939, %swap3A_940], %swap3A_943 {add = true, strides = array<i32>} : memref<400x64xf32, #tpu.memory_space<vmem>>, vector<1x16xf32>,
      }
      %scan3A_718 = arith.constant 400 : i32
      %mul3A_719 = arith.constant 8 : i32
      %mul3A_720 = arith.muli %add3A_641, %mul3A_719 : i32
      %add3A_721 = arith.addi %mul3A_6, %mul3A_720 : i32
      %add3A_722 = arith.constant 0 : i32
      %add3A_723 = arith.addi %add3A_721, %add3A_722 : i32
      %dma_start3A_724 = arith.constant 0 : i32
      %dma_start3A_725 = arith.constant 0 : i32
      %dma_start3A_726 = tpu.memref_slice %arg13[%dma_start3A_724, %dma_start3A_725] : memref<400x64xf32, #tpu.memory_space<vmem>> -> memref<50x64xf32, #tpu.memory_space<vmem>>
      %dma_start3A_727 = arith.constant 0 : i32
      %dma_start3A_728 = arith.constant 0 : i32
      %dma_start3A_729 = tpu.memref_slice %arg7[%add3A_723, %dma_start3A_727, %dma_start3A_728] : memref<16384x56x128xf32, #tpu.memory_space<hbm>> -> memref<1x50x64xf32, #tpu.memory_space<hbm>>
      %dma_start3A_730 = tpu.memref_squeeze %dma_start3A_729 : memref<1x50x64xf32, #tpu.memory_space<hbm>> -> memref<50x64xf32, #tpu.memory_space<hbm>>
      %dma_start3A_731 = arith.constant 0 : i32
      %dma_start3A_732 = arith.constant 0 : i32
      %dma_start3A_733 = tpu.memref_slice %arg7[%add3A_723, %dma_start3A_731, %dma_start3A_732] : memref<16384x56x128xf32, #tpu.memory_space<hbm>> -> memref<1x50x64xf32, #tpu.memory_space<hbm>>
      %dma_start3A_734 = tpu.memref_squeeze %dma_start3A_733 : memref<1x50x64xf32, #tpu.memory_space<hbm>> -> memref<50x64xf32, #tpu.memory_space<hbm>>
      %dma_start3A_735 = arith.constant 0 : i32
      %dma_start3A_736 = arith.constant 0 : i32
      %dma_start3A_737 = tpu.memref_slice %arg13[%dma_start3A_735, %dma_start3A_736] : memref<400x64xf32, #tpu.memory_space<vmem>> -> memref<50x64xf32, #tpu.memory_space<vmem>>
      tpu.enqueue_dma source(%dma_start3A_737 : memref<50x64xf32, #tpu.memory_space<vmem>>) target(%dma_start3A_734 : memref<50x64xf32, #tpu.memory_space<hbm>>) target_semaphore(%arg20 : memref<!tpu.dma_semaphore, #tpu.memory_space<semaphore_mem>>)
      %add3A_738 = arith.constant 1 : i32
      %add3A_739 = arith.addi %add3A_721, %add3A_738 : i32
      %dma_start3A_740 = arith.constant 50 : i32
      %dma_start3A_741 = arith.constant 0 : i32
      %dma_start3A_742 = tpu.memref_slice %arg13[%dma_start3A_740, %dma_start3A_741] : memref<400x64xf32, #tpu.memory_space<vmem>> -> memref<50x64xf32, #tpu.memory_space<vmem>>
      %dma_start3A_743 = arith.constant 0 : i32
      %dma_start3A_744 = arith.constant 0 : i32
      %dma_start3A_745 = tpu.memref_slice %arg7[%add3A_739, %dma_start3A_743, %dma_start3A_744] : memref<16384x56x128xf32, #tpu.memory_space<hbm>> -> memref<1x50x64xf32, #tpu.memory_space<hbm>>
      %dma_start3A_746 = tpu.memref_squeeze %dma_start3A_745 : memref<1x50x64xf32, #tpu.memory_space<hbm>> -> memref<50x64xf32, #tpu.memory_space<hbm>>
      %dma_start3A_747 = arith.constant 0 : i32
      %dma_start3A_748 = arith.constant 0 : i32
      %dma_start3A_749 = tpu.memref_slice %arg7[%add3A_739, %dma_start3A_747, %dma_start3A_748] : memref<16384x56x128xf32, #tpu.memory_space<hbm>> -> memref<1x50x64xf32, #tpu.memory_space<hbm>>
      %dma_start3A_750 = tpu.memref_squeeze %dma_start3A_749 : memref<1x50x64xf32, #tpu.memory_space<hbm>> -> memref<50x64xf32, #tpu.memory_space<hbm>>
      %dma_start3A_751 = arith.constant 50 : i32
      %dma_start3A_752 = arith.constant 0 : i32
      %dma_start3A_753 = tpu.memref_slice %arg13[%dma_start3A_751, %dma_start3A_752] : memref<400x64xf32, #tpu.memory_space<vmem>> -> memref<50x64xf32, #tpu.memory_space<vmem>>
      tpu.enqueue_dma source(%dma_start3A_753 : memref<50x64xf32, #tpu.memory_space<vmem>>) target(%dma_start3A_750 : memref<50x64xf32, #tpu.memory_space<hbm>>) target_semaphore(%arg20 : memref<!tpu.dma_semaphore, #tpu.memory_space<semaphore_mem>>)
      %add3A_754 = arith.constant 2 : i32
      %add3A_755 = arith.addi %add3A_721, %add3A_754 : i32
      %dma_start3A_756 = arith.constant 100 : i32
      %dma_start3A_757 = arith.constant 0 : i32
      %dma_start3A_758 = tpu.memref_slice %arg13[%dma_start3A_756, %dma_start3A_757] : memref<400x64xf32, #tpu.memory_space<vmem>> -> memref<50x64xf32, #tpu.memory_space<vmem>>
      %dma_start3A_759 = arith.constant 0 : i32
      %dma_start3A_760 = arith.constant 0 : i32
      %dma_start3A_761 = tpu.memref_slice %arg7[%add3A_755, %dma_start3A_759, %dma_start3A_760] : memref<16384x56x128xf32, #tpu.memory_space<hbm>> -> memref<1x50x64xf32, #tpu.memory_space<hbm>>
      %dma_start3A_762 = tpu.memref_squeeze %dma_start3A_761 : memref<1x50x64xf32, #tpu.memory_space<hbm>> -> memref<50x64xf32, #tpu.memory_space<hbm>>
      %dma_start3A_763 = arith.constant 0 : i32
      %dma_start3A_764 = arith.constant 0 : i32
      %dma_start3A_765 = tpu.memref_slice %arg7[%add3A_755, %dma_start3A_763, %dma_start3A_764] : memref<16384x56x128xf32, #tpu.memory_space<hbm>> -> memref<1x50x64xf32, #tpu.memory_space<hbm>>
      %dma_start3A_766 = tpu.memref_squeeze %dma_start3A_765 : memref<1x50x64xf32, #tpu.memory_space<hbm>> -> memref<50x64xf32, #tpu.memory_space<hbm>>
      %dma_start3A_767 = arith.constant 100 : i32
      %dma_start3A_768 = arith.constant 0 : i32
      %dma_start3A_769 = tpu.memref_slice %arg13[%dma_start3A_767, %dma_start3A_768] : memref<400x64xf32, #tpu.memory_space<vmem>> -> memref<50x64xf32, #tpu.memory_space<vmem>>
      tpu.enqueue_dma source(%dma_start3A_769 : memref<50x64xf32, #tpu.memory_space<vmem>>) target(%dma_start3A_766 : memref<50x64xf32, #tpu.memory_space<hbm>>) target_semaphore(%arg20 : memref<!tpu.dma_semaphore, #tpu.memory_space<semaphore_mem>>)
      %add3A_770 = arith.constant 3 : i32
      %add3A_771 = arith.addi %add3A_721, %add3A_770 : i32
      %dma_start3A_772 = arith.constant 150 : i32
      %dma_start3A_773 = arith.constant 0 : i32
      %dma_start3A_774 = tpu.memref_slice %arg13[%dma_start3A_772, %dma_start3A_773] : memref<400x64xf32, #tpu.memory_space<vmem>> -> memref<50x64xf32, #tpu.memory_space<vmem>>
      %dma_start3A_775 = arith.constant 0 : i32
      %dma_start3A_776 = arith.constant 0 : i32
      %dma_start3A_777 = tpu.memref_slice %arg7[%add3A_771, %dma_start3A_775, %dma_start3A_776] : memref<16384x56x128xf32, #tpu.memory_space<hbm>> -> memref<1x50x64xf32, #tpu.memory_space<hbm>>
      %dma_start3A_778 = tpu.memref_squeeze %dma_start3A_777 : memref<1x50x64xf32, #tpu.memory_space<hbm>> -> memref<50x64xf32, #tpu.memory_space<hbm>>
      %dma_start3A_779 = arith.constant 0 : i32
      %dma_start3A_780 = arith.constant 0 : i32
      %dma_start3A_781 = tpu.memref_slice %arg7[%add3A_771, %dma_start3A_779, %dma_start3A_780] : memref<16384x56x128xf32, #tpu.memory_space<hbm>> -> memref<1x50x64xf32, #tpu.memory_space<hbm>>
      %dma_start3A_782 = tpu.memref_squeeze %dma_start3A_781 : memref<1x50x64xf32, #tpu.memory_space<hbm>> -> memref<50x64xf32, #tpu.memory_space<hbm>>
      %dma_start3A_783 = arith.constant 150 : i32
      %dma_start3A_784 = arith.constant 0 : i32
      %dma_start3A_785 = tpu.memref_slice %arg13[%dma_start3A_783, %dma_start3A_784] : memref<400x64xf32, #tpu.memory_space<vmem>> -> memref<50x64xf32, #tpu.memory_space<vmem>>
      tpu.enqueue_dma source(%dma_start3A_785 : memref<50x64xf32, #tpu.memory_space<vmem>>) target(%dma_start3A_782 : memref<50x64xf32, #tpu.memory_space<hbm>>) target_semaphore(%arg20 : memref<!tpu.dma_semaphore, #tpu.memory_space<semaphore_mem>>)
      %add3A_786 = arith.constant 4 : i32
      %add3A_787 = arith.addi %add3A_721, %add3A_786 : i32
      %dma_start3A_788 = arith.constant 200 : i32
      %dma_start3A_789 = arith.constant 0 : i32
      %dma_start3A_790 = tpu.memref_slice %arg13[%dma_start3A_788, %dma_start3A_789] : memref<400x64xf32, #tpu.memory_space<vmem>> -> memref<50x64xf32, #tpu.memory_space<vmem>>
      %dma_start3A_791 = arith.constant 0 : i32
      %dma_start3A_792 = arith.constant 0 : i32
      %dma_start3A_793 = tpu.memref_slice %arg7[%add3A_787, %dma_start3A_791, %dma_start3A_792] : memref<16384x56x128xf32, #tpu.memory_space<hbm>> -> memref<1x50x64xf32, #tpu.memory_space<hbm>>
      %dma_start3A_794 = tpu.memref_squeeze %dma_start3A_793 : memref<1x50x64xf32, #tpu.memory_space<hbm>> -> memref<50x64xf32, #tpu.memory_space<hbm>>
      %dma_start3A_795 = arith.constant 0 : i32
      %dma_start3A_796 = arith.constant 0 : i32
      %dma_start3A_797 = tpu.memref_slice %arg7[%add3A_787, %dma_start3A_795, %dma_start3A_796] : memref<16384x56x128xf32, #tpu.memory_space<hbm>> -> memref<1x50x64xf32, #tpu.memory_space<hbm>>
      %dma_start3A_798 = tpu.memref_squeeze %dma_start3A_797 : memref<1x50x64xf32, #tpu.memory_space<hbm>> -> memref<50x64xf32, #tpu.memory_space<hbm>>
      %dma_start3A_799 = arith.constant 200 : i32
      %dma_start3A_800 = arith.constant 0 : i32
      %dma_start3A_801 = tpu.memref_slice %arg13[%dma_start3A_799, %dma_start3A_800] : memref<400x64xf32, #tpu.memory_space<vmem>> -> memref<50x64xf32, #tpu.memory_space<vmem>>
      tpu.enqueue_dma source(%dma_start3A_801 : memref<50x64xf32, #tpu.memory_space<vmem>>) target(%dma_start3A_798 : memref<50x64xf32, #tpu.memory_space<hbm>>) target_semaphore(%arg20 : memref<!tpu.dma_semaphore, #tpu.memory_space<semaphore_mem>>)
      %add3A_802 = arith.constant 5 : i32
      %add3A_803 = arith.addi %add3A_721, %add3A_802 : i32
      %dma_start3A_804 = arith.constant 250 : i32
      %dma_start3A_805 = arith.constant 0 : i32
      %dma_start3A_806 = tpu.memref_slice %arg13[%dma_start3A_804, %dma_start3A_805] : memref<400x64xf32, #tpu.memory_space<vmem>> -> memref<50x64xf32, #tpu.memory_space<vmem>>
      %dma_start3A_807 = arith.constant 0 : i32
      %dma_start3A_808 = arith.constant 0 : i32
      %dma_start3A_809 = tpu.memref_slice %arg7[%add3A_803, %dma_start3A_807, %dma_start3A_808] : memref<16384x56x128xf32, #tpu.memory_space<hbm>> -> memref<1x50x64xf32, #tpu.memory_space<hbm>>
      %dma_start3A_810 = tpu.memref_squeeze %dma_start3A_809 : memref<1x50x64xf32, #tpu.memory_space<hbm>> -> memref<50x64xf32, #tpu.memory_space<hbm>>
      %dma_start3A_811 = arith.constant 0 : i32
      %dma_start3A_812 = arith.constant 0 : i32
      %dma_start3A_813 = tpu.memref_slice %arg7[%add3A_803, %dma_start3A_811, %dma_start3A_812] : memref<16384x56x128xf32, #tpu.memory_space<hbm>> -> memref<1x50x64xf32, #tpu.memory_space<hbm>>
      %dma_start3A_814 = tpu.memref_squeeze %dma_start3A_813 : memref<1x50x64xf32, #tpu.memory_space<hbm>> -> memref<50x64xf32, #tpu.memory_space<hbm>>
      %dma_start3A_815 = arith.constant 250 : i32
      %dma_start3A_816 = arith.constant 0 : i32
      %dma_start3A_817 = tpu.memref_slice %arg13[%dma_start3A_815, %dma_start3A_816] : memref<400x64xf32, #tpu.memory_space<vmem>> -> memref<50x64xf32, #tpu.memory_space<vmem>>
      tpu.enqueue_dma source(%dma_start3A_817 : memref<50x64xf32, #tpu.memory_space<vmem>>) target(%dma_start3A_814 : memref<50x64xf32, #tpu.memory_space<hbm>>) target_semaphore(%arg20 : memref<!tpu.dma_semaphore, #tpu.memory_space<semaphore_mem>>)
      %add3A_818 = arith.constant 6 : i32
      %add3A_819 = arith.addi %add3A_721, %add3A_818 : i32
      %dma_start3A_820 = arith.constant 300 : i32
      %dma_start3A_821 = arith.constant 0 : i32
      %dma_start3A_822 = tpu.memref_slice %arg13[%dma_start3A_820, %dma_start3A_821] : memref<400x64xf32, #tpu.memory_space<vmem>> -> memref<50x64xf32, #tpu.memory_space<vmem>>
      %dma_start3A_823 = arith.constant 0 : i32
      %dma_start3A_824 = arith.constant 0 : i32
      %dma_start3A_825 = tpu.memref_slice %arg7[%add3A_819, %dma_start3A_823, %dma_start3A_824] : memref<16384x56x128xf32, #tpu.memory_space<hbm>> -> memref<1x50x64xf32, #tpu.memory_space<hbm>>
      %dma_start3A_826 = tpu.memref_squeeze %dma_start3A_825 : memref<1x50x64xf32, #tpu.memory_space<hbm>> -> memref<50x64xf32, #tpu.memory_space<hbm>>
      %dma_start3A_827 = arith.constant 0 : i32
      %dma_start3A_828 = arith.constant 0 : i32
      %dma_start3A_829 = tpu.memref_slice %arg7[%add3A_819, %dma_start3A_827, %dma_start3A_828] : memref<16384x56x128xf32, #tpu.memory_space<hbm>> -> memref<1x50x64xf32, #tpu.memory_space<hbm>>
      %dma_start3A_830 = tpu.memref_squeeze %dma_start3A_829 : memref<1x50x64xf32, #tpu.memory_space<hbm>> -> memref<50x64xf32, #tpu.memory_space<hbm>>
      %dma_start3A_831 = arith.constant 300 : i32
      %dma_start3A_832 = arith.constant 0 : i32
      %dma_start3A_833 = tpu.memref_slice %arg13[%dma_start3A_831, %dma_start3A_832] : memref<400x64xf32, #tpu.memory_space<vmem>> -> memref<50x64xf32, #tpu.memory_space<vmem>>
      tpu.enqueue_dma source(%dma_start3A_833 : memref<50x64xf32, #tpu.memory_space<vmem>>) target(%dma_start3A_830 : memref<50x64xf32, #tpu.memory_space<hbm>>) target_semaphore(%arg20 : memref<!tpu.dma_semaphore, #tpu.memory_space<semaphore_mem>>)
      %add3A_834 = arith.constant 7 : i32
      %add3A_835 = arith.addi %add3A_721, %add3A_834 : i32
      %dma_start3A_836 = arith.constant 350 : i32
      %dma_start3A_837 = arith.constant 0 : i32
      %dma_start3A_838 = tpu.memref_slice %arg13[%dma_start3A_836, %dma_start3A_837] : memref<400x64xf32, #tpu.memory_space<vmem>> -> memref<50x64xf32, #tpu.memory_space<vmem>>
      %dma_start3A_839 = arith.constant 0 : i32
      %dma_start3A_840 = arith.constant 0 : i32
      %dma_start3A_841 = tpu.memref_slice %arg7[%add3A_835, %dma_start3A_839, %dma_start3A_840] : memref<16384x56x128xf32, #tpu.memory_space<hbm>> -> memref<1x50x64xf32, #tpu.memory_space<hbm>>
      %dma_start3A_842 = tpu.memref_squeeze %dma_start3A_841 : memref<1x50x64xf32, #tpu.memory_space<hbm>> -> memref<50x64xf32, #tpu.memory_space<hbm>>
      %dma_start3A_843 = arith.constant 0 : i32
      %dma_start3A_844 = arith.constant 0 : i32
      %dma_start3A_845 = tpu.memref_slice %arg7[%add3A_835, %dma_start3A_843, %dma_start3A_844] : memref<16384x56x128xf32, #tpu.memory_space<hbm>> -> memref<1x50x64xf32, #tpu.memory_space<hbm>>
      %dma_start3A_846 = tpu.memref_squeeze %dma_start3A_845 : memref<1x50x64xf32, #tpu.memory_space<hbm>> -> memref<50x64xf32, #tpu.memory_space<hbm>>
      %dma_start3A_847 = arith.constant 350 : i32
      %dma_start3A_848 = arith.constant 0 : i32
      %dma_start3A_849 = tpu.memref_slice %arg13[%dma_start3A_847, %dma_start3A_848] : memref<400x64xf32, #tpu.memory_space<vmem>> -> memref<50x64xf32, #tpu.memory_space<vmem>>
      tpu.enqueue_dma source(%dma_start3A_849 : memref<50x64xf32, #tpu.memory_space<vmem>>) target(%dma_start3A_846 : memref<50x64xf32, #tpu.memory_space<hbm>>) target_semaphore(%arg20 : memref<!tpu.dma_semaphore, #tpu.memory_space<semaphore_mem>>)
    }
    %scan3A_93 = arith.constant 32 : i32
    %add3A_94 = arith.constant 0 : i32
    %add3A_95 = arith.addi %mul3A_6, %add3A_94 : i32
    %dma_wait3A_96 = arith.constant 0 : i32
    %dma_wait3A_97 = arith.constant 0 : i32
    %dma_wait3A_98 = tpu.memref_slice %arg12[%dma_wait3A_96, %dma_wait3A_97] : memref<400x64xf32, #tpu.memory_space<vmem>> -> memref<50x64xf32, #tpu.memory_space<vmem>>
    %dma_wait3A_99 = arith.constant 0 : i32
    %dma_wait3A_100 = arith.constant 0 : i32
    %dma_wait3A_101 = tpu.memref_slice %arg7[%add3A_95, %dma_wait3A_99, %dma_wait3A_100] : memref<16384x56x128xf32, #tpu.memory_space<hbm>> -> memref<1x50x64xf32, #tpu.memory_space<hbm>>
    %dma_wait3A_102 = tpu.memref_squeeze %dma_wait3A_101 : memref<1x50x64xf32, #tpu.memory_space<hbm>> -> memref<50x64xf32, #tpu.memory_space<hbm>>
    %dma_wait3A_103 = arith.constant 0 : i32
    %dma_wait3A_104 = arith.constant 0 : i32
    %dma_wait3A_105 = tpu.memref_slice %arg7[%add3A_95, %dma_wait3A_103, %dma_wait3A_104] : memref<16384x56x128xf32, #tpu.memory_space<hbm>> -> memref<1x50x64xf32, #tpu.memory_space<hbm>>
    %dma_wait3A_106 = tpu.memref_squeeze %dma_wait3A_105 : memref<1x50x64xf32, #tpu.memory_space<hbm>> -> memref<50x64xf32, #tpu.memory_space<hbm>>
    %dma_wait3A_107 = arith.constant 0 : i32
    %dma_wait3A_108 = arith.constant 0 : i32
    %dma_wait3A_109 = tpu.memref_slice %arg12[%dma_wait3A_107, %dma_wait3A_108] : memref<400x64xf32, #tpu.memory_space<vmem>> -> memref<50x64xf32, #tpu.memory_space<vmem>>
    tpu.wait_dma2 semaphore(%arg19 : memref<!tpu.dma_semaphore, #tpu.memory_space<semaphore_mem>>) src(%dma_wait3A_109 : memref<50x64xf32, #tpu.memory_space<vmem>>) dst(%dma_wait3A_106 : memref<50x64xf32, #tpu.memory_space<hbm>>)
    %add3A_110 = arith.constant 1 : i32
    %add3A_111 = arith.addi %mul3A_6, %add3A_110 : i32
    %dma_wait3A_112 = arith.constant 50 : i32
    %dma_wait3A_113 = arith.constant 0 : i32
    %dma_wait3A_114 = tpu.memref_slice %arg12[%dma_wait3A_112, %dma_wait3A_113] : memref<400x64xf32, #tpu.memory_space<vmem>> -> memref<50x64xf32, #tpu.memory_space<vmem>>
    %dma_wait3A_115 = arith.constant 0 : i32
    %dma_wait3A_116 = arith.constant 0 : i32
    %dma_wait3A_117 = tpu.memref_slice %arg7[%add3A_111, %dma_wait3A_115, %dma_wait3A_116] : memref<16384x56x128xf32, #tpu.memory_space<hbm>> -> memref<1x50x64xf32, #tpu.memory_space<hbm>>
    %dma_wait3A_118 = tpu.memref_squeeze %dma_wait3A_117 : memref<1x50x64xf32, #tpu.memory_space<hbm>> -> memref<50x64xf32, #tpu.memory_space<hbm>>
    %dma_wait3A_119 = arith.constant 0 : i32
    %dma_wait3A_120 = arith.constant 0 : i32
    %dma_wait3A_121 = tpu.memref_slice %arg7[%add3A_111, %dma_wait3A_119, %dma_wait3A_120] : memref<16384x56x128xf32, #tpu.memory_space<hbm>> -> memref<1x50x64xf32, #tpu.memory_space<hbm>>
    %dma_wait3A_122 = tpu.memref_squeeze %dma_wait3A_121 : memref<1x50x64xf32, #tpu.memory_space<hbm>> -> memref<50x64xf32, #tpu.memory_space<hbm>>
    %dma_wait3A_123 = arith.constant 50 : i32
    %dma_wait3A_124 = arith.constant 0 : i32
    %dma_wait3A_125 = tpu.memref_slice %arg12[%dma_wait3A_123, %dma_wait3A_124] : memref<400x64xf32, #tpu.memory_space<vmem>> -> memref<50x64xf32, #tpu.memory_space<vmem>>
    tpu.wait_dma2 semaphore(%arg19 : memref<!tpu.dma_semaphore, #tpu.memory_space<semaphore_mem>>) src(%dma_wait3A_125 : memref<50x64xf32, #tpu.memory_space<vmem>>) dst(%dma_wait3A_122 : memref<50x64xf32, #tpu.memory_space<hbm>>)
    %add3A_126 = arith.constant 2 : i32
    %add3A_127 = arith.addi %mul3A_6, %add3A_126 : i32
    %dma_wait3A_128 = arith.constant 100 : i32
    %dma_wait3A_129 = arith.constant 0 : i32
    %dma_wait3A_130 = tpu.memref_slice %arg12[%dma_wait3A_128, %dma_wait3A_129] : memref<400x64xf32, #tpu.memory_space<vmem>> -> memref<50x64xf32, #tpu.memory_space<vmem>>
    %dma_wait3A_131 = arith.constant 0 : i32
    %dma_wait3A_132 = arith.constant 0 : i32
    %dma_wait3A_133 = tpu.memref_slice %arg7[%add3A_127, %dma_wait3A_131, %dma_wait3A_132] : memref<16384x56x128xf32, #tpu.memory_space<hbm>> -> memref<1x50x64xf32, #tpu.memory_space<hbm>>
    %dma_wait3A_134 = tpu.memref_squeeze %dma_wait3A_133 : memref<1x50x64xf32, #tpu.memory_space<hbm>> -> memref<50x64xf32, #tpu.memory_space<hbm>>
    %dma_wait3A_135 = arith.constant 0 : i32
    %dma_wait3A_136 = arith.constant 0 : i32
    %dma_wait3A_137 = tpu.memref_slice %arg7[%add3A_127, %dma_wait3A_135, %dma_wait3A_136] : memref<16384x56x128xf32, #tpu.memory_space<hbm>> -> memref<1x50x64xf32, #tpu.memory_space<hbm>>
    %dma_wait3A_138 = tpu.memref_squeeze %dma_wait3A_137 : memref<1x50x64xf32, #tpu.memory_space<hbm>> -> memref<50x64xf32, #tpu.memory_space<hbm>>
    %dma_wait3A_139 = arith.constant 100 : i32
    %dma_wait3A_140 = arith.constant 0 : i32
    %dma_wait3A_141 = tpu.memref_slice %arg12[%dma_wait3A_139, %dma_wait3A_140] : memref<400x64xf32, #tpu.memory_space<vmem>> -> memref<50x64xf32, #tpu.memory_space<vmem>>
    tpu.wait_dma2 semaphore(%arg19 : memref<!tpu.dma_semaphore, #tpu.memory_space<semaphore_mem>>) src(%dma_wait3A_141 : memref<50x64xf32, #tpu.memory_space<vmem>>) dst(%dma_wait3A_138 : memref<50x64xf32, #tpu.memory_space<hbm>>)
    %add3A_142 = arith.constant 3 : i32
    %add3A_143 = arith.addi %mul3A_6, %add3A_142 : i32
    %dma_wait3A_144 = arith.constant 150 : i32
    %dma_wait3A_145 = arith.constant 0 : i32
    %dma_wait3A_146 = tpu.memref_slice %arg12[%dma_wait3A_144, %dma_wait3A_145] : memref<400x64xf32, #tpu.memory_space<vmem>> -> memref<50x64xf32, #tpu.memory_space<vmem>>
    %dma_wait3A_147 = arith.constant 0 : i32
    %dma_wait3A_148 = arith.constant 0 : i32
    %dma_wait3A_149 = tpu.memref_slice %arg7[%add3A_143, %dma_wait3A_147, %dma_wait3A_148] : memref<16384x56x128xf32, #tpu.memory_space<hbm>> -> memref<1x50x64xf32, #tpu.memory_space<hbm>>
    %dma_wait3A_150 = tpu.memref_squeeze %dma_wait3A_149 : memref<1x50x64xf32, #tpu.memory_space<hbm>> -> memref<50x64xf32, #tpu.memory_space<hbm>>
    %dma_wait3A_151 = arith.constant 0 : i32
    %dma_wait3A_152 = arith.constant 0 : i32
    %dma_wait3A_153 = tpu.memref_slice %arg7[%add3A_143, %dma_wait3A_151, %dma_wait3A_152] : memref<16384x56x128xf32, #tpu.memory_space<hbm>> -> memref<1x50x64xf32, #tpu.memory_space<hbm>>
    %dma_wait3A_154 = tpu.memref_squeeze %dma_wait3A_153 : memref<1x50x64xf32, #tpu.memory_space<hbm>> -> memref<50x64xf32, #tpu.memory_space<hbm>>
    %dma_wait3A_155 = arith.constant 150 : i32
    %dma_wait3A_156 = arith.constant 0 : i32
    %dma_wait3A_157 = tpu.memref_slice %arg12[%dma_wait3A_155, %dma_wait3A_156] : memref<400x64xf32, #tpu.memory_space<vmem>> -> memref<50x64xf32, #tpu.memory_space<vmem>>
    tpu.wait_dma2 semaphore(%arg19 : memref<!tpu.dma_semaphore, #tpu.memory_space<semaphore_mem>>) src(%dma_wait3A_157 : memref<50x64xf32, #tpu.memory_space<vmem>>) dst(%dma_wait3A_154 : memref<50x64xf32, #tpu.memory_space<hbm>>)
    %add3A_158 = arith.constant 4 : i32
    %add3A_159 = arith.addi %mul3A_6, %add3A_158 : i32
    %dma_wait3A_160 = arith.constant 200 : i32
    %dma_wait3A_161 = arith.constant 0 : i32
    %dma_wait3A_162 = tpu.memref_slice %arg12[%dma_wait3A_160, %dma_wait3A_161] : memref<400x64xf32, #tpu.memory_space<vmem>> -> memref<50x64xf32, #tpu.memory_space<vmem>>
    %dma_wait3A_163 = arith.constant 0 : i32
    %dma_wait3A_164 = arith.constant 0 : i32
    %dma_wait3A_165 = tpu.memref_slice %arg7[%add3A_159, %dma_wait3A_163, %dma_wait3A_164] : memref<16384x56x128xf32, #tpu.memory_space<hbm>> -> memref<1x50x64xf32, #tpu.memory_space<hbm>>
    %dma_wait3A_166 = tpu.memref_squeeze %dma_wait3A_165 : memref<1x50x64xf32, #tpu.memory_space<hbm>> -> memref<50x64xf32, #tpu.memory_space<hbm>>
    %dma_wait3A_167 = arith.constant 0 : i32
    %dma_wait3A_168 = arith.constant 0 : i32
    %dma_wait3A_169 = tpu.memref_slice %arg7[%add3A_159, %dma_wait3A_167, %dma_wait3A_168] : memref<16384x56x128xf32, #tpu.memory_space<hbm>> -> memref<1x50x64xf32, #tpu.memory_space<hbm>>
    %dma_wait3A_170 = tpu.memref_squeeze %dma_wait3A_169 : memref<1x50x64xf32, #tpu.memory_space<hbm>> -> memref<50x64xf32, #tpu.memory_space<hbm>>
    %dma_wait3A_171 = arith.constant 200 : i32
    %dma_wait3A_172 = arith.constant 0 : i32
    %dma_wait3A_173 = tpu.memref_slice %arg12[%dma_wait3A_171, %dma_wait3A_172] : memref<400x64xf32, #tpu.memory_space<vmem>> -> memref<50x64xf32, #tpu.memory_space<vmem>>
    tpu.wait_dma2 semaphore(%arg19 : memref<!tpu.dma_semaphore, #tpu.memory_space<semaphore_mem>>) src(%dma_wait3A_173 : memref<50x64xf32, #tpu.memory_space<vmem>>) dst(%dma_wait3A_170 : memref<50x64xf32, #tpu.memory_space<hbm>>)
    %add3A_174 = arith.constant 5 : i32
    %add3A_175 = arith.addi %mul3A_6, %add3A_174 : i32
    %dma_wait3A_176 = arith.constant 250 : i32
    %dma_wait3A_177 = arith.constant 0 : i32
    %dma_wait3A_178 = tpu.memref_slice %arg12[%dma_wait3A_176, %dma_wait3A_177] : memref<400x64xf32, #tpu.memory_space<vmem>> -> memref<50x64xf32, #tpu.memory_space<vmem>>
    %dma_wait3A_179 = arith.constant 0 : i32
    %dma_wait3A_180 = arith.constant 0 : i32
    %dma_wait3A_181 = tpu.memref_slice %arg7[%add3A_175, %dma_wait3A_179, %dma_wait3A_180] : memref<16384x56x128xf32, #tpu.memory_space<hbm>> -> memref<1x50x64xf32, #tpu.memory_space<hbm>>
    %dma_wait3A_182 = tpu.memref_squeeze %dma_wait3A_181 : memref<1x50x64xf32, #tpu.memory_space<hbm>> -> memref<50x64xf32, #tpu.memory_space<hbm>>
    %dma_wait3A_183 = arith.constant 0 : i32
    %dma_wait3A_184 = arith.constant 0 : i32
    %dma_wait3A_185 = tpu.memref_slice %arg7[%add3A_175, %dma_wait3A_183, %dma_wait3A_184] : memref<16384x56x128xf32, #tpu.memory_space<hbm>> -> memref<1x50x64xf32, #tpu.memory_space<hbm>>
    %dma_wait3A_186 = tpu.memref_squeeze %dma_wait3A_185 : memref<1x50x64xf32, #tpu.memory_space<hbm>> -> memref<50x64xf32, #tpu.memory_space<hbm>>
    %dma_wait3A_187 = arith.constant 250 : i32
    %dma_wait3A_188 = arith.constant 0 : i32
    %dma_wait3A_189 = tpu.memref_slice %arg12[%dma_wait3A_187, %dma_wait3A_188] : memref<400x64xf32, #tpu.memory_space<vmem>> -> memref<50x64xf32, #tpu.memory_space<vmem>>
    tpu.wait_dma2 semaphore(%arg19 : memref<!tpu.dma_semaphore, #tpu.memory_space<semaphore_mem>>) src(%dma_wait3A_189 : memref<50x64xf32, #tpu.memory_space<vmem>>) dst(%dma_wait3A_186 : memref<50x64xf32, #tpu.memory_space<hbm>>)
    %add3A_190 = arith.constant 6 : i32
    %add3A_191 = arith.addi %mul3A_6, %add3A_190 : i32
    %dma_wait3A_192 = arith.constant 300 : i32
    %dma_wait3A_193 = arith.constant 0 : i32
    %dma_wait3A_194 = tpu.memref_slice %arg12[%dma_wait3A_192, %dma_wait3A_193] : memref<400x64xf32, #tpu.memory_space<vmem>> -> memref<50x64xf32, #tpu.memory_space<vmem>>
    %dma_wait3A_195 = arith.constant 0 : i32
    %dma_wait3A_196 = arith.constant 0 : i32
    %dma_wait3A_197 = tpu.memref_slice %arg7[%add3A_191, %dma_wait3A_195, %dma_wait3A_196] : memref<16384x56x128xf32, #tpu.memory_space<hbm>> -> memref<1x50x64xf32, #tpu.memory_space<hbm>>
    %dma_wait3A_198 = tpu.memref_squeeze %dma_wait3A_197 : memref<1x50x64xf32, #tpu.memory_space<hbm>> -> memref<50x64xf32, #tpu.memory_space<hbm>>
    %dma_wait3A_199 = arith.constant 0 : i32
    %dma_wait3A_200 = arith.constant 0 : i32
    %dma_wait3A_201 = tpu.memref_slice %arg7[%add3A_191, %dma_wait3A_199, %dma_wait3A_200] : memref<16384x56x128xf32, #tpu.memory_space<hbm>> -> memref<1x50x64xf32, #tpu.memory_space<hbm>>
    %dma_wait3A_202 = tpu.memref_squeeze %dma_wait3A_201 : memref<1x50x64xf32, #tpu.memory_space<hbm>> -> memref<50x64xf32, #tpu.memory_space<hbm>>
    %dma_wait3A_203 = arith.constant 300 : i32
    %dma_wait3A_204 = arith.constant 0 : i32
    %dma_wait3A_205 = tpu.memref_slice %arg12[%dma_wait3A_203, %dma_wait3A_204] : memref<400x64xf32, #tpu.memory_space<vmem>> -> memref<50x64xf32, #tpu.memory_space<vmem>>
    tpu.wait_dma2 semaphore(%arg19 : memref<!tpu.dma_semaphore, #tpu.memory_space<semaphore_mem>>) src(%dma_wait3A_205 : memref<50x64xf32, #tpu.memory_space<vmem>>) dst(%dma_wait3A_202 : memref<50x64xf32, #tpu.memory_space<hbm>>)
    %add3A_206 = arith.constant 7 : i32
    %add3A_207 = arith.addi %mul3A_6, %add3A_206 : i32
    %dma_wait3A_208 = arith.constant 350 : i32
    %dma_wait3A_209 = arith.constant 0 : i32
    %dma_wait3A_210 = tpu.memref_slice %arg12[%dma_wait3A_208, %dma_wait3A_209] : memref<400x64xf32, #tpu.memory_space<vmem>> -> memref<50x64xf32, #tpu.memory_space<vmem>>
    %dma_wait3A_211 = arith.constant 0 : i32
    %dma_wait3A_212 = arith.constant 0 : i32
    %dma_wait3A_213 = tpu.memref_slice %arg7[%add3A_207, %dma_wait3A_211, %dma_wait3A_212] : memref<16384x56x128xf32, #tpu.memory_space<hbm>> -> memref<1x50x64xf32, #tpu.memory_space<hbm>>
    %dma_wait3A_214 = tpu.memref_squeeze %dma_wait3A_213 : memref<1x50x64xf32, #tpu.memory_space<hbm>> -> memref<50x64xf32, #tpu.memory_space<hbm>>
    %dma_wait3A_215 = arith.constant 0 : i32
    %dma_wait3A_216 = arith.constant 0 : i32
    %dma_wait3A_217 = tpu.memref_slice %arg7[%add3A_207, %dma_wait3A_215, %dma_wait3A_216] : memref<16384x56x128xf32, #tpu.memory_space<hbm>> -> memref<1x50x64xf32, #tpu.memory_space<hbm>>
    %dma_wait3A_218 = tpu.memref_squeeze %dma_wait3A_217 : memref<1x50x64xf32, #tpu.memory_space<hbm>> -> memref<50x64xf32, #tpu.memory_space<hbm>>
    %dma_wait3A_219 = arith.constant 350 : i32
    %dma_wait3A_220 = arith.constant 0 : i32
    %dma_wait3A_221 = tpu.memref_slice %arg12[%dma_wait3A_219, %dma_wait3A_220] : memref<400x64xf32, #tpu.memory_space<vmem>> -> memref<50x64xf32, #tpu.memory_space<vmem>>
    tpu.wait_dma2 semaphore(%arg19 : memref<!tpu.dma_semaphore, #tpu.memory_space<semaphore_mem>>) src(%dma_wait3A_221 : memref<50x64xf32, #tpu.memory_space<vmem>>) dst(%dma_wait3A_218 : memref<50x64xf32, #tpu.memory_space<hbm>>)
    %add3A_222 = arith.constant 0 : i32
    %add3A_223 = arith.addi %mul3A_6, %add3A_222 : i32
    %dma_wait3A_224 = arith.constant 0 : i32
    %dma_wait3A_225 = arith.constant 0 : i32
    %dma_wait3A_226 = tpu.memref_slice %arg13[%dma_wait3A_224, %dma_wait3A_225] : memref<400x64xf32, #tpu.memory_space<vmem>> -> memref<50x64xf32, #tpu.memory_space<vmem>>
    %dma_wait3A_227 = arith.constant 0 : i32
    %dma_wait3A_228 = arith.constant 0 : i32
    %dma_wait3A_229 = tpu.memref_slice %arg7[%add3A_223, %dma_wait3A_227, %dma_wait3A_228] : memref<16384x56x128xf32, #tpu.memory_space<hbm>> -> memref<1x50x64xf32, #tpu.memory_space<hbm>>
    %dma_wait3A_230 = tpu.memref_squeeze %dma_wait3A_229 : memref<1x50x64xf32, #tpu.memory_space<hbm>> -> memref<50x64xf32, #tpu.memory_space<hbm>>
    %dma_wait3A_231 = arith.constant 0 : i32
    %dma_wait3A_232 = arith.constant 0 : i32
    %dma_wait3A_233 = tpu.memref_slice %arg7[%add3A_223, %dma_wait3A_231, %dma_wait3A_232] : memref<16384x56x128xf32, #tpu.memory_space<hbm>> -> memref<1x50x64xf32, #tpu.memory_space<hbm>>
    %dma_wait3A_234 = tpu.memref_squeeze %dma_wait3A_233 : memref<1x50x64xf32, #tpu.memory_space<hbm>> -> memref<50x64xf32, #tpu.memory_space<hbm>>
    %dma_wait3A_235 = arith.constant 0 : i32
    %dma_wait3A_236 = arith.constant 0 : i32
    %dma_wait3A_237 = tpu.memref_slice %arg13[%dma_wait3A_235, %dma_wait3A_236] : memref<400x64xf32, #tpu.memory_space<vmem>> -> memref<50x64xf32, #tpu.memory_space<vmem>>
    tpu.wait_dma2 semaphore(%arg20 : memref<!tpu.dma_semaphore, #tpu.memory_space<semaphore_mem>>) src(%dma_wait3A_237 : memref<50x64xf32, #tpu.memory_space<vmem>>) dst(%dma_wait3A_234 : memref<50x64xf32, #tpu.memory_space<hbm>>)
    %add3A_238 = arith.constant 1 : i32
    %add3A_239 = arith.addi %mul3A_6, %add3A_238 : i32
    %dma_wait3A_240 = arith.constant 50 : i32
    %dma_wait3A_241 = arith.constant 0 : i32
    %dma_wait3A_242 = tpu.memref_slice %arg13[%dma_wait3A_240, %dma_wait3A_241] : memref<400x64xf32, #tpu.memory_space<vmem>> -> memref<50x64xf32, #tpu.memory_space<vmem>>
    %dma_wait3A_243 = arith.constant 0 : i32
    %dma_wait3A_244 = arith.constant 0 : i32
    %dma_wait3A_245 = tpu.memref_slice %arg7[%add3A_239, %dma_wait3A_243, %dma_wait3A_244] : memref<16384x56x128xf32, #tpu.memory_space<hbm>> -> memref<1x50x64xf32, #tpu.memory_space<hbm>>
    %dma_wait3A_246 = tpu.memref_squeeze %dma_wait3A_245 : memref<1x50x64xf32, #tpu.memory_space<hbm>> -> memref<50x64xf32, #tpu.memory_space<hbm>>
    %dma_wait3A_247 = arith.constant 0 : i32
    %dma_wait3A_248 = arith.constant 0 : i32
    %dma_wait3A_249 = tpu.memref_slice %arg7[%add3A_239, %dma_wait3A_247, %dma_wait3A_248] : memref<16384x56x128xf32, #tpu.memory_space<hbm>> -> memref<1x50x64xf32, #tpu.memory_space<hbm>>
    %dma_wait3A_250 = tpu.memref_squeeze %dma_wait3A_249 : memref<1x50x64xf32, #tpu.memory_space<hbm>> -> memref<50x64xf32, #tpu.memory_space<hbm>>
    %dma_wait3A_251 = arith.constant 50 : i32
    %dma_wait3A_252 = arith.constant 0 : i32
    %dma_wait3A_253 = tpu.memref_slice %arg13[%dma_wait3A_251, %dma_wait3A_252] : memref<400x64xf32, #tpu.memory_space<vmem>> -> memref<50x64xf32, #tpu.memory_space<vmem>>
    tpu.wait_dma2 semaphore(%arg20 : memref<!tpu.dma_semaphore, #tpu.memory_space<semaphore_mem>>) src(%dma_wait3A_253 : memref<50x64xf32, #tpu.memory_space<vmem>>) dst(%dma_wait3A_250 : memref<50x64xf32, #tpu.memory_space<hbm>>)
    %add3A_254 = arith.constant 2 : i32
    %add3A_255 = arith.addi %mul3A_6, %add3A_254 : i32
    %dma_wait3A_256 = arith.constant 100 : i32
    %dma_wait3A_257 = arith.constant 0 : i32
    %dma_wait3A_258 = tpu.memref_slice %arg13[%dma_wait3A_256, %dma_wait3A_257] : memref<400x64xf32, #tpu.memory_space<vmem>> -> memref<50x64xf32, #tpu.memory_space<vmem>>
    %dma_wait3A_259 = arith.constant 0 : i32
    %dma_wait3A_260 = arith.constant 0 : i32
    %dma_wait3A_261 = tpu.memref_slice %arg7[%add3A_255, %dma_wait3A_259, %dma_wait3A_260] : memref<16384x56x128xf32, #tpu.memory_space<hbm>> -> memref<1x50x64xf32, #tpu.memory_space<hbm>>
    %dma_wait3A_262 = tpu.memref_squeeze %dma_wait3A_261 : memref<1x50x64xf32, #tpu.memory_space<hbm>> -> memref<50x64xf32, #tpu.memory_space<hbm>>
    %dma_wait3A_263 = arith.constant 0 : i32
    %dma_wait3A_264 = arith.constant 0 : i32
    %dma_wait3A_265 = tpu.memref_slice %arg7[%add3A_255, %dma_wait3A_263, %dma_wait3A_264] : memref<16384x56x128xf32, #tpu.memory_space<hbm>> -> memref<1x50x64xf32, #tpu.memory_space<hbm>>
    %dma_wait3A_266 = tpu.memref_squeeze %dma_wait3A_265 : memref<1x50x64xf32, #tpu.memory_space<hbm>> -> memref<50x64xf32, #tpu.memory_space<hbm>>
    %dma_wait3A_267 = arith.constant 100 : i32
    %dma_wait3A_268 = arith.constant 0 : i32
    %dma_wait3A_269 = tpu.memref_slice %arg13[%dma_wait3A_267, %dma_wait3A_268] : memref<400x64xf32, #tpu.memory_space<vmem>> -> memref<50x64xf32, #tpu.memory_space<vmem>>
    tpu.wait_dma2 semaphore(%arg20 : memref<!tpu.dma_semaphore, #tpu.memory_space<semaphore_mem>>) src(%dma_wait3A_269 : memref<50x64xf32, #tpu.memory_space<vmem>>) dst(%dma_wait3A_266 : memref<50x64xf32, #tpu.memory_space<hbm>>)
    %add3A_270 = arith.constant 3 : i32
    %add3A_271 = arith.addi %mul3A_6, %add3A_270 : i32
    %dma_wait3A_272 = arith.constant 150 : i32
    %dma_wait3A_273 = arith.constant 0 : i32
    %dma_wait3A_274 = tpu.memref_slice %arg13[%dma_wait3A_272, %dma_wait3A_273] : memref<400x64xf32, #tpu.memory_space<vmem>> -> memref<50x64xf32, #tpu.memory_space<vmem>>
    %dma_wait3A_275 = arith.constant 0 : i32
    %dma_wait3A_276 = arith.constant 0 : i32
    %dma_wait3A_277 = tpu.memref_slice %arg7[%add3A_271, %dma_wait3A_275, %dma_wait3A_276] : memref<16384x56x128xf32, #tpu.memory_space<hbm>> -> memref<1x50x64xf32, #tpu.memory_space<hbm>>
    %dma_wait3A_278 = tpu.memref_squeeze %dma_wait3A_277 : memref<1x50x64xf32, #tpu.memory_space<hbm>> -> memref<50x64xf32, #tpu.memory_space<hbm>>
    %dma_wait3A_279 = arith.constant 0 : i32
    %dma_wait3A_280 = arith.constant 0 : i32
    %dma_wait3A_281 = tpu.memref_slice %arg7[%add3A_271, %dma_wait3A_279, %dma_wait3A_280] : memref<16384x56x128xf32, #tpu.memory_space<hbm>> -> memref<1x50x64xf32, #tpu.memory_space<hbm>>
    %dma_wait3A_282 = tpu.memref_squeeze %dma_wait3A_281 : memref<1x50x64xf32, #tpu.memory_space<hbm>> -> memref<50x64xf32, #tpu.memory_space<hbm>>
    %dma_wait3A_283 = arith.constant 150 : i32
    %dma_wait3A_284 = arith.constant 0 : i32
    %dma_wait3A_285 = tpu.memref_slice %arg13[%dma_wait3A_283, %dma_wait3A_284] : memref<400x64xf32, #tpu.memory_space<vmem>> -> memref<50x64xf32, #tpu.memory_space<vmem>>
    tpu.wait_dma2 semaphore(%arg20 : memref<!tpu.dma_semaphore, #tpu.memory_space<semaphore_mem>>) src(%dma_wait3A_285 : memref<50x64xf32, #tpu.memory_space<vmem>>) dst(%dma_wait3A_282 : memref<50x64xf32, #tpu.memory_space<hbm>>)
    %add3A_286 = arith.constant 4 : i32
    %add3A_287 = arith.addi %mul3A_6, %add3A_286 : i32
    %dma_wait3A_288 = arith.constant 200 : i32
    %dma_wait3A_289 = arith.constant 0 : i32
    %dma_wait3A_290 = tpu.memref_slice %arg13[%dma_wait3A_288, %dma_wait3A_289] : memref<400x64xf32, #tpu.memory_space<vmem>> -> memref<50x64xf32, #tpu.memory_space<vmem>>
    %dma_wait3A_291 = arith.constant 0 : i32
    %dma_wait3A_292 = arith.constant 0 : i32
    %dma_wait3A_293 = tpu.memref_slice %arg7[%add3A_287, %dma_wait3A_291, %dma_wait3A_292] : memref<16384x56x128xf32, #tpu.memory_space<hbm>> -> memref<1x50x64xf32, #tpu.memory_space<hbm>>
    %dma_wait3A_294 = tpu.memref_squeeze %dma_wait3A_293 : memref<1x50x64xf32, #tpu.memory_space<hbm>> -> memref<50x64xf32, #tpu.memory_space<hbm>>
    %dma_wait3A_295 = arith.constant 0 : i32
    %dma_wait3A_296 = arith.constant 0 : i32
    %dma_wait3A_297 = tpu.memref_slice %arg7[%add3A_287, %dma_wait3A_295, %dma_wait3A_296] : memref<16384x56x128xf32, #tpu.memory_space<hbm>> -> memref<1x50x64xf32, #tpu.memory_space<hbm>>
    %dma_wait3A_298 = tpu.memref_squeeze %dma_wait3A_297 : memref<1x50x64xf32, #tpu.memory_space<hbm>> -> memref<50x64xf32, #tpu.memory_space<hbm>>
    %dma_wait3A_299 = arith.constant 200 : i32
    %dma_wait3A_300 = arith.constant 0 : i32
    %dma_wait3A_301 = tpu.memref_slice %arg13[%dma_wait3A_299, %dma_wait3A_300] : memref<400x64xf32, #tpu.memory_space<vmem>> -> memref<50x64xf32, #tpu.memory_space<vmem>>
    tpu.wait_dma2 semaphore(%arg20 : memref<!tpu.dma_semaphore, #tpu.memory_space<semaphore_mem>>) src(%dma_wait3A_301 : memref<50x64xf32, #tpu.memory_space<vmem>>) dst(%dma_wait3A_298 : memref<50x64xf32, #tpu.memory_space<hbm>>)
    %add3A_302 = arith.constant 5 : i32
    %add3A_303 = arith.addi %mul3A_6, %add3A_302 : i32
    %dma_wait3A_304 = arith.constant 250 : i32
    %dma_wait3A_305 = arith.constant 0 : i32
    %dma_wait3A_306 = tpu.memref_slice %arg13[%dma_wait3A_304, %dma_wait3A_305] : memref<400x64xf32, #tpu.memory_space<vmem>> -> memref<50x64xf32, #tpu.memory_space<vmem>>
    %dma_wait3A_307 = arith.constant 0 : i32
    %dma_wait3A_308 = arith.constant 0 : i32
    %dma_wait3A_309 = tpu.memref_slice %arg7[%add3A_303, %dma_wait3A_307, %dma_wait3A_308] : memref<16384x56x128xf32, #tpu.memory_space<hbm>> -> memref<1x50x64xf32, #tpu.memory_space<hbm>>
    %dma_wait3A_310 = tpu.memref_squeeze %dma_wait3A_309 : memref<1x50x64xf32, #tpu.memory_space<hbm>> -> memref<50x64xf32, #tpu.memory_space<hbm>>
    %dma_wait3A_311 = arith.constant 0 : i32
    %dma_wait3A_312 = arith.constant 0 : i32
    %dma_wait3A_313 = tpu.memref_slice %arg7[%add3A_303, %dma_wait3A_311, %dma_wait3A_312] : memref<16384x56x128xf32, #tpu.memory_space<hbm>> -> memref<1x50x64xf32, #tpu.memory_space<hbm>>
    %dma_wait3A_314 = tpu.memref_squeeze %dma_wait3A_313 : memref<1x50x64xf32, #tpu.memory_space<hbm>> -> memref<50x64xf32, #tpu.memory_space<hbm>>
    %dma_wait3A_315 = arith.constant 250 : i32
    %dma_wait3A_316 = arith.constant 0 : i32
    %dma_wait3A_317 = tpu.memref_slice %arg13[%dma_wait3A_315, %dma_wait3A_316] : memref<400x64xf32, #tpu.memory_space<vmem>> -> memref<50x64xf32, #tpu.memory_space<vmem>>
    tpu.wait_dma2 semaphore(%arg20 : memref<!tpu.dma_semaphore, #tpu.memory_space<semaphore_mem>>) src(%dma_wait3A_317 : memref<50x64xf32, #tpu.memory_space<vmem>>) dst(%dma_wait3A_314 : memref<50x64xf32, #tpu.memory_space<hbm>>)
    %add3A_318 = arith.constant 6 : i32
    %add3A_319 = arith.addi %mul3A_6, %add3A_318 : i32
    %dma_wait3A_320 = arith.constant 300 : i32
    %dma_wait3A_321 = arith.constant 0 : i32
    %dma_wait3A_322 = tpu.memref_slice %arg13[%dma_wait3A_320, %dma_wait3A_321] : memref<400x64xf32, #tpu.memory_space<vmem>> -> memref<50x64xf32, #tpu.memory_space<vmem>>
    %dma_wait3A_323 = arith.constant 0 : i32
    %dma_wait3A_324 = arith.constant 0 : i32
    %dma_wait3A_325 = tpu.memref_slice %arg7[%add3A_319, %dma_wait3A_323, %dma_wait3A_324] : memref<16384x56x128xf32, #tpu.memory_space<hbm>> -> memref<1x50x64xf32, #tpu.memory_space<hbm>>
    %dma_wait3A_326 = tpu.memref_squeeze %dma_wait3A_325 : memref<1x50x64xf32, #tpu.memory_space<hbm>> -> memref<50x64xf32, #tpu.memory_space<hbm>>
    %dma_wait3A_327 = arith.constant 0 : i32
    %dma_wait3A_328 = arith.constant 0 : i32
    %dma_wait3A_329 = tpu.memref_slice %arg7[%add3A_319, %dma_wait3A_327, %dma_wait3A_328] : memref<16384x56x128xf32, #tpu.memory_space<hbm>> -> memref<1x50x64xf32, #tpu.memory_space<hbm>>
    %dma_wait3A_330 = tpu.memref_squeeze %dma_wait3A_329 : memref<1x50x64xf32, #tpu.memory_space<hbm>> -> memref<50x64xf32, #tpu.memory_space<hbm>>
    %dma_wait3A_331 = arith.constant 300 : i32
    %dma_wait3A_332 = arith.constant 0 : i32
    %dma_wait3A_333 = tpu.memref_slice %arg13[%dma_wait3A_331, %dma_wait3A_332] : memref<400x64xf32, #tpu.memory_space<vmem>> -> memref<50x64xf32, #tpu.memory_space<vmem>>
    tpu.wait_dma2 semaphore(%arg20 : memref<!tpu.dma_semaphore, #tpu.memory_space<semaphore_mem>>) src(%dma_wait3A_333 : memref<50x64xf32, #tpu.memory_space<vmem>>) dst(%dma_wait3A_330 : memref<50x64xf32, #tpu.memory_space<hbm>>)
    %add3A_334 = arith.constant 7 : i32
    %add3A_335 = arith.addi %mul3A_6, %add3A_334 : i32
    %dma_wait3A_336 = arith.constant 350 : i32
    %dma_wait3A_337 = arith.constant 0 : i32
    %dma_wait3A_338 = tpu.memref_slice %arg13[%dma_wait3A_336, %dma_wait3A_337] : memref<400x64xf32, #tpu.memory_space<vmem>> -> memref<50x64xf32, #tpu.memory_space<vmem>>
    %dma_wait3A_339 = arith.constant 0 : i32
    %dma_wait3A_340 = arith.constant 0 : i32
    %dma_wait3A_341 = tpu.memref_slice %arg7[%add3A_335, %dma_wait3A_339, %dma_wait3A_340] : memref<16384x56x128xf32, #tpu.memory_space<hbm>> -> memref<1x50x64xf32, #tpu.memory_space<hbm>>
    %dma_wait3A_342 = tpu.memref_squeeze %dma_wait3A_341 : memref<1x50x64xf32, #tpu.memory_space<hbm>> -> memref<50x64xf32, #tpu.memory_space<hbm>>
    %dma_wait3A_343 = arith.constant 0 : i32
    %dma_wait3A_344 = arith.constant 0 : i32
    %dma_wait3A_345 = tpu.memref_slice %arg7[%add3A_335, %dma_wait3A_343, %dma_wait3A_344] : memref<16384x56x128xf32, #tpu.memory_space<hbm>> -> memref<1x50x64xf32, #tpu.memory_space<hbm>>
    %dma_wait3A_346 = tpu.memref_squeeze %dma_wait3A_345 : memref<1x50x64xf32, #tpu.memory_space<hbm>> -> memref<50x64xf32, #tpu.memory_space<hbm>>
    %dma_wait3A_347 = arith.constant 350 : i32
    %dma_wait3A_348 = arith.constant 0 : i32
    %dma_wait3A_349 = tpu.memref_slice %arg13[%dma_wait3A_347, %dma_wait3A_348] : memref<400x64xf32, #tpu.memory_space<vmem>> -> memref<50x64xf32, #tpu.memory_space<vmem>>
    tpu.wait_dma2 semaphore(%arg20 : memref<!tpu.dma_semaphore, #tpu.memory_space<semaphore_mem>>) src(%dma_wait3A_349 : memref<50x64xf32, #tpu.memory_space<vmem>>) dst(%dma_wait3A_346 : memref<50x64xf32, #tpu.memory_space<hbm>>)
    return
  }
}

</mosaic_0001>

<sc_bundles>
// kernel: kernel.3.cloned.1.call-start
scs
__scs_entry_jumppad:
0x0: {  	(pc) =	sbr.rel $0x88, $3  }
0x1: {  	(tag) =	ssettag $0x0;
	lr =	simm.s32 $0x1  }
0x2: {  	[smem:$0x3F9C] =	sst lr;
	_ =	strace $0xD0000000  }
0x3: {  	_ = 	snop  }
0x4: {  	_ = 	snop  }
0x5: {  	_ = 	snop  }
0x6: {  	_ = 	snop  }
0x7: {  	_ = 	snop  }
__scs_overlays_trampoline_lowered:
0x8: {  	[smem:$0x3FAB] =	sst s0  }
0x9: {  	[smem:$0x3FAC] =	sst s1  }
0xa: {  	[smem:$0x3FAD] =	sst s2  }
0xb: {  	[smem:$0x3FAE] =	sst s3  }
0xc: {  	[smem:$0x3FAF] =	sst s4  }
0xd: {  	[smem:$0x3FB0] =	sst s5  }
0xe: {  	[smem:$0x3FB1] =	sst s6  }
0xf: {  	[smem:$0x3FB2] =	sst s7  }
0x10: {  	[smem:$0x3FB3] =	sst s8  }
0x11: {  	[smem:$0x3FB4] =	sst s9;
	s0 =	simm.s32 @!p0 $0x0  }
0x12: {  	s1 =	sld [smem:$0x3F9A];
	s0 =	simm.s32 @p0 $0x1  }
0x13: {  	[smem:$0x3FB5] =	sst s0;
	s0 =	simm.s32 @!p1 $0x0  }
0x14: {  	s2 =	sld [smem:$0x3F99];
	s0 =	simm.s32 @p1 $0x1  }
0x15: {  	[smem:$0x3FB6] =	sst s0;
	s0 =	simm.s32 @!p2 $0x0  }
0x16: {  	s3 =	sld [smem:$0x3FDB];
	s0 =	simm.s32 @p2 $0x1  }
0x17: {  	s4 =	simm.s32 $0x1BF5;
	[smem:$0x3FB8] =	sst s0  }
0x18: {  	s0 =	sld [smem:$0x3F9B];
	_ =	swait.ge [sflag:s4], $0x0  }
0x19: {  	s7 =	sld [smem:$0x3F9C]  }
0x1a: {  	s8 =	sadd.s32 $0xFFFFE003, lr  }
0x1b: {  	s9 =	sadd.s32 $0xFFFFFEF7, lr;
	s5 =	simm.s32 $0xFFFFFFFF;
	p2 =	slt.u32 s8, $0xFFFFF086  }
0x1c: {  	p1 =	slt.u32 s9, $0xF7A;
	s5 =	simm.s32 @!p2 $0x0  }
0x1d: {  	s5 =	simm.s32 @p1 $0x1;
	p0 =	seq.s32 s7, s2  }
0x1e: {  	s7 =	smul.u32 @!p0 $0xF7A, s2;
	p2 =	seq.s32 @!p0 s5, $0x0  }
0x1f: {  	s9 =	smul.u32 $0xF7A, s1;
	s8 =	simm.s32 @!p0 $0x1BF5;
	p2 =	por !p2, p0  }
0x20: {  	[sflag:s8] =	ssyncset.s32 @!p0 $0xFFFFF086;
	s6 =	sadd.s32 @!p0 s3, s7;
	s7 =	simm.s32 @!p0 $0x108  }
0x21: {  	s3 =	sadd.s32 s3, s9;
	s6 =	sadd.s32 @!p0 $0x88, s6;
	s7 =	simm.s32 @p2 $0x1082  }
0x22: {  	[simem:s7], [sflag:s8] =	dma.local @!p0 [hbm:s6], $0xF7A  }
0x23: {  	s9 =	sor.u32 $0xD0000000, s2;
	s6 =	simm.s32 $0x108;
	_ =	swait.ge @!p0 [sflag:s8], $0x0  }
0x24: {  	s3 =	sadd.s32 $0x88, s3;
	s6 =	simm.s32 @!p1 $0x1082;
	[sflag:s4] =	ssyncset.s32 $0xFFFFF086  }
0x25: {  	[simem:s6], [sflag:s4] =	dma.local [hbm:s3], $0xF7A  }
0x26: {  	[smem:$0x3F9C] =	sst s1;
	(tag) =	ssettag s2;
	_ =	strace s9  }
0x27: {  	s1 =	sld [smem:$0x3FAC]  }
0x28: {  	s2 =	sld [smem:$0x3FAD]  }
0x29: {  	s4 =	sld [smem:$0x3FAF]  }
0x2a: {  	p0 =	seq.s32 s5, $0x0;
	s5 =	sld [smem:$0x3FB0]  }
0x2b: {  	s6 =	sld [smem:$0x3FB1]  }
0x2c: {  	s7 =	sld [smem:$0x3FB2]  }
0x2d: {  	s3 =	simm.s32 $0x108;
	s8 =	sld [smem:$0x3FB3]  }
0x2e: {  	s3 =	simm.s32 @!p0 $0x1082;
	s9 =	sld [smem:$0x3FB4]  }
0x2f: {  	lr =	sadd.s32 s0, s3;
	s0 =	sld [smem:$0x3FAB]  }
0x30: {  	s3 =	sld [smem:$0x3FAE]  }
0x31: {  	[smem:$0x3FB7] =	sst s10  }
0x32: {  	s10 =	sld [smem:$0x3FB5];
	_ =	sdelay $0x3  }
0x33: {  	p0 =	seq.s32 s10, $0x1;
	s10 =	sld [smem:$0x3FB7];
	_ =	sdelay $0x3  }
0x34: {  	[smem:$0x3FB7] =	sst s10  }
0x35: {  	s10 =	sld [smem:$0x3FB6];
	_ =	sdelay $0x3  }
0x36: {  	p1 =	seq.s32 s10, $0x1;
	s10 =	sld [smem:$0x3FB7];
	_ =	sdelay $0x3  }
0x37: {  	[smem:$0x3FB7] =	sst s10  }
0x38: {  	s10 =	sld [smem:$0x3FB8]  }
0x39: {  	_ = 	snop;
	(pc) =	sbr.ind lr, $3  }
0x3a: {  	_ = 	snop  }
0x3b: {  	_ = 	snop  }
0x3c: {  	p2 =	seq.s32 s10, $0x1;
	s10 =	sld [smem:$0x3FB7]  }
0x3d: {  	_ =	shalt  }
0x3e: {  	_ =	shalt  }
0x3f: {  	_ =	shalt  }
0x40: {  	_ =	shalt  }
0x41: {  	_ =	shalt  }
0x42: {  	_ =	shalt  }
0x43: {  	_ =	shalt  }
0x44: {  	_ =	shalt  }
0x45: {  	_ =	shalt  }
0x46: {  	_ =	shalt  }
0x47: {  	_ =	shalt  }
0x48: {  	_ =	shalt  }
0x49: {  	_ =	shalt  }
0x4a: {  	_ =	shalt  }
0x4b: {  	_ =	shalt  }
0x4c: {  	_ =	shalt  }
0x4d: {  	_ =	shalt  }
0x4e: {  	_ =	shalt  }
0x4f: {  	_ =	shalt  }
0x50: {  	_ =	shalt  }
0x51: {  	_ =	shalt  }
0x52: {  	_ =	shalt  }
0x53: {  	_ =	shalt  }
0x54: {  	_ =	shalt  }
0x55: {  	_ =	shalt  }
0x56: {  	_ =	shalt  }
0x57: {  	_ =	shalt  }
0x58: {  	_ =	shalt  }
0x59: {  	_ =	shalt  }
0x5a: {  	_ =	shalt  }
0x5b: {  	_ =	shalt  }
0x5c: {  	_ =	shalt  }
0x5d: {  	_ =	shalt  }
0x5e: {  	_ =	shalt  }
0x5f: {  	_ =	shalt  }
0x60: {  	_ =	shalt  }
0x61: {  	_ =	shalt  }
0x62: {  	_ =	shalt  }
0x63: {  	_ =	shalt  }
0x64: {  	_ =	shalt  }
0x65: {  	_ =	shalt  }
0x66: {  	_ =	shalt  }
0x67: {  	_ =	shalt  }
0x68: {  	_ =	shalt  }
0x69: {  	_ =	shalt  }
0x6a: {  	_ =	shalt  }
0x6b: {  	_ =	shalt  }
0x6c: {  	_ =	shalt  }
0x6d: {  	_ =	shalt  }
0x6e: {  	_ =	shalt  }
0x6f: {  	_ =	shalt  }
0x70: {  	_ =	shalt  }
0x71: {  	_ =	shalt  }
0x72: {  	_ =	shalt  }
0x73: {  	_ =	shalt  }
0x74: {  	_ =	shalt  }
0x75: {  	_ =	shalt  }
0x76: {  	_ =	shalt  }
0x77: {  	_ =	shalt  }
0x78: {  	_ =	shalt  }
0x79: {  	_ =	shalt  }
0x7a: {  	_ =	shalt  }
0x7b: {  	_ =	shalt  }
0x7c: {  	_ =	shalt  }
0x7d: {  	_ =	shalt  }
0x7e: {  	_ =	shalt  }
0x7f: {  	_ =	shalt  }
0x80: {  	_ =	shalt  }
0x81: {  	_ =	shalt  }
0x82: {  	_ =	shalt  }
0x83: {  	_ =	shalt  }
0x84: {  	_ =	shalt  }
0x85: {  	_ =	shalt  }
0x86: {  	_ =	shalt  }
0x87: {  	_ =	shalt  }
.Lfunc_end0:
.L_simem_size_0:
called_computation.1_lowered:
.L_overlay_start_0:
0x88: {  	s2 =	sld [smem:$0x3FD9]  }
0x89: {  	s3 =	sld [smem:$0x3FFE];
	_ =	sdelay $0x1  }
0x8a: {  	s1 =	srdreg.scid  }
0x8b: {  	s0 =	sand.u32 $0x1, s1  }
0x8c: {  	s17 =	sshll.u32 s0, $0xA;
	s2 =	sadd.s32 s3, s2  }
0x8d: {  	s2 =	sadd.s32 s2, s17  }
0x8e: {  	[smem:$0x3FC3] =	sst s2  }
0x8f: {  	_ = 	snop  }
0x90: {  	s2 =	sld [smem:$0x3FD0];
	(tm) =	ssettm $0x1  }
0x91: {  	s18 =	sld [smem:$0x3FFB];
	_ =	sdelay $0x3  }
0x92: {  	_ =	strace s18  }
0x93: {  	s3 =	sld [smem:$0x3FFC];
	_ =	sdelay $0x3  }
0x94: {  	_ =	strace s3  }
0x95: {  	s3 =	sld [smem:$0x3FFD];
	_ =	sdelay $0x3  }
0x96: {  	_ =	strace s3  }
0x97: {  	_ =	strace $0x8FFFFFFF  }
0x98: {  	s19 =	sld [smem:$0x3FDB];
	_ =	sdelay $0x1  }
0x99: {  	s4 =	simm.s32 $_scs_section_size  }
0x9a: {  	s5 =	simm.s32 $_size__tile_overlayer_lowered;
	s6 =	simm.s32 $_tile_overlayer_lowered  }
0x9b: {  	s22 =	simm.s32 $0x1BFF;
	s21 =	sshll.u32 s6, $0x1;
	s3 =	sadd.s32 s4, s19  }
0x9c: {  	s7 =	simm.s32 $0x0;
	s20 =	sshll.u32 s5, $0x1;
	s5 =	sadd.s32 s21, s3  }
0x9d: {  	[timem:s7], [sflag:s22] =	dma.local [hbm:s5], s20  }
0x9e: {  	_ =	swait.ge [sflag:s22], s20  }
0x9f: {  	s4 =	ssub.s32 $0x0, s20;
	[sflag:s22] =	ssyncset.done $0x0  }
0xa0: {  	[sflag:s22] =	ssyncadd.s32 s4;
	_ =	sdelay $0x1  }
0xa1: {  	s23 =	simm.s32 $0x1B8B  }
0xa2: {  	_ =	swait.ge [sflag:s23], $0x1  }
0xa3: {  	[sflag:s23] =	ssyncset.done $0x0  }
0xa4: {  	s25 =	simm.s32 $0x1B8E;
	s24 =	sld [smem:$0x3FFE];
	[sflag:s23] =	ssyncadd.s32 $0xFFFFFFFF  }
0xa5: {  	s26 =	simm.s32 $execute0_lowered;
	[smem:$0x3FD2] =	sst s25  }
0xa6: {  	s5 =	sshll.u32 s26, $0x1;
	_ =	strace $0x80000046;
	[dreg:$0x1] =	wrdreg $0xFFFFFFFF  }
0xa7: {  	s28 =	simm.s32 $_size_execute0_lowered;
	s3 =	sadd.s32 s3, s5;
	[dreg:$0x0] =	wrdreg $0x0  }
0xa8: {  	s5 =	sshll.u32 s28, $0x1;
	[dreg:$0x2] =	wrdreg s3  }
0xa9: {  	[dreg:$0x3] =	wrdreg s5  }
0xaa: {  	[dreg:$0x4] =	wrdreg $0xC0  }
0xab: {  	_ =	task [dreg:s7], $0x5FFFF  }
0xac: {  	[dreg:$0x1] =	wrdreg $0xFFFFFFFF  }
0xad: {  	[dreg:$0x0] =	wrdreg $0x60  }
0xae: {  	[dreg:$0x2] =	wrdreg s2  }
0xaf: {  	[dreg:$0x3] =	wrdreg s24  }
0xb0: {  	[dreg:$0x4] =	wrdreg $0x9  }
0xb1: {  	_ =	task.clear_ibuf [dreg:s7], $0x5FFFF;
	_ =	strace $0x90000046  }
0xb2: {  	s29 =	simm.s32 $0x9;
	_ =	strace $0x80000048  }
0xb3: {  	_ =	swait.ge [sflag:s29], $0x1  }
0xb4: {  	[sflag:s29] =	ssyncadd.s32 $0xFFFFFFFF  }
0xb5: {  	_ =	strace $0x90000048  }
0xb6: {  	_ =	sfence  }
0xb7: {  	s30 =	sld [smem:$0x0];
	_ =	sdelay $0x2  }
0xb8: {  	s31 =	sshll.u32 s1, $0xD;
	s1 =	sshrl.u32 s1, $0x2  }
0xb9: {  	s3 =	sand.u32 $0x4000, s31;
	s1 =	sadd.s32 s1, s30  }
0xba: {  	s0 =	sor.u32 s3, s0;
	s1 =	sshll.u32 s1, $0x11  }
0xbb: {  	s0 =	sor.u32 s1, s0  }
0xbc: {  	s0 =	sadd.s32 $0x8F2B, s0  }
0xbd: {  	[sflag:s0] =	ssyncadd.remote.s32 $0x1  }
0xbe: {  	_ =	sfence.sel $0xFFFF  }
0xbf: {  	[dreg:$0x0] =	wrdreg $0xFFFFFFFF;
	(pc) =	sbr.abs _section_cstart, $3  }
0xc0: {  	[dreg:$0x1] =	wrdreg $0xFFFFFFFF  }
0xc1: {  	_ =	task.clear_ibuf [dreg:s7], $0x2FFFF;
	_ =	strace $0x9FFFFFFF  }
0xc2: {  	(tm) =	ssettm $0x7FFFFFFF  }
0xc3: {  	_ =	shalt  }
tec
execute0_lowered:
.L_overlay_start_1:
0x0: {  	(tag) =	ssettag $0x1  }
0x1: {  	s1 =	rddreg [dreg:$0x0]  }
0x2: {  	s0 =	rddreg [dreg:$0x1];
	s2 =	simm.s32 $0x0;
	s24 =	srdreg.scid  }
0x3: {  	s3 =	stileid.u32;
	s29 =	simm.s32 $0x10;
	s19 =	simm.s32 $0x6  }
0x4: {  	s28 =	simm.s32 $0x6A40;
	s22 =	simm.s32 $0x40;
	s11 =	simm.s32 $0x76C0  }
0x5: {  	s21 =	simm.s32 $0x8340;
	s12 =	simm.s32 $0x8FC0;
	s13 =	simm.s32 $0x9C40  }
0x6: {  	s18 =	simm.s32 $0xA8C0;
	s20 =	simm.s32 $0xB540;
	[smem:$0x7FF] =	sst s2  }
0x7: {  	s2 =	sand.u32 $0x1, s24;
	s3 =	sshll.u32 s3, $0x1;
	s4 =	sadd.s32 $0xE00, s0  }
0x8: {  	s5 =	sadd.s32 $0xF43200, s0;
	s6 =	sadd.s32 $0x19E00, s0;
	s8 =	sadd.s32 $0x1A600, s0  }
0x9: {  	s15 =	sadd.s32 $0x1AB80, s0;
	s16 =	sadd.s32 $0x1AF00, s0;
	s24 =	simm.s32 $0x1  }
0xa: {  	_ =	strace $0x80000047;
	s3 =	sor.u32 s2, s3;
	s2 =	ssub.s32 $0x2, s2  }
0xb: {  	[dreg:$0x3] =	wrdreg s8;
	s7 =	smul.u32 $0x6400, s3;
	s9 =	sshrl.u32 s2, $0x1  }
0xc: {  	s8 =	sadd.s32 $0x1A800, s0;
	s2 =	ssub.s32 s2, s9;
	s9 =	sshll.u32 s3, $0x9  }
0xd: {  	s25 =	sshrl.u32 s7, $0x3;
	s14 =	sor.u32 $0x320, s7;
	s31 =	smax.u32 s2, $0x1  }
0xe: {  	s17 =	sadd.s32 $0x4B0, s7;
	s10 =	sadd.s32 s1, s25;
	[dreg:$0x8] =	wrdreg s31  }
0xf: {  	s26 =	sadd.s32 s4, s25;
	s3 =	sor.u32 $0x32, s25;
	[dreg:$0x4] =	wrdreg s10  }
0x10: {  	s7 =	simm.s32 $0x0;
	[dreg:$0x5] =	wrdreg s26;
	s30 =	sadd.s32 s1, s3  }
0x11: {  	s25 =	simm.s32 $0x80;
	s3 =	sadd.s32 s4, s3;
	[dreg:$0x6] =	wrdreg s30  }
0x12: {  	s10 =	simm.s32 $0x2;
	[dreg:$0x7] =	wrdreg s3;
	s3 =	simm.s32 $0xC1C0  }
.LBB2_1:
0x13: {  	[dreg:$0x9] =	wrdreg s7;
	s0 =	simm.s32 $0x0  }
0x14: {  	s2 =	rddreg [dreg:$0x3];
	s31 =	simm.s32 $0x10040;
	s23 =	simm.s32 $0x7  }
0x15: {  	[tilespmem:s31], [sflag:$0x7] =	stream.linear.gather [hbm4b:s2+s0], $0x10, $0x38;
	[tilespmem:$0x10050] =	vst v63  }
0x16: {  	_ =	swait.ge [sflag:s23], $0x10  }
0x17: {  	[sflag:s23] =	ssyncset.done $0x0  }
0x18: {  	s26 =	rddreg [dreg:$0x4];
	[sflag:s23] =	ssyncadd.s32 $0xFFFFFFF0  }
0x19: {  	v0 =	vld [tilespmem:$0x10040];
	[tilespmem:s0], [sflag:$0x5] =	stream.linear.gather [hbm4b:s26+s0], $0x190, $0x38  }
0x1a: {  	s7 =	simm.s32 $0x320;
	s30 =	rddreg [dreg:$0x5]  }
0x1b: {  	[tilespmem:s7], [sflag:$0x5] =	stream.linear.gather [hbm4b:s30+s0], $0x190, $0x38;
	[tilespmem:$0x10050] =	vst v63  }
0x1c: {  	s31 =	rddreg [dreg:$0x6];
	s23 =	simm.s32 $0x190  }
0x1d: {  	[tilespmem:s23], [sflag:$0x6] =	stream.linear.gather [hbm4b:s31+s0], $0x190, $0x38;
	[tilespmem:$0x10050] =	vst v63  }
0x1e: {  	s26 =	simm.s32 $0x4B0;
	s30 =	simm.s32 $0x5;
	s23 =	rddreg [dreg:$0x7]  }
0x1f: {  	[tilespmem:s26], [sflag:$0x6] =	stream.linear.gather [hbm4b:s23+s0], $0x190, $0x38;
	[tilespmem:$0x10050] =	vst v63  }
0x20: {  	_ =	swait.ge [sflag:s30], $0x190  }
0x21: {  	[sflag:s30] =	ssyncset.done $0x0  }
0x22: {  	[sflag:s30] =	ssyncadd.s32 $0xFFFFFE70  }
0x23: {  	_ =	swait.ge [sflag:s30], $0x190  }
0x24: {  	[sflag:s30] =	ssyncset.done $0x0  }
0x25: {  	s31 =	simm.s32 $0x640;
	[sflag:s30] =	ssyncadd.s32 $0xFFFFFE70  }
0x26: {  	[tilespmem:s31], [sflag:$0x1] =	stream.indirect.gather [hbm4b:s5+s25], $0x40, s0, s25, $0xb8;
	[tilespmem:$0x10050] =	vst v63  }
0x27: {  	s2 =	simm.s32 $0xCE40  }
0x28: {  	[tilespmem:s2], [sflag:$0x1] =	stream.indirect.gather [hbm4b:s6+s25], $0x10, s7, s25, $0xb8;
	[tilespmem:$0x10050] =	vst v63  }
0x29: {  	s7 =	simm.s32 $0x2640  }
0x2a: {  	[tilespmem:s7], [sflag:$0x1] =	stream.indirect.gather [hbm4b:s5+s25], $0x40, s25, s25, $0xb8;
	[tilespmem:$0x10050] =	vst v63  }
0x2b: {  	s23 =	simm.s32 $0x3A0;
	s26 =	simm.s32 $0xD640  }
0x2c: {  	[tilespmem:s26], [sflag:$0x1] =	stream.indirect.gather [hbm4b:s6+s25], $0x10, s23, s25, $0xb8;
	[tilespmem:$0x10050] =	vst v63  }
0x2d: {  	s30 =	simm.s32 $0x100;
	s31 =	simm.s32 $0x4640  }
0x2e: {  	[tilespmem:s31], [sflag:$0x1] =	stream.indirect.gather [hbm4b:s5+s25], $0x40, s30, s25, $0xb8;
	[tilespmem:$0x10050] =	vst v63  }
0x2f: {  	s2 =	simm.s32 $0x420;
	s7 =	simm.s32 $0xDE40  }
0x30: {  	[tilespmem:s7], [sflag:$0x1] =	stream.indirect.gather [hbm4b:s6+s25], $0x10, s2, s25, $0xb8;
	[tilespmem:$0x10050] =	vst v63  }
0x31: {  	s23 =	simm.s32 $0x180;
	s26 =	simm.s32 $0x6640  }
0x32: {  	[tilespmem:s26], [sflag:$0x1] =	stream.indirect.gather [hbm4b:s5+s29], $0x40, s23, s29, $0xb8;
	[tilespmem:$0x10050] =	vst v63  }
0x33: {  	s30 =	simm.s32 $0x4A0;
	s31 =	simm.s32 $0xE640;
	s23 =	simm.s32 $0x0  }
0x34: {  	[tilespmem:s31], [sflag:$0x1] =	stream.indirect.gather [hbm4b:s6+s29], $0x10, s30, s29, $0xb8;
	[tilespmem:$0x10050] =	vst v63  }
.LBB2_2:
0x35: {  	p0 =	seq.s32 s23, $0x0  }
0x36: {  	s0 =	simm.s32 @!p0 $0x4  }
0x37: {  	_ =	swait.ge @!p0 [sflag:s0], $0xC80  }
0x38: {  	[sflag:s0] =	ssyncset.done @!p0 $0x0  }
0x39: {  	[sflag:s0] =	ssyncadd.s32 @!p0 $0xFFFFF380  }
0x3a: {  	_ =	swait.ge @!p0 [sflag:s0], $0xC80  }
0x3b: {  	[sflag:s0] =	ssyncset.done @!p0 $0x0  }
0x3c: {  	[sflag:s0] =	ssyncadd.s32 @!p0 $0xFFFFF380  }
0x3d: {  	_ =	swait.ge @!p0 [sflag:s0], $0xC80  }
0x3e: {  	[sflag:s0] =	ssyncset.done @!p0 $0x0  }
0x3f: {  	[sflag:s0] =	ssyncadd.s32 @!p0 $0xFFFFF380  }
0x40: {  	_ =	swait.ge @!p0 [sflag:s0], $0xC80  }
0x41: {  	[sflag:s0] =	ssyncset.done @!p0 $0x0  }
0x42: {  	[sflag:s0] =	ssyncadd.s32 @!p0 $0xFFFFF380  }
0x43: {  	_ =	swait.ge @!p0 [sflag:s0], $0xC80  }
0x44: {  	[sflag:s0] =	ssyncset.done @!p0 $0x0  }
0x45: {  	[sflag:s0] =	ssyncadd.s32 @!p0 $0xFFFFF380  }
0x46: {  	_ =	swait.ge @!p0 [sflag:s0], $0xC80  }
0x47: {  	[sflag:s0] =	ssyncset.done @!p0 $0x0  }
0x48: {  	[sflag:s0] =	ssyncadd.s32 @!p0 $0xFFFFF380  }
0x49: {  	_ =	swait.ge @!p0 [sflag:s0], $0xC80  }
0x4a: {  	[sflag:s0] =	ssyncset.done @!p0 $0x0  }
0x4b: {  	[sflag:s0] =	ssyncadd.s32 @!p0 $0xFFFFF380  }
0x4c: {  	_ =	swait.ge @!p0 [sflag:s0], $0xC80  }
0x4d: {  	[sflag:s0] =	ssyncset.done @!p0 $0x0  }
0x4e: {  	[sflag:s0] =	ssyncadd.s32 @!p0 $0xFFFFF380  }
0x4f: {  	_ =	swait.ge [sflag:s19], $0x190  }
0x50: {  	[sflag:s19] =	ssyncset.done $0x0  }
0x51: {  	[sflag:s19] =	ssyncadd.s32 $0xFFFFFE70  }
0x52: {  	_ =	swait.ge [sflag:s19], $0x190  }
0x53: {  	[sflag:s19] =	ssyncset.done $0x0  }
0x54: {  	s7 =	simm.s32 $0x190;
	[sflag:s19] =	ssyncadd.s32 $0xFFFFFE70  }
0x55: {  	[tilespmem:s28], [sflag:$0x2] =	stream.indirect.gather [hbm4b:s5+s25], $0x40, s7, s25, $0xb8;
	[tilespmem:$0x10050] =	vst v63  }
0x56: {  	s26 =	simm.s32 $0x4B0;
	s2 =	simm.s32 $0xE740  }
0x57: {  	[tilespmem:s2], [sflag:$0x2] =	stream.indirect.gather [hbm4b:s6+s25], $0x10, s26, s25, $0xb8;
	[tilespmem:$0x10050] =	vst v63  }
0x58: {  	s7 =	simm.s32 $0x210;
	s26 =	simm.s32 $0x8A40  }
0x59: {  	[tilespmem:s26], [sflag:$0x2] =	stream.indirect.gather [hbm4b:s5+s25], $0x40, s7, s25, $0xb8;
	[tilespmem:$0x10050] =	vst v63  }
0x5a: {  	s7 =	simm.s32 $0x530;
	s26 =	simm.s32 $0xEF40  }
0x5b: {  	[tilespmem:s26], [sflag:$0x2] =	stream.indirect.gather [hbm4b:s6+s25], $0x10, s7, s25, $0xb8;
	[tilespmem:$0x10050] =	vst v63  }
0x5c: {  	s7 =	simm.s32 $0x290;
	s26 =	simm.s32 $0xAA40  }
0x5d: {  	[tilespmem:s26], [sflag:$0x2] =	stream.indirect.gather [hbm4b:s5+s25], $0x40, s7, s25, $0xb8;
	[tilespmem:$0x10050] =	vst v63  }
0x5e: {  	s7 =	simm.s32 $0x5B0;
	s26 =	simm.s32 $0xF740  }
0x5f: {  	[tilespmem:s26], [sflag:$0x2] =	stream.indirect.gather [hbm4b:s6+s25], $0x10, s7, s25, $0xb8;
	[tilespmem:$0x10050] =	vst v63  }
0x60: {  	s7 =	simm.s32 $0x310;
	s26 =	simm.s32 $0xCA40  }
0x61: {  	[tilespmem:s26], [sflag:$0x2] =	stream.indirect.gather [hbm4b:s5+s29], $0x40, s7, s29, $0xb8;
	[tilespmem:$0x10050] =	vst v63  }
0x62: {  	s2 =	simm.s32 $0x630;
	s7 =	simm.s32 $0xFF40  }
0x63: {  	[tilespmem:s7], [sflag:$0x2] =	stream.indirect.gather [hbm4b:s6+s29], $0x10, s2, s29, $0xb8;
	[tilespmem:$0x10050] =	vst v63  }
0x64: {  	_ =	swait.ge [sflag:s24], $0x2000  }
0x65: {  	[sflag:s24] =	ssyncset.done $0x0  }
0x66: {  	[sflag:s24] =	ssyncadd.s32 $0xFFFFE000  }
0x67: {  	_ =	swait.ge [sflag:s24], $0x800  }
0x68: {  	[sflag:s24] =	ssyncset.done $0x0  }
0x69: {  	[sflag:s24] =	ssyncadd.s32 $0xFFFFF800  }
0x6a: {  	_ =	swait.ge [sflag:s24], $0x2000  }
0x6b: {  	[sflag:s24] =	ssyncset.done $0x0  }
0x6c: {  	[sflag:s24] =	ssyncadd.s32 $0xFFFFE000  }
0x6d: {  	_ =	swait.ge [sflag:s24], $0x800  }
0x6e: {  	[sflag:s24] =	ssyncset.done $0x0  }
0x6f: {  	[sflag:s24] =	ssyncadd.s32 $0xFFFFF800  }
0x70: {  	_ =	swait.ge [sflag:s24], $0x2000  }
0x71: {  	[sflag:s24] =	ssyncset.done $0x0  }
0x72: {  	[sflag:s24] =	ssyncadd.s32 $0xFFFFE000  }
0x73: {  	_ =	swait.ge [sflag:s24], $0x800  }
0x74: {  	[sflag:s24] =	ssyncset.done $0x0  }
0x75: {  	[sflag:s24] =	ssyncadd.s32 $0xFFFFF800  }
0x76: {  	p0 =	seq.s32 s23, $0x1F;
	_ =	swait.ge [sflag:s24], $0x400  }
0x77: {  	s30 =	smul.u32 @!p0 $0x320, s23;
	[sflag:s24] =	ssyncset.done $0x0  }
0x78: {  	[sflag:s24] =	ssyncadd.s32 $0xFFFFFC00  }
0x79: {  	s0 =	sadd.s32 @!p0 s30, s14;
	_ =	swait.ge [sflag:s24], $0x100  }
0x7a: {  	s0 =	sshrl.u32 @!p0 s0, $0x3;
	[sflag:s24] =	ssyncset.done $0x0  }
0x7b: {  	s31 =	simm.s32 @!p0 $0x0;
	s26 =	sadd.s32 @!p0 s1, s0;
	[sflag:s24] =	ssyncadd.s32 $0xFFFFFF00  }
0x7c: {  	[tilespmem:s31], [sflag:$0x5] =	stream.linear.gather @!p0 [hbm4b:s26+s31], $0x190, $0x38;
	[tilespmem:$0x10050] =	vst v63  }
0x7d: {  	s0 =	sadd.s32 @!p0 s4, s0;
	s26 =	simm.s32 @!p0 $0x320  }
0x7e: {  	[tilespmem:s26], [sflag:$0x5] =	stream.linear.gather @!p0 [hbm4b:s0+s31], $0x190, $0x38;
	[tilespmem:$0x10050] =	vst v63  }
0x7f: {  	s26 =	simm.s32 $0xCE80  }
0x80: {  	v1 =	vld [tilespmem:s26+$0xFFFFFFC0];
	_ =	sdelay $0x4  }
0x81: {  	v1 =	vmul.f32 v1, v0  }
0x82: {  	s31 =	simm.s32 $0x800  }
0x83: {  	[tilespmem:s31+$0xFFFFFE40] =	vst.add.f32.msk $0xffff, v1  }
0x84: {  	v1 =	vld [tilespmem:s26+$0xFFFFFFD0];
	_ =	sdelay $0x4  }
0x85: {  	v1 =	vmul.f32 v1, v0;
	_ =	sdelay $0x1  }
0x86: {  	[tilespmem:s31+$0xFFFFFE80] =	vst.add.f32.msk $0xffff, v1  }
0x87: {  	v1 =	vld [tilespmem:s26+$0xFFFFFFE0];
	_ =	sdelay $0x4  }
0x88: {  	v1 =	vmul.f32 v1, v0;
	_ =	sdelay $0x1  }
0x89: {  	[tilespmem:s31+$0xFFFFFEC0] =	vst.add.f32.msk $0xffff, v1  }
0x8a: {  	v1 =	vld [tilespmem:s26+$0xFFFFFFF0];
	_ =	sdelay $0x4  }
0x8b: {  	v1 =	vmul.f32 v1, v0;
	_ =	sdelay $0x1  }
0x8c: {  	[tilespmem:s31+$0xFFFFFF00] =	vst.add.f32.msk $0xffff, v1  }
0x8d: {  	v1 =	vld [tilespmem:s26+$0x0];
	_ =	sdelay $0x4  }
0x8e: {  	v1 =	vmul.f32 v1, v0;
	_ =	sdelay $0x1  }
0x8f: {  	[tilespmem:s31+$0xFFFFFF40] =	vst.add.f32.msk $0xffff, v1  }
0x90: {  	v1 =	vld [tilespmem:s26+$0x10];
	_ =	sdelay $0x4  }
0x91: {  	v1 =	vmul.f32 v1, v0;
	_ =	sdelay $0x1  }
0x92: {  	[tilespmem:s31+$0xFFFFFF80] =	vst.add.f32.msk $0xffff, v1  }
0x93: {  	v1 =	vld [tilespmem:s26+$0x20];
	_ =	sdelay $0x4  }
0x94: {  	v1 =	vmul.f32 v1, v0;
	_ =	sdelay $0x1  }
0x95: {  	[tilespmem:s31+$0xFFFFFFC0] =	vst.add.f32.msk $0xffff, v1  }
0x96: {  	v1 =	vld [tilespmem:s26+$0x30];
	_ =	sdelay $0x4  }
0x97: {  	v1 =	vmul.f32 v1, v0;
	_ =	sdelay $0x1  }
0x98: {  	s0 =	simm.s32 $0x0;
	s26 =	simm.s32 $0xCF00;
	[tilespmem:s31+$0x0] =	vst.add.f32.msk $0xffff, v1  }
.LBB2_3:
0x99: {  	v1 =	vld [tilespmem:s26+$0xFFFFFFC0];
	s0 =	sadd.s32 $0x8, s0  }
0x9a: {  	p1 =	slt.u32 s0, $0x188;
	_ =	sdelay $0x3  }
0x9b: {  	v1 =	vmul.f32 v1, v0  }
0x9c: {  	s31 =	sadd.s32 $0x200, s31  }
0x9d: {  	[tilespmem:s31+$0xFFFFFE40] =	vst.add.f32.msk $0xffff, v1  }
0x9e: {  	v1 =	vld [tilespmem:s26+$0xFFFFFFD0];
	_ =	sdelay $0x4  }
0x9f: {  	v1 =	vmul.f32 v1, v0;
	_ =	sdelay $0x1  }
0xa0: {  	[tilespmem:s31+$0xFFFFFE80] =	vst.add.f32.msk $0xffff, v1  }
0xa1: {  	v1 =	vld [tilespmem:s26+$0xFFFFFFE0];
	_ =	sdelay $0x4  }
0xa2: {  	v1 =	vmul.f32 v1, v0;
	_ =	sdelay $0x1  }
0xa3: {  	[tilespmem:s31+$0xFFFFFEC0] =	vst.add.f32.msk $0xffff, v1  }
0xa4: {  	v1 =	vld [tilespmem:s26+$0xFFFFFFF0];
	_ =	sdelay $0x4  }
0xa5: {  	v1 =	vmul.f32 v1, v0;
	_ =	sdelay $0x1  }
0xa6: {  	[tilespmem:s31+$0xFFFFFF00] =	vst.add.f32.msk $0xffff, v1  }
0xa7: {  	v1 =	vld [tilespmem:s26+$0x0];
	_ =	sdelay $0x4  }
0xa8: {  	v1 =	vmul.f32 v1, v0;
	_ =	sdelay $0x1  }
0xa9: {  	[tilespmem:s31+$0xFFFFFF40] =	vst.add.f32.msk $0xffff, v1  }
0xaa: {  	v1 =	vld [tilespmem:s26+$0x10];
	_ =	sdelay $0x4  }
0xab: {  	v1 =	vmul.f32 v1, v0;
	_ =	sdelay $0x1  }
0xac: {  	[tilespmem:s31+$0xFFFFFF80] =	vst.add.f32.msk $0xffff, v1  }
0xad: {  	v1 =	vld [tilespmem:s26+$0x20];
	_ =	sdelay $0x4  }
0xae: {  	v1 =	vmul.f32 v1, v0;
	_ =	sdelay $0x1  }
0xaf: {  	[tilespmem:s31+$0xFFFFFFC0] =	vst.add.f32.msk $0xffff, v1  }
0xb0: {  	v1 =	vld [tilespmem:s26+$0x30];
	_ =	sdelay $0x2  }
.Ltmp0:
0xb1: {  	(pc) =	sbr.rel @p1 .LBB2_3-.Ltmp0, $3  }
0xb2: {  	_ = 	snop  }
0xb3: {  	v1 =	vmul.f32 v1, v0;
	_ =	sdelay $0x1  }
0xb4: {  	s26 =	sadd.s32 $0x80, s26;
	[tilespmem:s31+$0x0] =	vst.add.f32.msk $0xffff, v1  }
0xb5: {  	s0 =	sshll.u32 s23, $0x4  }
0xb6: {  	s31 =	sor.u32 s9, s0  }
0xb7: {  	s0 =	smul.u32 $0x380, s31;
	_ =	sdelay $0x1  }
0xb8: {  	s2 =	simm.s32 $0x640;
	s26 =	sadd.s32 s8, s0  }
0xb9: {  	[hbm4b:s26+s22] =	stream.strided.scatter [tilespmem:s2], [sflag:$0x3], $0xC80, s25, s22, $0x38;
	[tilespmem:$0x10050] =	vst v63  }
0xba: {  	s7 =	simm.s32 $0x12C0;
	s2 =	sadd.s32 s0, s15;
	s26 =	smul.u32 $0x1C00, s31  }
0xbb: {  	[hbm4b:s2+s22] =	stream.strided.scatter [tilespmem:s7], [sflag:$0x3], $0xC80, s25, s22, $0x38;
	[tilespmem:$0x10050] =	vst v63  }
0xbc: {  	s0 =	sadd.s32 s0, s16;
	s7 =	simm.s32 $0x1F40;
	s26 =	sshrl.u32 s26, $0x3  }
0xbd: {  	[hbm4b:s0+s22] =	stream.strided.scatter [tilespmem:s7], [sflag:$0x3], $0xC80, s25, s22, $0x38;
	[tilespmem:$0x10050] =	vst v63  }
0xbe: {  	s0 =	sadd.s32 s8, s26  }
0xbf: {  	s7 =	simm.s32 $0x2BC0;
	s2 =	sadd.s32 $0xA80, s0  }
0xc0: {  	[hbm4b:s2+s22] =	stream.strided.scatter [tilespmem:s7], [sflag:$0x3], $0xC80, s25, s22, $0x38;
	[tilespmem:$0x10050] =	vst v63  }
0xc1: {  	s2 =	sadd.s32 $0xE00, s0;
	s7 =	simm.s32 $0x3840  }
0xc2: {  	[hbm4b:s2+s22] =	stream.strided.scatter [tilespmem:s7], [sflag:$0x3], $0xC80, s25, s22, $0x38;
	[tilespmem:$0x10050] =	vst v63  }
0xc3: {  	s2 =	sadd.s32 $0x1180, s0;
	s7 =	simm.s32 $0x44C0  }
0xc4: {  	[hbm4b:s2+s22] =	stream.strided.scatter [tilespmem:s7], [sflag:$0x3], $0xC80, s25, s22, $0x38;
	[tilespmem:$0x10050] =	vst v63  }
0xc5: {  	s2 =	sadd.s32 $0x1500, s0;
	s7 =	simm.s32 $0x5140  }
0xc6: {  	[hbm4b:s2+s22] =	stream.strided.scatter [tilespmem:s7], [sflag:$0x3], $0xC80, s25, s22, $0x38;
	[tilespmem:$0x10050] =	vst v63  }
0xc7: {  	s0 =	sadd.s32 $0x1880, s0;
	s7 =	simm.s32 $0x5DC0  }
0xc8: {  	[hbm4b:s0+s22] =	stream.strided.scatter [tilespmem:s7], [sflag:$0x3], $0xC80, s25, s22, $0x38;
	[tilespmem:$0x10050] =	vst v63  }
0xc9: {  	s0 =	simm.s32 @!p0 $0x3  }
0xca: {  	_ =	swait.ge @!p0 [sflag:s0], $0xC80  }
0xcb: {  	[sflag:s0] =	ssyncset.done @!p0 $0x0  }
0xcc: {  	[sflag:s0] =	ssyncadd.s32 @!p0 $0xFFFFF380  }
0xcd: {  	_ =	swait.ge @!p0 [sflag:s0], $0xC80  }
0xce: {  	[sflag:s0] =	ssyncset.done @!p0 $0x0  }
0xcf: {  	[sflag:s0] =	ssyncadd.s32 @!p0 $0xFFFFF380  }
0xd0: {  	_ =	swait.ge @!p0 [sflag:s0], $0xC80  }
0xd1: {  	[sflag:s0] =	ssyncset.done @!p0 $0x0  }
0xd2: {  	[sflag:s0] =	ssyncadd.s32 @!p0 $0xFFFFF380  }
0xd3: {  	_ =	swait.ge @!p0 [sflag:s0], $0xC80  }
0xd4: {  	[sflag:s0] =	ssyncset.done @!p0 $0x0  }
0xd5: {  	[sflag:s0] =	ssyncadd.s32 @!p0 $0xFFFFF380  }
0xd6: {  	_ =	swait.ge @!p0 [sflag:s0], $0xC80  }
0xd7: {  	[sflag:s0] =	ssyncset.done @!p0 $0x0  }
0xd8: {  	[sflag:s0] =	ssyncadd.s32 @!p0 $0xFFFFF380  }
0xd9: {  	_ =	swait.ge @!p0 [sflag:s0], $0xC80  }
0xda: {  	[sflag:s0] =	ssyncset.done @!p0 $0x0  }
0xdb: {  	[sflag:s0] =	ssyncadd.s32 @!p0 $0xFFFFF380  }
0xdc: {  	_ =	swait.ge @!p0 [sflag:s0], $0xC80  }
0xdd: {  	[sflag:s0] =	ssyncset.done @!p0 $0x0  }
0xde: {  	[sflag:s0] =	ssyncadd.s32 @!p0 $0xFFFFF380  }
0xdf: {  	_ =	swait.ge @!p0 [sflag:s0], $0xC80  }
0xe0: {  	[sflag:s0] =	ssyncset.done @!p0 $0x0  }
0xe1: {  	[sflag:s0] =	ssyncadd.s32 @!p0 $0xFFFFF380;
	s0 =	simm.s32 @!p0 $0x5  }
0xe2: {  	_ =	swait.ge @!p0 [sflag:s0], $0x190  }
0xe3: {  	[sflag:s0] =	ssyncset.done @!p0 $0x0  }
0xe4: {  	[sflag:s0] =	ssyncadd.s32 @!p0 $0xFFFFFE70  }
0xe5: {  	_ =	swait.ge @!p0 [sflag:s0], $0x190  }
0xe6: {  	s26 =	simm.s32 @!p0 $0x0;
	[sflag:s0] =	ssyncset.done @!p0 $0x0  }
0xe7: {  	s2 =	simm.s32 @!p0 $0x640;
	[sflag:s0] =	ssyncadd.s32 @!p0 $0xFFFFFE70;
	s0 =	simm.s32 @!p0 $0x80  }
0xe8: {  	[tilespmem:s2], [sflag:$0x1] =	stream.indirect.gather @!p0 [hbm4b:s5+s0], $0x40, s26, s0, $0xb8;
	[tilespmem:$0x10050] =	vst v63  }
0xe9: {  	s7 =	simm.s32 @!p0 $0xCE40;
	s2 =	simm.s32 @!p0 $0x320  }
0xea: {  	[tilespmem:s7], [sflag:$0x1] =	stream.indirect.gather @!p0 [hbm4b:s6+s0], $0x10, s2, s0, $0xb8;
	[tilespmem:$0x10050] =	vst v63  }
0xeb: {  	s2 =	simm.s32 @!p0 $0x2640  }
0xec: {  	[tilespmem:s2], [sflag:$0x1] =	stream.indirect.gather @!p0 [hbm4b:s5+s0], $0x40, s0, s0, $0xb8;
	[tilespmem:$0x10050] =	vst v63  }
0xed: {  	s7 =	simm.s32 @!p0 $0xD640;
	s2 =	simm.s32 @!p0 $0x3A0  }
0xee: {  	[tilespmem:s7], [sflag:$0x1] =	stream.indirect.gather @!p0 [hbm4b:s6+s0], $0x10, s2, s0, $0xb8;
	[tilespmem:$0x10050] =	vst v63  }
0xef: {  	s2 =	simm.s32 @!p0 $0x100;
	s7 =	simm.s32 @!p0 $0x4640  }
0xf0: {  	[tilespmem:s7], [sflag:$0x1] =	stream.indirect.gather @!p0 [hbm4b:s5+s0], $0x40, s2, s0, $0xb8;
	[tilespmem:$0x10050] =	vst v63  }
0xf1: {  	s2 =	simm.s32 @!p0 $0x420;
	s7 =	simm.s32 @!p0 $0xDE40  }
0xf2: {  	[tilespmem:s7], [sflag:$0x1] =	stream.indirect.gather @!p0 [hbm4b:s6+s0], $0x10, s2, s0, $0xb8;
	[tilespmem:$0x10050] =	vst v63  }
0xf3: {  	s0 =	simm.s32 @!p0 $0x10;
	s2 =	simm.s32 @!p0 $0x180;
	s7 =	simm.s32 @!p0 $0x6640  }
0xf4: {  	[tilespmem:s7], [sflag:$0x1] =	stream.indirect.gather @!p0 [hbm4b:s5+s0], $0x40, s2, s0, $0xb8;
	[tilespmem:$0x10050] =	vst v63  }
0xf5: {  	s2 =	simm.s32 @!p0 $0x4A0;
	s7 =	simm.s32 @!p0 $0xE640  }
0xf6: {  	[tilespmem:s7], [sflag:$0x1] =	stream.indirect.gather @!p0 [hbm4b:s6+s0], $0x10, s2, s0, $0xb8;
	[tilespmem:$0x10050] =	vst v63  }
0xf7: {  	_ =	swait.ge [sflag:s10], $0x2000  }
0xf8: {  	[sflag:s10] =	ssyncset.done $0x0  }
0xf9: {  	[sflag:s10] =	ssyncadd.s32 $0xFFFFE000  }
0xfa: {  	_ =	swait.ge [sflag:s10], $0x800  }
0xfb: {  	[sflag:s10] =	ssyncset.done $0x0  }
0xfc: {  	[sflag:s10] =	ssyncadd.s32 $0xFFFFF800  }
0xfd: {  	_ =	swait.ge [sflag:s10], $0x2000  }
0xfe: {  	[sflag:s10] =	ssyncset.done $0x0  }
0xff: {  	[sflag:s10] =	ssyncadd.s32 $0xFFFFE000  }
0x100: {  	_ =	swait.ge [sflag:s10], $0x800  }
0x101: {  	[sflag:s10] =	ssyncset.done $0x0  }
0x102: {  	[sflag:s10] =	ssyncadd.s32 $0xFFFFF800  }
0x103: {  	_ =	swait.ge [sflag:s10], $0x2000  }
0x104: {  	[sflag:s10] =	ssyncset.done $0x0  }
0x105: {  	[sflag:s10] =	ssyncadd.s32 $0xFFFFE000  }
0x106: {  	_ =	swait.ge [sflag:s10], $0x800  }
0x107: {  	[sflag:s10] =	ssyncset.done $0x0  }
0x108: {  	[sflag:s10] =	ssyncadd.s32 $0xFFFFF800  }
0x109: {  	_ =	swait.ge [sflag:s10], $0x400  }
0x10a: {  	[sflag:s10] =	ssyncset.done $0x0  }
0x10b: {  	[sflag:s10] =	ssyncadd.s32 $0xFFFFFC00  }
0x10c: {  	s0 =	sadd.s32 @!p0 s30, s17;
	_ =	swait.ge [sflag:s10], $0x100  }
0x10d: {  	s0 =	sshrl.u32 @!p0 s0, $0x3;
	[sflag:s10] =	ssyncset.done $0x0  }
0x10e: {  	s7 =	simm.s32 @!p0 $0x190;
	s2 =	sadd.s32 @!p0 s1, s0;
	[sflag:s10] =	ssyncadd.s32 $0xFFFFFF00  }
0x10f: {  	[tilespmem:s7], [sflag:$0x6] =	stream.linear.gather @!p0 [hbm4b:s2+s26], $0x190, $0x38;
	[tilespmem:$0x10050] =	vst v63  }
0x110: {  	s0 =	sadd.s32 @!p0 s4, s0;
	s2 =	simm.s32 @!p0 $0x4B0  }
0x111: {  	[tilespmem:s2], [sflag:$0x6] =	stream.linear.gather @!p0 [hbm4b:s0+s26], $0x190, $0x38;
	[tilespmem:$0x10050] =	vst v63  }
0x112: {  	s26 =	simm.s32 $0xE780  }
0x113: {  	v1 =	vld [tilespmem:s26+$0xFFFFFFC0];
	_ =	sdelay $0x4  }
0x114: {  	v1 =	vmul.f32 v1, v0  }
0x115: {  	s30 =	simm.s32 $0x6C00  }
0x116: {  	[tilespmem:s30+$0xFFFFFE40] =	vst.add.f32.msk $0xffff, v1  }
0x117: {  	v1 =	vld [tilespmem:s26+$0xFFFFFFD0];
	_ =	sdelay $0x4  }
0x118: {  	v1 =	vmul.f32 v1, v0;
	_ =	sdelay $0x1  }
0x119: {  	[tilespmem:s30+$0xFFFFFE80] =	vst.add.f32.msk $0xffff, v1  }
0x11a: {  	v1 =	vld [tilespmem:s26+$0xFFFFFFE0];
	_ =	sdelay $0x4  }
0x11b: {  	v1 =	vmul.f32 v1, v0;
	_ =	sdelay $0x1  }
0x11c: {  	[tilespmem:s30+$0xFFFFFEC0] =	vst.add.f32.msk $0xffff, v1  }
0x11d: {  	v1 =	vld [tilespmem:s26+$0xFFFFFFF0];
	_ =	sdelay $0x4  }
0x11e: {  	v1 =	vmul.f32 v1, v0;
	_ =	sdelay $0x1  }
0x11f: {  	[tilespmem:s30+$0xFFFFFF00] =	vst.add.f32.msk $0xffff, v1  }
0x120: {  	v1 =	vld [tilespmem:s26+$0x0];
	_ =	sdelay $0x4  }
0x121: {  	v1 =	vmul.f32 v1, v0;
	_ =	sdelay $0x1  }
0x122: {  	[tilespmem:s30+$0xFFFFFF40] =	vst.add.f32.msk $0xffff, v1  }
0x123: {  	v1 =	vld [tilespmem:s26+$0x10];
	_ =	sdelay $0x4  }
0x124: {  	v1 =	vmul.f32 v1, v0;
	_ =	sdelay $0x1  }
0x125: {  	[tilespmem:s30+$0xFFFFFF80] =	vst.add.f32.msk $0xffff, v1  }
0x126: {  	v1 =	vld [tilespmem:s26+$0x20];
	_ =	sdelay $0x4  }
0x127: {  	v1 =	vmul.f32 v1, v0;
	_ =	sdelay $0x1  }
0x128: {  	[tilespmem:s30+$0xFFFFFFC0] =	vst.add.f32.msk $0xffff, v1  }
0x129: {  	v1 =	vld [tilespmem:s26+$0x30];
	_ =	sdelay $0x4  }
0x12a: {  	v1 =	vmul.f32 v1, v0;
	_ =	sdelay $0x1  }
0x12b: {  	s0 =	simm.s32 $0x0;
	s26 =	simm.s32 $0xE800;
	[tilespmem:s30+$0x0] =	vst.add.f32.msk $0xffff, v1  }
.LBB2_5:
0x12c: {  	v1 =	vld [tilespmem:s26+$0xFFFFFFC0];
	s0 =	sadd.s32 $0x8, s0  }
0x12d: {  	p0 =	slt.u32 s0, $0x188;
	_ =	sdelay $0x3  }
0x12e: {  	v1 =	vmul.f32 v1, v0  }
0x12f: {  	s30 =	sadd.s32 $0x200, s30  }
0x130: {  	[tilespmem:s30+$0xFFFFFE40] =	vst.add.f32.msk $0xffff, v1  }
0x131: {  	v1 =	vld [tilespmem:s26+$0xFFFFFFD0];
	_ =	sdelay $0x4  }
0x132: {  	v1 =	vmul.f32 v1, v0;
	_ =	sdelay $0x1  }
0x133: {  	[tilespmem:s30+$0xFFFFFE80] =	vst.add.f32.msk $0xffff, v1  }
0x134: {  	v1 =	vld [tilespmem:s26+$0xFFFFFFE0];
	_ =	sdelay $0x4  }
0x135: {  	v1 =	vmul.f32 v1, v0;
	_ =	sdelay $0x1  }
0x136: {  	[tilespmem:s30+$0xFFFFFEC0] =	vst.add.f32.msk $0xffff, v1  }
0x137: {  	v1 =	vld [tilespmem:s26+$0xFFFFFFF0];
	_ =	sdelay $0x4  }
0x138: {  	v1 =	vmul.f32 v1, v0;
	_ =	sdelay $0x1  }
0x139: {  	[tilespmem:s30+$0xFFFFFF00] =	vst.add.f32.msk $0xffff, v1  }
0x13a: {  	v1 =	vld [tilespmem:s26+$0x0];
	_ =	sdelay $0x4  }
0x13b: {  	v1 =	vmul.f32 v1, v0;
	_ =	sdelay $0x1  }
0x13c: {  	[tilespmem:s30+$0xFFFFFF40] =	vst.add.f32.msk $0xffff, v1  }
0x13d: {  	v1 =	vld [tilespmem:s26+$0x10];
	_ =	sdelay $0x4  }
0x13e: {  	v1 =	vmul.f32 v1, v0;
	_ =	sdelay $0x1  }
0x13f: {  	[tilespmem:s30+$0xFFFFFF80] =	vst.add.f32.msk $0xffff, v1  }
0x140: {  	v1 =	vld [tilespmem:s26+$0x20];
	_ =	sdelay $0x4  }
0x141: {  	v1 =	vmul.f32 v1, v0;
	_ =	sdelay $0x1  }
0x142: {  	[tilespmem:s30+$0xFFFFFFC0] =	vst.add.f32.msk $0xffff, v1  }
0x143: {  	v1 =	vld [tilespmem:s26+$0x30];
	_ =	sdelay $0x2  }
.Ltmp1:
0x144: {  	(pc) =	sbr.rel @p0 .LBB2_5-.Ltmp1, $3  }
0x145: {  	_ = 	snop  }
0x146: {  	v1 =	vmul.f32 v1, v0;
	_ =	sdelay $0x1  }
0x147: {  	s26 =	sadd.s32 $0x80, s26;
	[tilespmem:s30+$0x0] =	vst.add.f32.msk $0xffff, v1  }
0x148: {  	s0 =	sor.u32 $0x8, s31  }
0x149: {  	s2 =	smul.u32 $0x380, s0  }
0x14a: {  	s0 =	smul.u32 $0x1C00, s0;
	_ =	sdelay $0x1  }
0x14b: {  	s7 =	sadd.s32 s8, s2;
	s0 =	sshrl.u32 s0, $0x3  }
0x14c: {  	[hbm4b:s7+s22] =	stream.strided.scatter [tilespmem:s28], [sflag:$0x4], $0xC80, s25, s22, $0x38;
	[tilespmem:$0x10050] =	vst v63  }
0x14d: {  	s2 =	sadd.s32 s2, s15;
	s0 =	sadd.s32 s8, s0  }
0x14e: {  	[hbm4b:s2+s22] =	stream.strided.scatter [tilespmem:s11], [sflag:$0x4], $0xC80, s25, s22, $0x38;
	[tilespmem:$0x10050] =	vst v63  }
0x14f: {  	s31 =	sadd.s32 $0x700, s0  }
0x150: {  	[hbm4b:s31+s22] =	stream.strided.scatter [tilespmem:s21], [sflag:$0x4], $0xC80, s25, s22, $0x38;
	[tilespmem:$0x10050] =	vst v63  }
0x151: {  	s7 =	sadd.s32 $0xA80, s0  }
0x152: {  	[hbm4b:s7+s22] =	stream.strided.scatter [tilespmem:s12], [sflag:$0x4], $0xC80, s25, s22, $0x38;
	[tilespmem:$0x10050] =	vst v63  }
0x153: {  	s23 =	sadd.s32 $0x1, s23;
	s26 =	sadd.s32 $0xE00, s0  }
0x154: {  	[hbm4b:s26+s22] =	stream.strided.scatter [tilespmem:s13], [sflag:$0x4], $0xC80, s25, s22, $0x38;
	[tilespmem:$0x10050] =	vst v63  }
0x155: {  	p0 =	sne.s32 s23, $0x20;
	s30 =	sadd.s32 $0x1180, s0  }
0x156: {  	[hbm4b:s30+s22] =	stream.strided.scatter [tilespmem:s18], [sflag:$0x4], $0xC80, s25, s22, $0x38;
	[tilespmem:$0x10050] =	vst v63  }
.Ltmp2:
0x157: {  	_ = 	snop;
	(pc) =	sbr.rel @p0 .LBB2_2-.Ltmp2, $4  }
0x158: {  	s31 =	sadd.s32 $0x1500, s0  }
0x159: {  	[hbm4b:s31+s22] =	stream.strided.scatter [tilespmem:s20], [sflag:$0x4], $0xC80, s25, s22, $0x38;
	[tilespmem:$0x10050] =	vst v63  }
0x15a: {  	s0 =	sadd.s32 $0x1880, s0  }
0x15b: {  	[hbm4b:s0+s22] =	stream.strided.scatter [tilespmem:s3], [sflag:$0x4], $0xC80, s25, s22, $0x38;
	[tilespmem:$0x10050] =	vst v63  }
0x15c: {  	s0 =	simm.s32 $0x3  }
0x15d: {  	_ =	swait.ge [sflag:s0], $0xC80  }
0x15e: {  	[sflag:s0] =	ssyncset.done $0x0  }
0x15f: {  	[sflag:s0] =	ssyncadd.s32 $0xFFFFF380  }
0x160: {  	_ =	swait.ge [sflag:s0], $0xC80  }
0x161: {  	[sflag:s0] =	ssyncset.done $0x0  }
0x162: {  	[sflag:s0] =	ssyncadd.s32 $0xFFFFF380  }
0x163: {  	_ =	swait.ge [sflag:s0], $0xC80  }
0x164: {  	[sflag:s0] =	ssyncset.done $0x0  }
0x165: {  	[sflag:s0] =	ssyncadd.s32 $0xFFFFF380  }
0x166: {  	_ =	swait.ge [sflag:s0], $0xC80  }
0x167: {  	[sflag:s0] =	ssyncset.done $0x0  }
0x168: {  	[sflag:s0] =	ssyncadd.s32 $0xFFFFF380  }
0x169: {  	_ =	swait.ge [sflag:s0], $0xC80  }
0x16a: {  	[sflag:s0] =	ssyncset.done $0x0  }
0x16b: {  	[sflag:s0] =	ssyncadd.s32 $0xFFFFF380  }
0x16c: {  	_ =	swait.ge [sflag:s0], $0xC80  }
0x16d: {  	[sflag:s0] =	ssyncset.done $0x0  }
0x16e: {  	[sflag:s0] =	ssyncadd.s32 $0xFFFFF380  }
0x16f: {  	_ =	swait.ge [sflag:s0], $0xC80  }
0x170: {  	[sflag:s0] =	ssyncset.done $0x0  }
0x171: {  	[sflag:s0] =	ssyncadd.s32 $0xFFFFF380  }
0x172: {  	_ =	swait.ge [sflag:s0], $0xC80  }
0x173: {  	[sflag:s0] =	ssyncset.done $0x0  }
0x174: {  	s2 =	simm.s32 $0x4;
	[sflag:s0] =	ssyncadd.s32 $0xFFFFF380  }
0x175: {  	_ =	swait.ge [sflag:s2], $0xC80  }
0x176: {  	[sflag:s2] =	ssyncset.done $0x0  }
0x177: {  	[sflag:s2] =	ssyncadd.s32 $0xFFFFF380  }
0x178: {  	_ =	swait.ge [sflag:s2], $0xC80  }
0x179: {  	[sflag:s2] =	ssyncset.done $0x0  }
0x17a: {  	[sflag:s2] =	ssyncadd.s32 $0xFFFFF380  }
0x17b: {  	_ =	swait.ge [sflag:s2], $0xC80  }
0x17c: {  	[sflag:s2] =	ssyncset.done $0x0  }
0x17d: {  	[sflag:s2] =	ssyncadd.s32 $0xFFFFF380  }
0x17e: {  	_ =	swait.ge [sflag:s2], $0xC80  }
0x17f: {  	[sflag:s2] =	ssyncset.done $0x0  }
0x180: {  	[sflag:s2] =	ssyncadd.s32 $0xFFFFF380  }
0x181: {  	_ =	swait.ge [sflag:s2], $0xC80  }
0x182: {  	[sflag:s2] =	ssyncset.done $0x0  }
0x183: {  	[sflag:s2] =	ssyncadd.s32 $0xFFFFF380  }
0x184: {  	_ =	swait.ge [sflag:s2], $0xC80  }
0x185: {  	[sflag:s2] =	ssyncset.done $0x0  }
0x186: {  	[sflag:s2] =	ssyncadd.s32 $0xFFFFF380  }
0x187: {  	_ =	swait.ge [sflag:s2], $0xC80  }
0x188: {  	[sflag:s2] =	ssyncset.done $0x0  }
0x189: {  	[sflag:s2] =	ssyncadd.s32 $0xFFFFF380  }
0x18a: {  	_ =	swait.ge [sflag:s2], $0xC80  }
0x18b: {  	s7 =	rddreg [dreg:$0x9]  }
0x18c: {  	s31 =	rddreg [dreg:$0x8];
	s7 =	sadd.s32 $0x1, s7  }
0x18d: {  	p0 =	sne.s32 s7, s31  }
.Ltmp3:
0x18e: {  	_ = 	snop;
	(pc) =	sbr.rel @p0 .LBB2_1-.Ltmp3, $3  }
0x18f: {  	_ =	sdelay $0x1  }
0x190: {  	[sflag:s2] =	ssyncset.done $0x0  }
0x191: {  	[sflag:s2] =	ssyncadd.s32 $0xFFFFF380  }
0x192: {  	_ =	sfence.sel $0x180000  }
0x193: {  	[bflag:$0x0] =	sbarrier.arrive $0xFFFF  }
0x194: {  	_ =	strace $0x90000047  }
0x195: {  	s0 =	stileid.u32;
	[bflag:$0x2] =	sbarrier.arrive $0xFFFF  }
0x196: {  	p0 =	sne.s32 s0, $0x0;
	s0 =	rddreg [dreg:$0x2]  }
0x197: {  	s0 =	sadd.s32 @!p0 $0x100000, s0  }
0x198: {  	[sflag:s0] =	ssyncadd.tile.s32 @!p0 $0x1;
	_ =	shalt  }
.Lfunc_end2:
_tile_overlayer_lowered:
.L_overlay_start_2:
0x199: {  	(tag) =	ssettag $0x2  }
0x19a: {  	s0 =	rddreg [dreg:$0x0];
	s2 =	stileid.u32  }
0x19b: {  	s1 =	rddreg [dreg:$0x1];
	p0 =	sne.s32 s2, $0x0  }
0x19c: {  	s3 =	rddreg [dreg:$0x2];
	[bflag:$0x3] =	sbarrier.arrive $0xFFFF;
	s2 =	simm.s32 @!p0 $0x1C07  }
0x19d: {  	[timem:s3], [sflag:s2] =	dma.local @!p0 [hbm:s0], s1  }
0x19e: {  	s0 =	simm.s32 @!p0 $0x7  }
0x19f: {  	_ =	swait.ge @!p0 [sflag:s0], s1  }
0x1a0: {  	s1 =	ssub.s32 @!p0 $0x0, s1;
	[sflag:s0] =	ssyncset.done @!p0 $0x0  }
0x1a1: {  	[sflag:s0] =	ssyncadd.s32 @!p0 s1  }
0x1a2: {  	[bflag:$0x3] =	sbarrier.arrive $0xFFFF  }
0x1a3: {  	_ =	shalt  }

// kernel: sparse-core-data-format-call.cloned.1.call-start
scs
called_computation_lowered:
.L_overlay_start_0:
0x0: {  	s2 =	sld [smem:$0x3FD9]  }
0x1: {  	s3 =	sld [smem:$0x3FFE];
	_ =	sdelay $0x1  }
0x2: {  	s1 =	srdreg.scid  }
0x3: {  	s0 =	sand.u32 $0x1, s1  }
0x4: {  	s18 =	sshll.u32 s0, $0xA;
	s2 =	sadd.s32 s3, s2  }
0x5: {  	s2 =	sadd.s32 s2, s18  }
0x6: {  	[smem:$0x3FC3] =	sst s2  }
0x7: {  	_ = 	snop  }
0x8: {  	s2 =	sld [smem:$0x3FD0];
	(tm) =	ssettm $0x1  }
0x9: {  	s19 =	sld [smem:$0x3FFB];
	_ =	sdelay $0x3  }
0xa: {  	_ =	strace s19  }
0xb: {  	s3 =	sld [smem:$0x3FFC];
	_ =	sdelay $0x3  }
0xc: {  	_ =	strace s3  }
0xd: {  	s3 =	sld [smem:$0x3FFD];
	_ =	sdelay $0x3  }
0xe: {  	_ =	strace s3  }
0xf: {  	_ =	strace $0x8FFFFFFF  }
0x10: {  	s20 =	sld [smem:$0x3FDB];
	_ =	sdelay $0x1  }
0x11: {  	s4 =	simm.s32 $_scs_section_size  }
0x12: {  	s5 =	simm.s32 $_size__tile_overlayer_lowered;
	s6 =	simm.s32 $_tile_overlayer_lowered  }
0x13: {  	s23 =	simm.s32 $0x1BFF;
	s22 =	sshll.u32 s6, $0x1;
	s3 =	sadd.s32 s4, s20  }
0x14: {  	s7 =	simm.s32 $0x0;
	s21 =	sshll.u32 s5, $0x1;
	s5 =	sadd.s32 s22, s3  }
0x15: {  	[timem:s7], [sflag:s23] =	dma.local [hbm:s5], s21  }
0x16: {  	_ =	swait.ge [sflag:s23], s21  }
0x17: {  	s4 =	ssub.s32 $0x0, s21;
	[sflag:s23] =	ssyncset.done $0x0  }
0x18: {  	[sflag:s23] =	ssyncadd.s32 s4;
	_ =	sdelay $0x1  }
0x19: {  	s24 =	simm.s32 $0x1B8B  }
0x1a: {  	_ =	swait.ge [sflag:s24], $0x1  }
0x1b: {  	[sflag:s24] =	ssyncset.done $0x0  }
0x1c: {  	s26 =	simm.s32 $0x1B8E;
	s25 =	sld [smem:$0x3FFE];
	[sflag:s24] =	ssyncadd.s32 $0xFFFFFFFF  }
0x1d: {  	s27 =	simm.s32 $execute0_lowered;
	[smem:$0x3FD2] =	sst s26  }
0x1e: {  	s5 =	sshll.u32 s27, $0x1;
	_ =	strace $0x80000049;
	[dreg:$0x1] =	wrdreg $0xFFFFFFFF  }
0x1f: {  	s28 =	simm.s32 $_size_execute0_lowered;
	s3 =	sadd.s32 s3, s5;
	[dreg:$0x0] =	wrdreg $0x0  }
0x20: {  	s5 =	sshll.u32 s28, $0x1;
	[dreg:$0x2] =	wrdreg s3  }
0x21: {  	[dreg:$0x3] =	wrdreg s5  }
0x22: {  	[dreg:$0x4] =	wrdreg $0xC0  }
0x23: {  	_ =	task [dreg:s7], $0x5FFFF  }
0x24: {  	[dreg:$0x1] =	wrdreg $0xFFFFFFFF  }
0x25: {  	[dreg:$0x0] =	wrdreg $0x60  }
0x26: {  	[dreg:$0x2] =	wrdreg s25  }
0x27: {  	[dreg:$0x3] =	wrdreg s2  }
0x28: {  	[dreg:$0x4] =	wrdreg $0x9  }
0x29: {  	_ =	task.clear_ibuf [dreg:s7], $0x5FFFF;
	_ =	strace $0x90000049  }
0x2a: {  	s29 =	simm.s32 $0x9;
	_ =	strace $0x8000004B  }
0x2b: {  	_ =	swait.ge [sflag:s29], $0x1  }
0x2c: {  	[sflag:s29] =	ssyncadd.s32 $0xFFFFFFFF  }
0x2d: {  	_ =	strace $0x9000004B  }
0x2e: {  	_ =	sfence  }
0x2f: {  	s30 =	sld [smem:$0x0];
	_ =	sdelay $0x2  }
0x30: {  	s31 =	sshll.u32 s1, $0xD;
	s1 =	sshrl.u32 s1, $0x2  }
0x31: {  	s3 =	sand.u32 $0x4000, s31;
	s1 =	sadd.s32 s1, s30  }
0x32: {  	s0 =	sor.u32 s3, s0;
	s1 =	sshll.u32 s1, $0x11  }
0x33: {  	s0 =	sor.u32 s1, s0  }
0x34: {  	s0 =	sadd.s32 $0x8F2B, s0  }
0x35: {  	[sflag:s0] =	ssyncadd.remote.s32 $0x1  }
0x36: {  	_ =	sfence.sel $0xFFFF  }
0x37: {  	[dreg:$0x0] =	wrdreg $0xFFFFFFFF;
	(pc) =	sbr.abs _section_cstart, $3  }
0x38: {  	[dreg:$0x1] =	wrdreg $0xFFFFFFFF  }
0x39: {  	_ =	task.clear_ibuf [dreg:s7], $0x2FFFF;
	_ =	strace $0x9FFFFFFF  }
0x3a: {  	(tm) =	ssettm $0x7FFFFFFF  }
0x3b: {  	_ =	shalt  }
tec
execute0_lowered:
.L_overlay_start_1:
0x0: {  	(tag) =	ssettag $0x1  }
0x1: {  	s0 =	srdreg.scid  }
0x2: {  	s1 =	sshll.u32 s0, $0x4  }
0x3: {  	s0 =	stileid.u32;
	s1 =	sand.u32 $0x10, s1  }
0x4: {  	s1 =	sor.u32 s0, s1  }
0x5: {  	s6 =	rddreg [dreg:$0x0];
	s4 =	simm.s32 $0x1;
	s2 =	sshll.u32 s1, $0x7  }
0x6: {  	s7 =	simm.s32 $0x2;
	s12 =	simm.s32 $0x0;
	s1 =	ssub.s32 $0x4000, s2  }
0x7: {  	s8 =	simm.s32 $0x20000;
	s13 =	simm.s32 $0x0;
	s3 =	sand.u32 $0xF80, s1  }
0x8: {  	s9 =	simm.s32 $0x0;
	s5 =	sshrl.u32 s1, $0xC;
	p0 =	sne.s32 s3, $0x0  }
.Ltmp0:
0x9: {  	s1 =	rddreg [dreg:$0x2];
	s4 =	simm.s32 @!p0 $0x0;
	(pc) =	sbr.rel .LBB1_1-.Ltmp0, $4  }
0xa: {  	s11 =	simm.s32 $0x0;
	s3 =	rddreg [dreg:$0x1];
	s5 =	sadd.s32 s4, s5  }
0xb: {  	_ =	strace $0x8000004A;
	s4 =	simm.s32 $0x1;
	s5 =	smul.u32 $0x32, s5  }
0xc: {  	s6 =	sadd.s32 $0x1A800, s6;
	s10 =	smov.u32 s2;
	[sflag:s4] =	ssyncpa.u1 $0x0  }
0xd: {  	p0 =	por $0x0, $0x0;
	[sflag:s7] =	ssyncpa.u1 $0x0;
	s7 =	sor.u32 $0x1, s5  }
.LBB1_4:
0xe: {  	s16 =	sshll.u32 s13, $0x3;
	s17 =	sand.u32 $0x78, s13  }
0xf: {  	s30 =	sand.u32 $0x1F800, s13;
	s12 =	sshll.u32 s12, $0x11;
	s16 =	sand.u32 $0x3C00, s16  }
0x10: {  	[tilespmem:s15+$0x810 ss:$0x81] =	vst.msk $0xffff, v2;
	s31 =	sand.u32 $0x7, s13;
	s16 =	sor.u32 s17, s16;
	s17 =	sadd.s32 s3, s30  }
0x11: {  	[tilespmem:s15+$0x1020 ss:$0x81] =	vst.msk $0xffff, v0;
	s13 =	sshll.u32 s31, $0x12;
	s12 =	sadd.s32 s12, s17;
	s16 =	sshrl.u32 s16, $0x3  }
0x12: {  	[tilespmem:s15+$0x0 ss:$0x81] =	vst.msk $0xffff, v1;
	s13 =	sor.u32 $0x400, s13;
	s12 =	sadd.s32 s16, s12  }
0x13: {  	[hbm4b:s12+s13] =	stream.strided.scatter [tilespmem:s14], [sflag:$0x2], $0x2000, s8, s13, $0x20;
	[tilespmem:$0x8080] =	vst v63  }
.LBB1_5:
0x14: {  	s14 =	sadd.s32 $0x1, s9  }
0x15: {  	s12 =	sadd.s32 $0x1000, s10;
	s16 =	smov.u32 s10;
	p2 =	sgt.s32 s14, $0x31  }
0x16: {  	s16 =	smov.u32 @p2 s12  }
0x17: {  	s14 =	simm.s32 @p2 $0x0;
	p2 =	sgt.s32 s16, $0x3FFF  }
0x18: {  	s16 =	smov.u32 @p2 s2;
	p2 =	sne.s32 s11, s7  }
.Ltmp1:
0x19: {  	p1 =	slt.u32 s11, $0x2;
	(pc) =	sbr.rel @!p2 .LBB1_6-.Ltmp1, $4  }
0x1a: {  	s15 =	simm.s32 @!p1 $0x2  }
0x1b: {  	s13 =	smov.u32 s10;
	p0 =	por !p0, !p0;
	_ =	swait.ge @!p1 [sflag:s15], $0x2000  }
0x1c: {  	s12 =	smov.u32 s9;
	[sflag:s15] =	ssyncset.done @!p1 $0x0;
	s9 =	smov.u32 s14  }
0x1d: {  	s11 =	sadd.s32 $0x1, s11;
	[sflag:s15] =	ssyncadd.s32 @!p1 $0xFFFFE000;
	s10 =	smov.u32 s16  }
.LBB1_1:
0x1e: {  	p1 =	sge.u32 s11, s5  }
0x1f: {  	s14 =	sand.u32 @!p1 $0x1FFFFFF, s9  }
0x20: {  	s15 =	smulhi.u32 @!p1 $0x4924925, s14;
	_ =	sdelay $0x1  }
0x21: {  	s15 =	smul.u32 @!p1 $0x38, s15  }
0x22: {  	s16 =	sxor.u32 @!p1 $0xFFFFFFFF, s11;
	s17 =	smul.u32 @!p1 $0x380, s10  }
0x23: {  	s31 =	sadd.s32 $0xFFFFFFFF, s11;
	s16 =	sshll.u32 @!p1 s16, $0xD;
	s14 =	ssub.s32 @!p1 s14, s15  }
0x24: {  	s15 =	sand.u32 @!p1 $0x2000, s16;
	s16 =	sadd.s32 @!p1 s6, s17;
	s14 =	sshll.u32 @!p1 s14, $0x4  }
0x25: {  	s17 =	simm.s32 @!p1 $0x1C00;
	s14 =	sadd.s32 @!p1 s14, s16;
	s16 =	simm.s32 @!p1 $0x40  }
0x26: {  	[tilespmem:s15], [sflag:$0x1] =	stream.strided.gather @!p1 [hbm4b:s14+s16], $0x2000, s17, s16, $0x38;
	[tilespmem:$0x8080] =	vst v63  }
0x27: {  	p1 =	sge.u32 s31, s5  }
.Ltmp2:
0x28: {  	_ = 	snop;
	(pc) =	sbr.rel @p1 .LBB1_5-.Ltmp2, $1  }
0x29: {  	_ =	sdelay $0x3  }
0x2a: {  	s14 =	simm.s32 $0x1  }
0x2b: {  	_ =	swait.ge [sflag:s4], $0x2000;
	s14 =	simm.s32 @!p0 $0x0  }
0x2c: {  	[sflag:s4] =	ssyncset.done $0x0;
	s15 =	sshll.u32 s14, $0xD  }
0x2d: {  	[sflag:s4] =	ssyncadd.s32 $0xFFFFE000;
	s18 =	sor.u32 $0x20, s15  }
0x2e: {  	s14 =	smul.u32 $0x8100, s14;
	v3 =	vld [tilespmem:s18+$0x10]  }
0x2f: {  	s30 =	sand.u32 $0x1, s11;
	v2 =	vld [tilespmem:s18+$0xFFFFFFF0]  }
0x30: {  	s15 =	smul.u32 $0x8100, s30;
	s14 =	sshrl.u32 s14, $0x2;
	v0 =	vld [tilespmem:s18+$0x0]  }
0x31: {  	v1 =	vld [tilespmem:s18+$0xFFFFFFE0];
	s16 =	sor.u32 $0x4000, s14  }
0x32: {  	s31 =	sshrl.u32 s15, $0x2;
	s15 =	sadd.s32 $0x0, s16  }
0x33: {  	s17 =	simm.s32 $0x4;
	s18 =	sadd.s32 $0x40, s18;
	s14 =	sor.u32 $0x4000, s31;
	[tilespmem:s15+$0x1830 ss:$0x81] =	vst.msk $0xffff, v3  }
.LBB1_3:
0x34: {  	v3 =	vld [tilespmem:s18+$0x10];
	p1 =	sne.s32 s17, $0x1FC;
	[tilespmem:s15+$0x810 ss:$0x81] =	vst.msk $0xffff, v2;
	s19 =	smov.u32 s17;
	s17 =	sadd.s32 $0x4, s17  }
.Ltmp3:
0x35: {  	v2 =	vld [tilespmem:s18+$0xFFFFFFF0];
	[tilespmem:s15+$0x1020 ss:$0x81] =	vst.msk $0xffff, v0;
	(pc) =	sbr.rel @p1 .LBB1_3-.Ltmp3, $4  }
0x36: {  	v0 =	vld [tilespmem:s18+$0x0];
	[tilespmem:s15+$0x0 ss:$0x81] =	vst.msk $0xffff, v1  }
0x37: {  	s15 =	sshra.s32 s19, $0x2;
	v1 =	vld [tilespmem:s18+$0xFFFFFFE0]  }
0x38: {  	s15 =	sadd.s32 s15, s16  }
0x39: {  	s18 =	sadd.s32 $0x40, s18;
	[tilespmem:s15+$0x1830 ss:$0x81] =	vst.msk $0xffff, v3  }
.Ltmp4:
0x3a: {  	_ = 	snop;
	(pc) =	sbr.rel .LBB1_4-.Ltmp4, $1  }
0x3b: {  	_ =	sdelay $0x3  }
.LBB1_6:
0x3c: {  	_ =	sfence.sel $0x180000  }
0x3d: {  	s2 =	simm.s32 $0x1;
	[bflag:$0x0] =	sbarrier.arrive $0xFFFF  }
0x3e: {  	s31 =	simm.s32 $0x2;
	[sflag:s2] =	ssyncpa.u1 $0x1  }
0x3f: {  	[sflag:s31] =	ssyncpa.u1 $0x1  }
0x40: {  	p0 =	sne.s32 s0, $0x0;
	_ =	strace $0x9000004A  }
0x41: {  	s0 =	sadd.s32 @!p0 $0x100000, s1;
	[bflag:$0x2] =	sbarrier.arrive $0xFFFF  }
0x42: {  	[sflag:s0] =	ssyncadd.tile.s32 @!p0 $0x1;
	_ =	shalt  }
.Lfunc_end1:
_tile_overlayer_lowered:
.L_overlay_start_2:
0x43: {  	(tag) =	ssettag $0x2  }
0x44: {  	s0 =	rddreg [dreg:$0x0];
	s2 =	stileid.u32  }
0x45: {  	s1 =	rddreg [dreg:$0x1];
	p0 =	sne.s32 s2, $0x0  }
0x46: {  	s3 =	rddreg [dreg:$0x2];
	[bflag:$0x3] =	sbarrier.arrive $0xFFFF;
	s2 =	simm.s32 @!p0 $0x1C01  }
0x47: {  	[timem:s3], [sflag:s2] =	dma.local @!p0 [hbm:s0], s1  }
0x48: {  	s0 =	simm.s32 @!p0 $0x1  }
0x49: {  	_ =	swait.ge @!p0 [sflag:s0], s1  }
0x4a: {  	s1 =	ssub.s32 @!p0 $0x0, s1;
	[sflag:s0] =	ssyncset.done @!p0 $0x0  }
0x4b: {  	[sflag:s0] =	ssyncadd.s32 @!p0 s1  }
0x4c: {  	[bflag:$0x3] =	sbarrier.arrive $0xFFFF  }
0x4d: {  	_ =	shalt  }

</sc_bundles>
